<compile_context>
chip_gen: v7x
topology: tpu7x:2x2x1
jax: 0.10.2.dev20260603
libtpu: 0.0.44.dev20260713+nightly
codegen_flags: <defaults>
</compile_context>

<pallas_src>
import functools

import jax
import jax.numpy as jnp
from jax import lax
from jax.experimental import pallas as pl
from jax.experimental.pallas import tpu as pltpu
from jax.experimental.pallas import tpu_sc as plsc

N_NODES = 10000
N_EDGES = 160000
D = 256
DH = 128
N_GRAPHS = 64
N_CLASSES = 40
DEPTH = 3
EPS = 1e-5

ROWS_BLK = 2000
N_BLKS = N_NODES // ROWS_BLK

NS = 16
EDGES_PER_SUB = N_EDGES // NS
CHUNK = 80
N_CHUNKS = EDGES_PER_SUB // CHUNK
ROWS_PER_SUB = 624
ROWS_TAIL = N_NODES - NS * ROWS_PER_SUB



def _enc_compute(h, wrel_ref, wroot_ref, b_ref,
                 t0_ref, t1_ref, r0_ref, r1_ref, apply_relu):
    if apply_relu:
        h = jnp.maximum(h, 0.0)
    t = jnp.dot(h, wrel_ref[...], preferred_element_type=jnp.float32)
    r = jnp.dot(h, wroot_ref[...], preferred_element_type=jnp.float32) + b_ref[...]
    t0_ref[...] = t[:, :DH]
    t1_ref[...] = t[:, DH:]
    r0_ref[...] = r[:, :DH]
    r1_ref[...] = r[:, DH:]


_half_out = [jax.ShapeDtypeStruct((N_NODES, DH), jnp.float32)] * 4
_half_spec = pl.BlockSpec((ROWS_BLK, DH), lambda i: (i, 0))
_w_spec = pl.BlockSpec((D, D), lambda i: (0, 0))
_b_spec = pl.BlockSpec((1, D), lambda i: (0, 0))


def _enc_matmul_single(h, wrel, wroot, b):
    def body(h_ref, wrel_ref, wroot_ref, b_ref, *outs):
        _enc_compute(h_ref[...], wrel_ref, wroot_ref, b_ref, *outs,
                     apply_relu=False)
    return pl.pallas_call(
        body,
        grid=(N_BLKS,),
        in_specs=[pl.BlockSpec((ROWS_BLK, D), lambda i: (i, 0)),
                  _w_spec, _w_spec, _b_spec],
        out_specs=[_half_spec] * 4,
        out_shape=_half_out,
    )(h, wrel, wroot, b)


def _enc_matmul_halves(h0, h1, wrel, wroot, b):
    def body(h0_ref, h1_ref, wrel_ref, wroot_ref, b_ref, *outs):
        h = jnp.concatenate([h0_ref[...], h1_ref[...]], axis=1)
        _enc_compute(h, wrel_ref, wroot_ref, b_ref, *outs, apply_relu=True)
    return pl.pallas_call(
        body,
        grid=(N_BLKS,),
        in_specs=[_half_spec, _half_spec, _w_spec, _w_spec, _b_spec],
        out_specs=[_half_spec] * 4,
        out_shape=_half_out,
    )(h0, h1, wrel, wroot, b)



_sc_mesh = plsc.VectorSubcoreMesh(core_axis_name="c", subcore_axis_name="s")


@functools.partial(
    pl.kernel,
    mesh=_sc_mesh,
    out_type=[jax.ShapeDtypeStruct((N_NODES, DH), jnp.float32),
              jax.ShapeDtypeStruct((N_NODES, DH), jnp.float32)],
    scratch_types=[
        pltpu.VMEM((EDGES_PER_SUB,), jnp.int32),
        pltpu.VMEM((CHUNK,), jnp.int32),
        pltpu.VMEM((CHUNK,), jnp.int32),
        pltpu.VMEM((CHUNK,), jnp.int32),
        pltpu.VMEM((CHUNK, DH), jnp.float32),
        pltpu.VMEM((CHUNK, DH), jnp.float32),
        pltpu.VMEM((CHUNK, DH), jnp.float32),
        pltpu.VMEM_SHARED((N_NODES, DH), jnp.float32),
        pltpu.SemaphoreType.DMA,
        pltpu.SemaphoreType.DMA,
        pltpu.SemaphoreType.DMA,
        pltpu.SemaphoreType.DMA,
        pltpu.SemaphoreType.DMA,
        pltpu.SemaphoreType.DMA,
    ],
)
def _sc_aggregate(t0_hbm, t1_hbm, r0_hbm, r1_hbm, src_hbm, dst_hbm,
                  out0_hbm, out1_hbm, idx_src, d0, d1, d2, rb0, rb1, rb2,
                  shared, sg0, sg1, sg2, si0, si1, si2):
    c = lax.axis_index("c")
    s = lax.axis_index("s")
    row0 = s * ROWS_PER_SUB

    tail0 = NS * ROWS_PER_SUB

    @pl.when(c == 0)
    def _():
        pltpu.async_copy(r0_hbm.at[pl.ds(row0, ROWS_PER_SUB)],
                         shared.at[pl.ds(row0, ROWS_PER_SUB)], sg0)

        @pl.when(s == NS - 1)
        def _():
            pltpu.async_copy(r0_hbm.at[pl.ds(tail0, ROWS_TAIL)],
                             shared.at[pl.ds(tail0, ROWS_TAIL)], sg1)

    @pl.when(c == 1)
    def _():
        pltpu.async_copy(r1_hbm.at[pl.ds(row0, ROWS_PER_SUB)],
                         shared.at[pl.ds(row0, ROWS_PER_SUB)], sg0)

        @pl.when(s == NS - 1)
        def _():
            pltpu.async_copy(r1_hbm.at[pl.ds(tail0, ROWS_TAIL)],
                             shared.at[pl.ds(tail0, ROWS_TAIL)], sg1)

    pltpu.sync_copy(src_hbm.at[s], idx_src)
    pltpu.make_async_copy(r0_hbm.at[pl.ds(row0, ROWS_PER_SUB)],
                          shared.at[pl.ds(row0, ROWS_PER_SUB)], sg0).wait()

    @pl.when(s == NS - 1)
    def _():
        pltpu.make_async_copy(r0_hbm.at[pl.ds(tail0, ROWS_TAIL)],
                              shared.at[pl.ds(tail0, ROWS_TAIL)], sg1).wait()

    plsc.subcore_barrier()

    dbufs = (d0, d1, d2)
    rbufs = (rb0, rb1, rb2)
    gsems = (sg0, sg1, sg2)
    isems = (si0, si1, si2)

    def start_gather(ch, buf, sem):
        sl = idx_src.at[pl.ds(ch * CHUNK, CHUNK)]

        @pl.when(c == 0)
        def _():
            pltpu.async_copy(t0_hbm.at[sl], buf, sem)

        @pl.when(c == 1)
        def _():
            pltpu.async_copy(t1_hbm.at[sl], buf, sem)

    def wait_gather(ch, buf, sem):
        sl = idx_src.at[pl.ds(ch * CHUNK, CHUNK)]
        pltpu.make_async_copy(t0_hbm.at[sl], buf, sem).wait()

    def start_didx(ch, buf, sem):
        sl = dst_hbm.at[pl.ds(s * EDGES_PER_SUB + ch * CHUNK, CHUNK)]
        pltpu.async_copy(sl, buf, sem)

    def wait_didx(ch, buf, sem):
        sl = dst_hbm.at[pl.ds(s * EDGES_PER_SUB + ch * CHUNK, CHUNK)]
        pltpu.make_async_copy(sl, buf, sem).wait()

    for p in range(3):
        start_didx(p, dbufs[p], isems[p])
        start_gather(p, rbufs[p], gsems[p])

    def step(ch, b, prefetch):
        wait_gather(ch, rbufs[b], gsems[b])
        wait_didx(ch, dbufs[b], isems[b])
        pltpu.sync_copy(rbufs[b], shared.at[dbufs[b]], add=True)
        if prefetch:
            @pl.when(ch + 3 < N_CHUNKS)
            def _():
                start_didx(ch + 3, dbufs[b], isems[b])
                start_gather(ch + 3, rbufs[b], gsems[b])

    def body(g, carry):
        ch0 = g * 3
        step(ch0, 0, True)
        step(ch0 + 1, 1, True)
        step(ch0 + 2, 2, True)
        return carry

    lax.fori_loop(0, N_CHUNKS // 3, body, 0)

    step(N_CHUNKS - 2, (N_CHUNKS - 2) % 3, False)
    step(N_CHUNKS - 1, (N_CHUNKS - 1) % 3, False)

    plsc.subcore_barrier()

    @pl.when(c == 0)
    def _():
        pltpu.sync_copy(shared.at[pl.ds(row0, ROWS_PER_SUB)],
                        out0_hbm.at[pl.ds(row0, ROWS_PER_SUB)])

        @pl.when(s == NS - 1)
        def _():
            pltpu.sync_copy(shared.at[pl.ds(tail0, ROWS_TAIL)],
                            out0_hbm.at[pl.ds(tail0, ROWS_TAIL)])

    @pl.when(c == 1)
    def _():
        pltpu.sync_copy(shared.at[pl.ds(row0, ROWS_PER_SUB)],
                        out1_hbm.at[pl.ds(row0, ROWS_PER_SUB)])

        @pl.when(s == NS - 1)
        def _():
            pltpu.sync_copy(shared.at[pl.ds(tail0, ROWS_TAIL)],
                            out1_hbm.at[pl.ds(tail0, ROWS_TAIL)])



def _pool_mlp_body(a0_ref, a1_ref, batch_ref,
                   w1_ref, b1_ref, g1_ref, be1_ref,
                   w2_ref, b2_ref, g2_ref, be2_ref,
                   out_ref, pooled_acc, counts_acc):
    i = pl.program_id(0)

    @pl.when(i == 0)
    def _():
        pooled_acc[...] = jnp.zeros_like(pooled_acc)
        counts_acc[...] = jnp.zeros_like(counts_acc)

    h = jnp.maximum(
        jnp.concatenate([a0_ref[...], a1_ref[...]], axis=1), 0.0)
    b_ids = batch_ref[0, 0, :]
    gids = lax.broadcasted_iota(jnp.int32, (ROWS_BLK, N_GRAPHS), 1)
    m = (b_ids[:, None] == gids).astype(jnp.float32)
    pooled_acc[...] += lax.dot_general(
        m, h, (((0,), (0,)), ((), ())), precision=lax.Precision.HIGHEST,
        preferred_element_type=jnp.float32)
    counts_acc[...] += lax.dot_general(
        m, jnp.ones((ROWS_BLK, D), jnp.float32),
        (((0,), (0,)), ((), ())), precision=lax.Precision.HIGHEST,
        preferred_element_type=jnp.float32)

    @pl.when(i == N_BLKS - 1)
    def _():
        pooled = pooled_acc[...] / jnp.maximum(counts_acc[...], 1.0)
        h1 = jnp.maximum(
            jnp.dot(pooled, w1_ref[...], preferred_element_type=jnp.float32)
            + b1_ref[...], 0.0)
        mu1 = jnp.mean(h1, axis=0, keepdims=True)
        var1 = jnp.mean((h1 - mu1) ** 2, axis=0, keepdims=True)
        h1n = (h1 - mu1) / jnp.sqrt(var1 + EPS) * g1_ref[...] + be1_ref[...]
        h2 = jnp.maximum(
            jnp.dot(h1n, w2_ref[...], preferred_element_type=jnp.float32)
            + b2_ref[...], 0.0)
        mu2 = jnp.mean(h2, axis=0, keepdims=True)
        var2 = jnp.mean((h2 - mu2) ** 2, axis=0, keepdims=True)
        h2n = (h2 - mu2) / jnp.sqrt(var2 + EPS) * g2_ref[...] + be2_ref[...]
        mx = jnp.max(h2n, axis=1, keepdims=True)
        lse = jnp.log(jnp.sum(jnp.exp(h2n - mx), axis=1, keepdims=True))
        out_ref[...] = h2n - mx - lse


def _pool_mlp(a0, a1, batch3, w1, b1, g1, be1, w2, b2, g2, be2):
    vec_d = pl.BlockSpec((1, D), lambda i: (0, 0))
    vec_c = pl.BlockSpec((1, N_CLASSES), lambda i: (0, 0))
    return pl.pallas_call(
        _pool_mlp_body,
        grid=(N_BLKS,),
        in_specs=[
            _half_spec, _half_spec,
            pl.BlockSpec((1, 1, ROWS_BLK), lambda i: (i, 0, 0)),
            pl.BlockSpec((D, D), lambda i: (0, 0)), vec_d, vec_d, vec_d,
            pl.BlockSpec((D, N_CLASSES), lambda i: (0, 0)), vec_c, vec_c, vec_c,
        ],
        out_specs=pl.BlockSpec((N_GRAPHS, N_CLASSES), lambda i: (0, 0)),
        out_shape=jax.ShapeDtypeStruct((N_GRAPHS, N_CLASSES), jnp.float32),
        scratch_shapes=[pltpu.VMEM((N_GRAPHS, D), jnp.float32),
                        pltpu.VMEM((N_GRAPHS, D), jnp.float32)],
    )(a0, a1, batch3, w1, b1, g1, be1, w2, b2, g2, be2)



def kernel(x, edge_index, batch, enc_W_root, enc_W_rel, enc_b,
           mlp_W1, mlp_b1, mlp_g1, mlp_be1,
           mlp_W2, mlp_b2, mlp_g2, mlp_be2):
    src = edge_index[0].reshape(NS, EDGES_PER_SUB)
    dst = edge_index[1]
    batch3 = batch.reshape(N_BLKS, 1, ROWS_BLK)

    h0 = h1 = None
    for i in range(DEPTH):
        wrel = enc_W_rel[i]
        wroot = enc_W_root[i]
        b = enc_b[i].reshape(1, D)
        if i == 0:
            t0, t1, r0, r1 = _enc_matmul_single(x, wrel, wroot, b)
        else:
            t0, t1, r0, r1 = _enc_matmul_halves(h0, h1, wrel, wroot, b)
        h0, h1 = _sc_aggregate(t0, t1, r0, r1, src, dst)

    return _pool_mlp(
        h0, h1, batch3,
        mlp_W1, mlp_b1.reshape(1, D),
        mlp_g1.reshape(1, D), mlp_be1.reshape(1, D),
        mlp_W2, mlp_b2.reshape(1, N_CLASSES), mlp_g2.reshape(1, N_CLASSES),
        mlp_be2.reshape(1, N_CLASSES))

# --- scband reference (transcript-rebuilt; emitter-appended) ---
"""Pipeline reference for scband-classifier-25572235280895 (READ-ONLY COPY).

The authoritative reference and input builder live on the scoring server;
editing this copy changes nothing except your own understanding.
"""

import jax, jax.numpy as jnp
import numpy as np

N_NODES = 10000
N_EDGES = 160000
D = 256
N_GRAPHS = 64
N_CLASSES = 40
DEPTH = 3
EPS = 1e-5


def setup_inputs(seed: int = 0) -> dict:
    key = jax.random.key(seed)
    ks = jax.random.split(key, 16)
    x = jax.random.normal(ks[0], (N_NODES, D), dtype=jnp.float32)
    edge_index = jax.random.randint(ks[1], (2, N_EDGES), 0, N_NODES, dtype=jnp.int32)
    batch = jnp.sort(jax.random.randint(ks[2], (N_NODES,), 0, N_GRAPHS, dtype=jnp.int32))
    s = 1.0 / np.sqrt(D)
    enc_W_root = jax.random.normal(ks[3], (DEPTH, D, D), dtype=jnp.float32) * s
    enc_W_rel = jax.random.normal(ks[4], (DEPTH, D, D), dtype=jnp.float32) * s
    enc_b = jax.random.normal(ks[5], (DEPTH, D), dtype=jnp.float32) * 0.01
    mlp_W1 = jax.random.normal(ks[6], (D, D), dtype=jnp.float32) * s
    mlp_b1 = jnp.zeros((D,), dtype=jnp.float32)
    mlp_g1 = jnp.ones((D,), dtype=jnp.float32)
    mlp_be1 = jnp.zeros((D,), dtype=jnp.float32)
    mlp_W2 = jax.random.normal(ks[7], (D, N_CLASSES), dtype=jnp.float32) * s
    mlp_b2 = jnp.zeros((N_CLASSES,), dtype=jnp.float32)
    mlp_g2 = jnp.ones((N_CLASSES,), dtype=jnp.float32)
    mlp_be2 = jnp.zeros((N_CLASSES,), dtype=jnp.float32)
    return {
        "x": x, "edge_index": edge_index, "batch": batch,
        "enc_W_root": enc_W_root, "enc_W_rel": enc_W_rel, "enc_b": enc_b,
        "mlp_W1": mlp_W1, "mlp_b1": mlp_b1, "mlp_g1": mlp_g1, "mlp_be1": mlp_be1,
        "mlp_W2": mlp_W2, "mlp_b2": mlp_b2, "mlp_g2": mlp_g2, "mlp_be2": mlp_be2,
    }


def _bn(h, gamma, beta):
    mu = jnp.mean(h, axis=0, keepdims=True)
    var = jnp.var(h, axis=0, keepdims=True)
    return (h - mu) / jnp.sqrt(var + EPS) * gamma + beta


def reference(x, edge_index, batch, enc_W_root, enc_W_rel, enc_b,
              mlp_W1, mlp_b1, mlp_g1, mlp_be1,
              mlp_W2, mlp_b2, mlp_g2, mlp_be2):
    src = edge_index[0]
    dst = edge_index[1]
    h = x
    # Encoder: depth stacked NNConv-style message passing layers with ReLU
    for i in range(DEPTH):
        msg = jnp.take(h, src, axis=0) @ enc_W_rel[i]
        agg = jax.ops.segment_sum(msg, dst, num_segments=N_NODES)
        h = jax.nn.relu(h @ enc_W_root[i] + agg + enc_b[i])
    # global_mean_pool over graph ids in `batch`
    sums = jax.ops.segment_sum(h, batch, num_segments=N_GRAPHS)
    counts = jax.ops.segment_sum(jnp.ones((N_NODES, 1), dtype=h.dtype), batch, num_segments=N_GRAPHS)
    pooled = sums / jnp.maximum(counts, 1.0)
    # MLP: (Linear -> ReLU -> BatchNorm1d) x 2, then log_softmax
    h1 = jax.nn.relu(pooled @ mlp_W1 + mlp_b1)
    h1 = _bn(h1, mlp_g1, mlp_be1)
    h2 = jax.nn.relu(h1 @ mlp_W2 + mlp_b2)
    h2 = _bn(h2, mlp_g2, mlp_be2)
    return jax.nn.log_softmax(h2, axis=1)

if __name__ == "__main__":
    import jax
    _d = setup_inputs()
    print(jax.jit(kernel)(*tuple(_d.values())))

</pallas_src>

<mosaic_0001>
#map = affine_map<(d0, d1) -> (0, 0)>
#map1 = affine_map<(d0, d1) -> (0)>
module attributes {stable_mosaic.version = 14 : i64} {
  func.func @_sc_aggregate(%arg0: i32, %arg1: i32, %arg2: memref<10000x128xf32, #tpu.memory_space<hbm>>, %arg3: memref<10000x128xf32, #tpu.memory_space<hbm>>, %arg4: memref<10000x128xf32, #tpu.memory_space<hbm>>, %arg5: memref<10000x128xf32, #tpu.memory_space<hbm>>, %arg6: memref<16x10000xi32, #tpu.memory_space<hbm>>, %arg7: memref<160000xi32, #tpu.memory_space<hbm>>, %arg8: memref<10000x128xf32, #tpu.memory_space<hbm>>, %arg9: memref<10000x128xf32, #tpu.memory_space<hbm>>, %arg10: memref<10000xi32, #tpu.memory_space<vmem>>, %arg11: memref<80xi32, #tpu.memory_space<vmem>>, %arg12: memref<80xi32, #tpu.memory_space<vmem>>, %arg13: memref<80xi32, #tpu.memory_space<vmem>>, %arg14: memref<80x128xf32, #tpu.memory_space<vmem>>, %arg15: memref<80x128xf32, #tpu.memory_space<vmem>>, %arg16: memref<80x128xf32, #tpu.memory_space<vmem>>, %arg17: memref<10000x128xf32, #tpu.memory_space<vmem_shared>>, %arg18: memref<!tpu.dma_semaphore, #tpu.memory_space<semaphore_mem>>, %arg19: memref<!tpu.dma_semaphore, #tpu.memory_space<semaphore_mem>>, %arg20: memref<!tpu.dma_semaphore, #tpu.memory_space<semaphore_mem>>, %arg21: memref<!tpu.dma_semaphore, #tpu.memory_space<semaphore_mem>>, %arg22: memref<!tpu.dma_semaphore, #tpu.memory_space<semaphore_mem>>, %arg23: memref<!tpu.dma_semaphore, #tpu.memory_space<semaphore_mem>>) attributes {dimension_semantics = [#tpu.dimension_semantics<core_parallel>, #tpu.dimension_semantics<subcore_parallel>], iteration_bounds = array<i64: 2, 16>, scalar_prefetch = 0 : i64, scratch_operands = 14 : i64, tpu.core_type = #tpu.core_type<sc_vector_subcore>, window_params = [{transform_indices = #map}, {transform_indices = #map}, {transform_indices = #map}, {transform_indices = #map}, {transform_indices = #map}, {transform_indices = #map1}, {transform_indices = #map}, {transform_indices = #map}]} {
    %mul3A = arith.constant 624 : i32
    %mul3A_0 = arith.muli %arg1, %mul3A : i32
    %eq3A = arith.constant 0 : i32
    %eq3A_1 = arith.cmpi eq, %arg0, %eq3A : i32
    %convert_element_type3A = arith.extui %eq3A_1 : i1 to i32
    %cond3A = arith.constant 0 : i32
    %cond3A_2 = arith.cmpi ne, %convert_element_type3A, %cond3A : i32
    scf.if %cond3A_2 {
      %dma_start3A_100 = arith.constant 0 : i32
      %dma_start3A_101 = tpu.memref_slice %arg17[%mul3A_0, %dma_start3A_100] : memref<10000x128xf32, #tpu.memory_space<vmem_shared>> -> memref<624x128xf32, #tpu.memory_space<vmem_shared>>
      %dma_start3A_102 = arith.constant 0 : i32
      %dma_start3A_103 = tpu.memref_slice %arg4[%mul3A_0, %dma_start3A_102] : memref<10000x128xf32, #tpu.memory_space<hbm>> -> memref<624x128xf32, #tpu.memory_space<hbm>>
      tpu.enqueue_dma source(%dma_start3A_103 : memref<624x128xf32, #tpu.memory_space<hbm>>) target(%dma_start3A_101 : memref<624x128xf32, #tpu.memory_space<vmem_shared>>) target_semaphore(%arg18 : memref<!tpu.dma_semaphore, #tpu.memory_space<semaphore_mem>>)
      %eq3A_104 = arith.constant 15 : i32
      %eq3A_105 = arith.cmpi eq, %arg1, %eq3A_104 : i32
      %convert_element_type3A_106 = arith.extui %eq3A_105 : i1 to i32
      %cond3A_107 = arith.constant 0 : i32
      %cond3A_108 = arith.cmpi ne, %convert_element_type3A_106, %cond3A_107 : i32
      scf.if %cond3A_108 {
        %dma_start3A_109 = arith.constant 9984 : i32
        %dma_start3A_110 = arith.constant 0 : i32
        %dma_start3A_111 = tpu.memref_slice %arg17[%dma_start3A_109, %dma_start3A_110] : memref<10000x128xf32, #tpu.memory_space<vmem_shared>> -> memref<16x128xf32, #tpu.memory_space<vmem_shared>>
        %dma_start3A_112 = arith.constant 9984 : i32
        %dma_start3A_113 = arith.constant 0 : i32
        %dma_start3A_114 = tpu.memref_slice %arg4[%dma_start3A_112, %dma_start3A_113] : memref<10000x128xf32, #tpu.memory_space<hbm>> -> memref<16x128xf32, #tpu.memory_space<hbm>>
        tpu.enqueue_dma source(%dma_start3A_114 : memref<16x128xf32, #tpu.memory_space<hbm>>) target(%dma_start3A_111 : memref<16x128xf32, #tpu.memory_space<vmem_shared>>) target_semaphore(%arg19 : memref<!tpu.dma_semaphore, #tpu.memory_space<semaphore_mem>>)
      } else {
      }
    } else {
    }
    %eq3A_3 = arith.constant 1 : i32
    %eq3A_4 = arith.cmpi eq, %arg0, %eq3A_3 : i32
    %convert_element_type3A_5 = arith.extui %eq3A_4 : i1 to i32
    %cond3A_6 = arith.constant 0 : i32
    %cond3A_7 = arith.cmpi ne, %convert_element_type3A_5, %cond3A_6 : i32
    scf.if %cond3A_7 {
      %dma_start3A_100 = arith.constant 0 : i32
      %dma_start3A_101 = tpu.memref_slice %arg17[%mul3A_0, %dma_start3A_100] : memref<10000x128xf32, #tpu.memory_space<vmem_shared>> -> memref<624x128xf32, #tpu.memory_space<vmem_shared>>
      %dma_start3A_102 = arith.constant 0 : i32
      %dma_start3A_103 = tpu.memref_slice %arg5[%mul3A_0, %dma_start3A_102] : memref<10000x128xf32, #tpu.memory_space<hbm>> -> memref<624x128xf32, #tpu.memory_space<hbm>>
      tpu.enqueue_dma source(%dma_start3A_103 : memref<624x128xf32, #tpu.memory_space<hbm>>) target(%dma_start3A_101 : memref<624x128xf32, #tpu.memory_space<vmem_shared>>) target_semaphore(%arg18 : memref<!tpu.dma_semaphore, #tpu.memory_space<semaphore_mem>>)
      %eq3A_104 = arith.constant 15 : i32
      %eq3A_105 = arith.cmpi eq, %arg1, %eq3A_104 : i32
      %convert_element_type3A_106 = arith.extui %eq3A_105 : i1 to i32
      %cond3A_107 = arith.constant 0 : i32
      %cond3A_108 = arith.cmpi ne, %convert_element_type3A_106, %cond3A_107 : i32
      scf.if %cond3A_108 {
        %dma_start3A_109 = arith.constant 9984 : i32
        %dma_start3A_110 = arith.constant 0 : i32
        %dma_start3A_111 = tpu.memref_slice %arg17[%dma_start3A_109, %dma_start3A_110] : memref<10000x128xf32, #tpu.memory_space<vmem_shared>> -> memref<16x128xf32, #tpu.memory_space<vmem_shared>>
        %dma_start3A_112 = arith.constant 9984 : i32
        %dma_start3A_113 = arith.constant 0 : i32
        %dma_start3A_114 = tpu.memref_slice %arg5[%dma_start3A_112, %dma_start3A_113] : memref<10000x128xf32, #tpu.memory_space<hbm>> -> memref<16x128xf32, #tpu.memory_space<hbm>>
        tpu.enqueue_dma source(%dma_start3A_114 : memref<16x128xf32, #tpu.memory_space<hbm>>) target(%dma_start3A_111 : memref<16x128xf32, #tpu.memory_space<vmem_shared>>) target_semaphore(%arg19 : memref<!tpu.dma_semaphore, #tpu.memory_space<semaphore_mem>>)
      } else {
      }
    } else {
    }
    "tpu.region"() ({
      %run_scoped3A = tpu.sem_alloc : memref<!tpu.dma_semaphore, #tpu.memory_space<semaphore_mem>>
      %dma_start3A_100 = arith.constant 0 : i32
      %dma_start3A_101 = tpu.memref_slice %arg6[%arg1, %dma_start3A_100] : memref<16x10000xi32, #tpu.memory_space<hbm>> -> memref<1x10000xi32, #tpu.memory_space<hbm>>
      %dma_start3A_102 = tpu.memref_squeeze %dma_start3A_101 : memref<1x10000xi32, #tpu.memory_space<hbm>> -> memref<10000xi32, #tpu.memory_space<hbm>>
      %dma_start3A_103 = arith.constant 0 : i32
      %dma_start3A_104 = tpu.memref_slice %arg6[%arg1, %dma_start3A_103] : memref<16x10000xi32, #tpu.memory_space<hbm>> -> memref<1x10000xi32, #tpu.memory_space<hbm>>
      %dma_start3A_105 = tpu.memref_squeeze %dma_start3A_104 : memref<1x10000xi32, #tpu.memory_space<hbm>> -> memref<10000xi32, #tpu.memory_space<hbm>>
      tpu.enqueue_dma source(%dma_start3A_105 : memref<10000xi32, #tpu.memory_space<hbm>>) target(%arg10 : memref<10000xi32, #tpu.memory_space<vmem>>) target_semaphore(%run_scoped3A : memref<!tpu.dma_semaphore, #tpu.memory_space<semaphore_mem>>)
      %dma_wait3A_106 = arith.constant 0 : i32
      %dma_wait3A_107 = tpu.memref_slice %arg6[%arg1, %dma_wait3A_106] : memref<16x10000xi32, #tpu.memory_space<hbm>> -> memref<1x10000xi32, #tpu.memory_space<hbm>>
      %dma_wait3A_108 = tpu.memref_squeeze %dma_wait3A_107 : memref<1x10000xi32, #tpu.memory_space<hbm>> -> memref<10000xi32, #tpu.memory_space<hbm>>
      %dma_wait3A_109 = arith.constant 0 : i32
      %dma_wait3A_110 = tpu.memref_slice %arg6[%arg1, %dma_wait3A_109] : memref<16x10000xi32, #tpu.memory_space<hbm>> -> memref<1x10000xi32, #tpu.memory_space<hbm>>
      %dma_wait3A_111 = tpu.memref_squeeze %dma_wait3A_110 : memref<1x10000xi32, #tpu.memory_space<hbm>> -> memref<10000xi32, #tpu.memory_space<hbm>>
      tpu.wait_dma2 semaphore(%run_scoped3A : memref<!tpu.dma_semaphore, #tpu.memory_space<semaphore_mem>>) src(%dma_wait3A_111 : memref<10000xi32, #tpu.memory_space<hbm>>) dst(%arg10 : memref<10000xi32, #tpu.memory_space<vmem>>)
      tpu.yield
    }) : () -> ()
    %dma_wait3A = arith.constant 0 : i32
    %dma_wait3A_8 = tpu.memref_slice %arg17[%mul3A_0, %dma_wait3A] : memref<10000x128xf32, #tpu.memory_space<vmem_shared>> -> memref<624x128xf32, #tpu.memory_space<vmem_shared>>
    %dma_wait3A_9 = arith.constant 0 : i32
    %dma_wait3A_10 = tpu.memref_slice %arg4[%mul3A_0, %dma_wait3A_9] : memref<10000x128xf32, #tpu.memory_space<hbm>> -> memref<624x128xf32, #tpu.memory_space<hbm>>
    tpu.wait_dma2 semaphore(%arg18 : memref<!tpu.dma_semaphore, #tpu.memory_space<semaphore_mem>>) src(%dma_wait3A_10 : memref<624x128xf32, #tpu.memory_space<hbm>>) dst(%dma_wait3A_8 : memref<624x128xf32, #tpu.memory_space<vmem_shared>>)
    %eq3A_11 = arith.constant 15 : i32
    %eq3A_12 = arith.cmpi eq, %arg1, %eq3A_11 : i32
    %convert_element_type3A_13 = arith.extui %eq3A_12 : i1 to i32
    %cond3A_14 = arith.constant 0 : i32
    %cond3A_15 = arith.cmpi ne, %convert_element_type3A_13, %cond3A_14 : i32
    scf.if %cond3A_15 {
      %dma_wait3A_100 = arith.constant 9984 : i32
      %dma_wait3A_101 = arith.constant 0 : i32
      %dma_wait3A_102 = tpu.memref_slice %arg17[%dma_wait3A_100, %dma_wait3A_101] : memref<10000x128xf32, #tpu.memory_space<vmem_shared>> -> memref<16x128xf32, #tpu.memory_space<vmem_shared>>
      %dma_wait3A_103 = arith.constant 9984 : i32
      %dma_wait3A_104 = arith.constant 0 : i32
      %dma_wait3A_105 = tpu.memref_slice %arg4[%dma_wait3A_103, %dma_wait3A_104] : memref<10000x128xf32, #tpu.memory_space<hbm>> -> memref<16x128xf32, #tpu.memory_space<hbm>>
      tpu.wait_dma2 semaphore(%arg19 : memref<!tpu.dma_semaphore, #tpu.memory_space<semaphore_mem>>) src(%dma_wait3A_105 : memref<16x128xf32, #tpu.memory_space<hbm>>) dst(%dma_wait3A_102 : memref<16x128xf32, #tpu.memory_space<vmem_shared>>)
    } else {
    }
    %barrier3A = arith.constant 0 : index
    tpu.barrier barrier_id(%barrier3A)
    %mul3A_16 = arith.constant 10000 : i32
    %mul3A_17 = arith.muli %arg1, %mul3A_16 : i32
    %add3A = arith.constant 0 : i32
    %add3A_18 = arith.addi %mul3A_17, %add3A : i32
    %dma_start3A = tpu.memref_slice %arg7[%add3A_18] : memref<160000xi32, #tpu.memory_space<hbm>> -> memref<80xi32, #tpu.memory_space<hbm>>
    %dma_start3A_19 = tpu.memref_slice %arg7[%add3A_18] : memref<160000xi32, #tpu.memory_space<hbm>> -> memref<80xi32, #tpu.memory_space<hbm>>
    tpu.enqueue_dma source(%dma_start3A_19 : memref<80xi32, #tpu.memory_space<hbm>>) target(%arg11 : memref<80xi32, #tpu.memory_space<vmem>>) target_semaphore(%arg21 : memref<!tpu.dma_semaphore, #tpu.memory_space<semaphore_mem>>)
    %eq3A_20 = arith.constant 0 : i32
    %eq3A_21 = arith.cmpi eq, %arg0, %eq3A_20 : i32
    %convert_element_type3A_22 = arith.extui %eq3A_21 : i1 to i32
    %cond3A_23 = arith.constant 0 : i32
    %cond3A_24 = arith.cmpi ne, %convert_element_type3A_22, %cond3A_23 : i32
    scf.if %cond3A_24 {
      %dma_start3A_100 = arith.constant 0 : i32
      %dma_start3A_101 = tpu.memref_slice %arg10[%dma_start3A_100] : memref<10000xi32, #tpu.memory_space<vmem>> -> memref<80xi32, #tpu.memory_space<vmem>>
      %dma_start3A_102 = arith.constant 0 : i32
      %dma_start3A_103 = arith.constant 0 : i32
      %dma_start3A_104 = tpu.memref_slice %arg2[%dma_start3A_102, %dma_start3A_103] : memref<10000x128xf32, #tpu.memory_space<hbm>> -> memref<10000x128xf32, #tpu.memory_space<hbm>>
      tpu.enqueue_indirect_dma source(%dma_start3A_104 : memref<10000x128xf32, #tpu.memory_space<hbm>>) target(%arg14 : memref<80x128xf32, #tpu.memory_space<vmem>>) offsets(%dma_start3A_101 : memref<80xi32, #tpu.memory_space<vmem>>) semaphore(%arg18 : memref<!tpu.dma_semaphore, #tpu.memory_space<semaphore_mem>>)
    } else {
    }
    %eq3A_25 = arith.constant 1 : i32
    %eq3A_26 = arith.cmpi eq, %arg0, %eq3A_25 : i32
    %convert_element_type3A_27 = arith.extui %eq3A_26 : i1 to i32
    %cond3A_28 = arith.constant 0 : i32
    %cond3A_29 = arith.cmpi ne, %convert_element_type3A_27, %cond3A_28 : i32
    scf.if %cond3A_29 {
      %dma_start3A_100 = arith.constant 0 : i32
      %dma_start3A_101 = tpu.memref_slice %arg10[%dma_start3A_100] : memref<10000xi32, #tpu.memory_space<vmem>> -> memref<80xi32, #tpu.memory_space<vmem>>
      %dma_start3A_102 = arith.constant 0 : i32
      %dma_start3A_103 = arith.constant 0 : i32
      %dma_start3A_104 = tpu.memref_slice %arg3[%dma_start3A_102, %dma_start3A_103] : memref<10000x128xf32, #tpu.memory_space<hbm>> -> memref<10000x128xf32, #tpu.memory_space<hbm>>
      tpu.enqueue_indirect_dma source(%dma_start3A_104 : memref<10000x128xf32, #tpu.memory_space<hbm>>) target(%arg14 : memref<80x128xf32, #tpu.memory_space<vmem>>) offsets(%dma_start3A_101 : memref<80xi32, #tpu.memory_space<vmem>>) semaphore(%arg18 : memref<!tpu.dma_semaphore, #tpu.memory_space<semaphore_mem>>)
    } else {
    }
    %mul3A_30 = arith.constant 10000 : i32
    %mul3A_31 = arith.muli %arg1, %mul3A_30 : i32
    %add3A_32 = arith.constant 80 : i32
    %add3A_33 = arith.addi %mul3A_31, %add3A_32 : i32
    %dma_start3A_34 = tpu.memref_slice %arg7[%add3A_33] : memref<160000xi32, #tpu.memory_space<hbm>> -> memref<80xi32, #tpu.memory_space<hbm>>
    %dma_start3A_35 = tpu.memref_slice %arg7[%add3A_33] : memref<160000xi32, #tpu.memory_space<hbm>> -> memref<80xi32, #tpu.memory_space<hbm>>
    tpu.enqueue_dma source(%dma_start3A_35 : memref<80xi32, #tpu.memory_space<hbm>>) target(%arg12 : memref<80xi32, #tpu.memory_space<vmem>>) target_semaphore(%arg22 : memref<!tpu.dma_semaphore, #tpu.memory_space<semaphore_mem>>)
    %eq3A_36 = arith.constant 0 : i32
    %eq3A_37 = arith.cmpi eq, %arg0, %eq3A_36 : i32
    %convert_element_type3A_38 = arith.extui %eq3A_37 : i1 to i32
    %cond3A_39 = arith.constant 0 : i32
    %cond3A_40 = arith.cmpi ne, %convert_element_type3A_38, %cond3A_39 : i32
    scf.if %cond3A_40 {
      %dma_start3A_100 = arith.constant 80 : i32
      %dma_start3A_101 = tpu.memref_slice %arg10[%dma_start3A_100] : memref<10000xi32, #tpu.memory_space<vmem>> -> memref<80xi32, #tpu.memory_space<vmem>>
      %dma_start3A_102 = arith.constant 0 : i32
      %dma_start3A_103 = arith.constant 0 : i32
      %dma_start3A_104 = tpu.memref_slice %arg2[%dma_start3A_102, %dma_start3A_103] : memref<10000x128xf32, #tpu.memory_space<hbm>> -> memref<10000x128xf32, #tpu.memory_space<hbm>>
      tpu.enqueue_indirect_dma source(%dma_start3A_104 : memref<10000x128xf32, #tpu.memory_space<hbm>>) target(%arg15 : memref<80x128xf32, #tpu.memory_space<vmem>>) offsets(%dma_start3A_101 : memref<80xi32, #tpu.memory_space<vmem>>) semaphore(%arg19 : memref<!tpu.dma_semaphore, #tpu.memory_space<semaphore_mem>>)
    } else {
    }
    %eq3A_41 = arith.constant 1 : i32
    %eq3A_42 = arith.cmpi eq, %arg0, %eq3A_41 : i32
    %convert_element_type3A_43 = arith.extui %eq3A_42 : i1 to i32
    %cond3A_44 = arith.constant 0 : i32
    %cond3A_45 = arith.cmpi ne, %convert_element_type3A_43, %cond3A_44 : i32
    scf.if %cond3A_45 {
      %dma_start3A_100 = arith.constant 80 : i32
      %dma_start3A_101 = tpu.memref_slice %arg10[%dma_start3A_100] : memref<10000xi32, #tpu.memory_space<vmem>> -> memref<80xi32, #tpu.memory_space<vmem>>
      %dma_start3A_102 = arith.constant 0 : i32
      %dma_start3A_103 = arith.constant 0 : i32
      %dma_start3A_104 = tpu.memref_slice %arg3[%dma_start3A_102, %dma_start3A_103] : memref<10000x128xf32, #tpu.memory_space<hbm>> -> memref<10000x128xf32, #tpu.memory_space<hbm>>
      tpu.enqueue_indirect_dma source(%dma_start3A_104 : memref<10000x128xf32, #tpu.memory_space<hbm>>) target(%arg15 : memref<80x128xf32, #tpu.memory_space<vmem>>) offsets(%dma_start3A_101 : memref<80xi32, #tpu.memory_space<vmem>>) semaphore(%arg19 : memref<!tpu.dma_semaphore, #tpu.memory_space<semaphore_mem>>)
    } else {
    }
    %mul3A_46 = arith.constant 10000 : i32
    %mul3A_47 = arith.muli %arg1, %mul3A_46 : i32
    %add3A_48 = arith.constant 160 : i32
    %add3A_49 = arith.addi %mul3A_47, %add3A_48 : i32
    %dma_start3A_50 = tpu.memref_slice %arg7[%add3A_49] : memref<160000xi32, #tpu.memory_space<hbm>> -> memref<80xi32, #tpu.memory_space<hbm>>
    %dma_start3A_51 = tpu.memref_slice %arg7[%add3A_49] : memref<160000xi32, #tpu.memory_space<hbm>> -> memref<80xi32, #tpu.memory_space<hbm>>
    tpu.enqueue_dma source(%dma_start3A_51 : memref<80xi32, #tpu.memory_space<hbm>>) target(%arg13 : memref<80xi32, #tpu.memory_space<vmem>>) target_semaphore(%arg23 : memref<!tpu.dma_semaphore, #tpu.memory_space<semaphore_mem>>)
    %eq3A_52 = arith.constant 0 : i32
    %eq3A_53 = arith.cmpi eq, %arg0, %eq3A_52 : i32
    %convert_element_type3A_54 = arith.extui %eq3A_53 : i1 to i32
    %cond3A_55 = arith.constant 0 : i32
    %cond3A_56 = arith.cmpi ne, %convert_element_type3A_54, %cond3A_55 : i32
    scf.if %cond3A_56 {
      %dma_start3A_100 = arith.constant 160 : i32
      %dma_start3A_101 = tpu.memref_slice %arg10[%dma_start3A_100] : memref<10000xi32, #tpu.memory_space<vmem>> -> memref<80xi32, #tpu.memory_space<vmem>>
      %dma_start3A_102 = arith.constant 0 : i32
      %dma_start3A_103 = arith.constant 0 : i32
      %dma_start3A_104 = tpu.memref_slice %arg2[%dma_start3A_102, %dma_start3A_103] : memref<10000x128xf32, #tpu.memory_space<hbm>> -> memref<10000x128xf32, #tpu.memory_space<hbm>>
      tpu.enqueue_indirect_dma source(%dma_start3A_104 : memref<10000x128xf32, #tpu.memory_space<hbm>>) target(%arg16 : memref<80x128xf32, #tpu.memory_space<vmem>>) offsets(%dma_start3A_101 : memref<80xi32, #tpu.memory_space<vmem>>) semaphore(%arg20 : memref<!tpu.dma_semaphore, #tpu.memory_space<semaphore_mem>>)
    } else {
    }
    %eq3A_57 = arith.constant 1 : i32
    %eq3A_58 = arith.cmpi eq, %arg0, %eq3A_57 : i32
    %convert_element_type3A_59 = arith.extui %eq3A_58 : i1 to i32
    %cond3A_60 = arith.constant 0 : i32
    %cond3A_61 = arith.cmpi ne, %convert_element_type3A_59, %cond3A_60 : i32
    scf.if %cond3A_61 {
      %dma_start3A_100 = arith.constant 160 : i32
      %dma_start3A_101 = tpu.memref_slice %arg10[%dma_start3A_100] : memref<10000xi32, #tpu.memory_space<vmem>> -> memref<80xi32, #tpu.memory_space<vmem>>
      %dma_start3A_102 = arith.constant 0 : i32
      %dma_start3A_103 = arith.constant 0 : i32
      %dma_start3A_104 = tpu.memref_slice %arg3[%dma_start3A_102, %dma_start3A_103] : memref<10000x128xf32, #tpu.memory_space<hbm>> -> memref<10000x128xf32, #tpu.memory_space<hbm>>
      tpu.enqueue_indirect_dma source(%dma_start3A_104 : memref<10000x128xf32, #tpu.memory_space<hbm>>) target(%arg16 : memref<80x128xf32, #tpu.memory_space<vmem>>) offsets(%dma_start3A_101 : memref<80xi32, #tpu.memory_space<vmem>>) semaphore(%arg20 : memref<!tpu.dma_semaphore, #tpu.memory_space<semaphore_mem>>)
    } else {
    }
    %scan3A = arith.constant 0 : i32
    %scan3A_62 = arith.constant 0 : i32
    %scan3A_63 = arith.constant 41 : i32
    %scan3A_64 = arith.addi %scan3A_62, %scan3A_63 : i32
    %scan3A_65 = arith.constant 1 : i32
    scf.for %scan3A_100 = %scan3A_62 to %scan3A_64 step %scan3A_65  : i32 {
      %mul3A_101 = arith.constant 3 : i32
      %mul3A_102 = arith.muli %scan3A_100, %mul3A_101 : i32
      %mul3A_103 = arith.constant 80 : i32
      %mul3A_104 = arith.muli %mul3A_102, %mul3A_103 : i32
      %dma_wait3A_105 = tpu.memref_slice %arg10[%mul3A_104] : memref<10000xi32, #tpu.memory_space<vmem>> -> memref<80xi32, #tpu.memory_space<vmem>>
      %dma_wait3A_106 = arith.constant 0 : i32
      %dma_wait3A_107 = arith.constant 0 : i32
      %dma_wait3A_108 = tpu.memref_slice %arg2[%dma_wait3A_106, %dma_wait3A_107] : memref<10000x128xf32, #tpu.memory_space<hbm>> -> memref<10000x128xf32, #tpu.memory_space<hbm>>
      tpu.wait_indirect_dma semaphore(%arg18 : memref<!tpu.dma_semaphore, #tpu.memory_space<semaphore_mem>>) src(%dma_wait3A_108 : memref<10000x128xf32, #tpu.memory_space<hbm>>) dst(%arg14 : memref<80x128xf32, #tpu.memory_space<vmem>>)
      %mul3A_109 = arith.constant 10000 : i32
      %mul3A_110 = arith.muli %arg1, %mul3A_109 : i32
      %mul3A_111 = arith.constant 80 : i32
      %mul3A_112 = arith.muli %mul3A_102, %mul3A_111 : i32
      %add3A_113 = arith.addi %mul3A_110, %mul3A_112 : i32
      %dma_wait3A_114 = tpu.memref_slice %arg7[%add3A_113] : memref<160000xi32, #tpu.memory_space<hbm>> -> memref<80xi32, #tpu.memory_space<hbm>>
      %dma_wait3A_115 = tpu.memref_slice %arg7[%add3A_113] : memref<160000xi32, #tpu.memory_space<hbm>> -> memref<80xi32, #tpu.memory_space<hbm>>
      tpu.wait_dma2 semaphore(%arg21 : memref<!tpu.dma_semaphore, #tpu.memory_space<semaphore_mem>>) src(%dma_wait3A_115 : memref<80xi32, #tpu.memory_space<hbm>>) dst(%arg11 : memref<80xi32, #tpu.memory_space<vmem>>)
      "tpu.region"() ({
        %run_scoped3A = tpu.sem_alloc : memref<!tpu.dma_semaphore, #tpu.memory_space<semaphore_mem>>
        %dma_start3A_166 = arith.constant 0 : i32
        %dma_start3A_167 = arith.constant 0 : i32
        %dma_start3A_168 = tpu.memref_slice %arg17[%dma_start3A_166, %dma_start3A_167] : memref<10000x128xf32, #tpu.memory_space<vmem_shared>> -> memref<10000x128xf32, #tpu.memory_space<vmem_shared>>
        tpu.enqueue_indirect_dma source(%arg14 : memref<80x128xf32, #tpu.memory_space<vmem>>) target(%dma_start3A_168 : memref<10000x128xf32, #tpu.memory_space<vmem_shared>>) offsets(%arg11 : memref<80xi32, #tpu.memory_space<vmem>>) semaphore(%run_scoped3A : memref<!tpu.dma_semaphore, #tpu.memory_space<semaphore_mem>>) {add = true}
        %dma_wait3A_169 = arith.constant 0 : i32
        %dma_wait3A_170 = arith.constant 0 : i32
        %dma_wait3A_171 = tpu.memref_slice %arg17[%dma_wait3A_169, %dma_wait3A_170] : memref<10000x128xf32, #tpu.memory_space<vmem_shared>> -> memref<10000x128xf32, #tpu.memory_space<vmem_shared>>
        tpu.wait_indirect_dma semaphore(%run_scoped3A : memref<!tpu.dma_semaphore, #tpu.memory_space<semaphore_mem>>) src(%arg14 : memref<80x128xf32, #tpu.memory_space<vmem>>) dst(%dma_wait3A_171 : memref<10000x128xf32, #tpu.memory_space<vmem_shared>>)
        tpu.yield
      }) : () -> ()
      %add3A_116 = arith.constant 3 : i32
      %add3A_117 = arith.addi %mul3A_102, %add3A_116 : i32
      %lt3A = arith.constant 125 : i32
      %lt3A_118 = arith.cmpi slt, %add3A_117, %lt3A : i32
      %convert_element_type3A_119 = arith.extui %lt3A_118 : i1 to i32
      %cond3A_120 = arith.constant 0 : i32
      %cond3A_121 = arith.cmpi ne, %convert_element_type3A_119, %cond3A_120 : i32
      scf.if %cond3A_121 {
        %add3A_166 = arith.constant 3 : i32
        %add3A_167 = arith.addi %mul3A_102, %add3A_166 : i32
        %mul3A_168 = arith.constant 10000 : i32
        %mul3A_169 = arith.muli %arg1, %mul3A_168 : i32
        %mul3A_170 = arith.constant 80 : i32
        %mul3A_171 = arith.muli %add3A_167, %mul3A_170 : i32
        %add3A_172 = arith.addi %mul3A_169, %mul3A_171 : i32
        %dma_start3A_173 = tpu.memref_slice %arg7[%add3A_172] : memref<160000xi32, #tpu.memory_space<hbm>> -> memref<80xi32, #tpu.memory_space<hbm>>
        %dma_start3A_174 = tpu.memref_slice %arg7[%add3A_172] : memref<160000xi32, #tpu.memory_space<hbm>> -> memref<80xi32, #tpu.memory_space<hbm>>
        tpu.enqueue_dma source(%dma_start3A_174 : memref<80xi32, #tpu.memory_space<hbm>>) target(%arg11 : memref<80xi32, #tpu.memory_space<vmem>>) target_semaphore(%arg21 : memref<!tpu.dma_semaphore, #tpu.memory_space<semaphore_mem>>)
        %add3A_175 = arith.constant 3 : i32
        %add3A_176 = arith.addi %mul3A_102, %add3A_175 : i32
        %mul3A_177 = arith.constant 80 : i32
        %mul3A_178 = arith.muli %add3A_176, %mul3A_177 : i32
        %eq3A_179 = arith.constant 0 : i32
        %eq3A_180 = arith.cmpi eq, %arg0, %eq3A_179 : i32
        %convert_element_type3A_181 = arith.extui %eq3A_180 : i1 to i32
        %cond3A_182 = arith.constant 0 : i32
        %cond3A_183 = arith.cmpi ne, %convert_element_type3A_181, %cond3A_182 : i32
        scf.if %cond3A_183 {
          %dma_start3A_189 = tpu.memref_slice %arg10[%mul3A_178] : memref<10000xi32, #tpu.memory_space<vmem>> -> memref<80xi32, #tpu.memory_space<vmem>>
          %dma_start3A_190 = arith.constant 0 : i32
          %dma_start3A_191 = arith.constant 0 : i32
          %dma_start3A_192 = tpu.memref_slice %arg2[%dma_start3A_190, %dma_start3A_191] : memref<10000x128xf32, #tpu.memory_space<hbm>> -> memref<10000x128xf32, #tpu.memory_space<hbm>>
          tpu.enqueue_indirect_dma source(%dma_start3A_192 : memref<10000x128xf32, #tpu.memory_space<hbm>>) target(%arg14 : memref<80x128xf32, #tpu.memory_space<vmem>>) offsets(%dma_start3A_189 : memref<80xi32, #tpu.memory_space<vmem>>) semaphore(%arg18 : memref<!tpu.dma_semaphore, #tpu.memory_space<semaphore_mem>>)
        } else {
        }
        %eq3A_184 = arith.constant 1 : i32
        %eq3A_185 = arith.cmpi eq, %arg0, %eq3A_184 : i32
        %convert_element_type3A_186 = arith.extui %eq3A_185 : i1 to i32
        %cond3A_187 = arith.constant 0 : i32
        %cond3A_188 = arith.cmpi ne, %convert_element_type3A_186, %cond3A_187 : i32
        scf.if %cond3A_188 {
          %dma_start3A_189 = tpu.memref_slice %arg10[%mul3A_178] : memref<10000xi32, #tpu.memory_space<vmem>> -> memref<80xi32, #tpu.memory_space<vmem>>
          %dma_start3A_190 = arith.constant 0 : i32
          %dma_start3A_191 = arith.constant 0 : i32
          %dma_start3A_192 = tpu.memref_slice %arg3[%dma_start3A_190, %dma_start3A_191] : memref<10000x128xf32, #tpu.memory_space<hbm>> -> memref<10000x128xf32, #tpu.memory_space<hbm>>
          tpu.enqueue_indirect_dma source(%dma_start3A_192 : memref<10000x128xf32, #tpu.memory_space<hbm>>) target(%arg14 : memref<80x128xf32, #tpu.memory_space<vmem>>) offsets(%dma_start3A_189 : memref<80xi32, #tpu.memory_space<vmem>>) semaphore(%arg18 : memref<!tpu.dma_semaphore, #tpu.memory_space<semaphore_mem>>)
        } else {
        }
      } else {
      }
      %add3A_122 = arith.constant 1 : i32
      %add3A_123 = arith.addi %mul3A_102, %add3A_122 : i32
      %mul3A_124 = arith.constant 80 : i32
      %mul3A_125 = arith.muli %add3A_123, %mul3A_124 : i32
      %dma_wait3A_126 = tpu.memref_slice %arg10[%mul3A_125] : memref<10000xi32, #tpu.memory_space<vmem>> -> memref<80xi32, #tpu.memory_space<vmem>>
      %dma_wait3A_127 = arith.constant 0 : i32
      %dma_wait3A_128 = arith.constant 0 : i32
      %dma_wait3A_129 = tpu.memref_slice %arg2[%dma_wait3A_127, %dma_wait3A_128] : memref<10000x128xf32, #tpu.memory_space<hbm>> -> memref<10000x128xf32, #tpu.memory_space<hbm>>
      tpu.wait_indirect_dma semaphore(%arg19 : memref<!tpu.dma_semaphore, #tpu.memory_space<semaphore_mem>>) src(%dma_wait3A_129 : memref<10000x128xf32, #tpu.memory_space<hbm>>) dst(%arg15 : memref<80x128xf32, #tpu.memory_space<vmem>>)
      %mul3A_130 = arith.constant 10000 : i32
      %mul3A_131 = arith.muli %arg1, %mul3A_130 : i32
      %mul3A_132 = arith.constant 80 : i32
      %mul3A_133 = arith.muli %add3A_123, %mul3A_132 : i32
      %add3A_134 = arith.addi %mul3A_131, %mul3A_133 : i32
      %dma_wait3A_135 = tpu.memref_slice %arg7[%add3A_134] : memref<160000xi32, #tpu.memory_space<hbm>> -> memref<80xi32, #tpu.memory_space<hbm>>
      %dma_wait3A_136 = tpu.memref_slice %arg7[%add3A_134] : memref<160000xi32, #tpu.memory_space<hbm>> -> memref<80xi32, #tpu.memory_space<hbm>>
      tpu.wait_dma2 semaphore(%arg22 : memref<!tpu.dma_semaphore, #tpu.memory_space<semaphore_mem>>) src(%dma_wait3A_136 : memref<80xi32, #tpu.memory_space<hbm>>) dst(%arg12 : memref<80xi32, #tpu.memory_space<vmem>>)
      "tpu.region"() ({
        %run_scoped3A = tpu.sem_alloc : memref<!tpu.dma_semaphore, #tpu.memory_space<semaphore_mem>>
        %dma_start3A_166 = arith.constant 0 : i32
        %dma_start3A_167 = arith.constant 0 : i32
        %dma_start3A_168 = tpu.memref_slice %arg17[%dma_start3A_166, %dma_start3A_167] : memref<10000x128xf32, #tpu.memory_space<vmem_shared>> -> memref<10000x128xf32, #tpu.memory_space<vmem_shared>>
        tpu.enqueue_indirect_dma source(%arg15 : memref<80x128xf32, #tpu.memory_space<vmem>>) target(%dma_start3A_168 : memref<10000x128xf32, #tpu.memory_space<vmem_shared>>) offsets(%arg12 : memref<80xi32, #tpu.memory_space<vmem>>) semaphore(%run_scoped3A : memref<!tpu.dma_semaphore, #tpu.memory_space<semaphore_mem>>) {add = true}
        %dma_wait3A_169 = arith.constant 0 : i32
        %dma_wait3A_170 = arith.constant 0 : i32
        %dma_wait3A_171 = tpu.memref_slice %arg17[%dma_wait3A_169, %dma_wait3A_170] : memref<10000x128xf32, #tpu.memory_space<vmem_shared>> -> memref<10000x128xf32, #tpu.memory_space<vmem_shared>>
        tpu.wait_indirect_dma semaphore(%run_scoped3A : memref<!tpu.dma_semaphore, #tpu.memory_space<semaphore_mem>>) src(%arg15 : memref<80x128xf32, #tpu.memory_space<vmem>>) dst(%dma_wait3A_171 : memref<10000x128xf32, #tpu.memory_space<vmem_shared>>)
        tpu.yield
      }) : () -> ()
      %add3A_137 = arith.constant 3 : i32
      %add3A_138 = arith.addi %add3A_123, %add3A_137 : i32
      %lt3A_139 = arith.constant 125 : i32
      %lt3A_140 = arith.cmpi slt, %add3A_138, %lt3A_139 : i32
      %convert_element_type3A_141 = arith.extui %lt3A_140 : i1 to i32
      %cond3A_142 = arith.constant 0 : i32
      %cond3A_143 = arith.cmpi ne, %convert_element_type3A_141, %cond3A_142 : i32
      scf.if %cond3A_143 {
        %add3A_166 = arith.constant 3 : i32
        %add3A_167 = arith.addi %add3A_123, %add3A_166 : i32
        %mul3A_168 = arith.constant 10000 : i32
        %mul3A_169 = arith.muli %arg1, %mul3A_168 : i32
        %mul3A_170 = arith.constant 80 : i32
        %mul3A_171 = arith.muli %add3A_167, %mul3A_170 : i32
        %add3A_172 = arith.addi %mul3A_169, %mul3A_171 : i32
        %dma_start3A_173 = tpu.memref_slice %arg7[%add3A_172] : memref<160000xi32, #tpu.memory_space<hbm>> -> memref<80xi32, #tpu.memory_space<hbm>>
        %dma_start3A_174 = tpu.memref_slice %arg7[%add3A_172] : memref<160000xi32, #tpu.memory_space<hbm>> -> memref<80xi32, #tpu.memory_space<hbm>>
        tpu.enqueue_dma source(%dma_start3A_174 : memref<80xi32, #tpu.memory_space<hbm>>) target(%arg12 : memref<80xi32, #tpu.memory_space<vmem>>) target_semaphore(%arg22 : memref<!tpu.dma_semaphore, #tpu.memory_space<semaphore_mem>>)
        %add3A_175 = arith.constant 3 : i32
        %add3A_176 = arith.addi %add3A_123, %add3A_175 : i32
        %mul3A_177 = arith.constant 80 : i32
        %mul3A_178 = arith.muli %add3A_176, %mul3A_177 : i32
        %eq3A_179 = arith.constant 0 : i32
        %eq3A_180 = arith.cmpi eq, %arg0, %eq3A_179 : i32
        %convert_element_type3A_181 = arith.extui %eq3A_180 : i1 to i32
        %cond3A_182 = arith.constant 0 : i32
        %cond3A_183 = arith.cmpi ne, %convert_element_type3A_181, %cond3A_182 : i32
        scf.if %cond3A_183 {
          %dma_start3A_189 = tpu.memref_slice %arg10[%mul3A_178] : memref<10000xi32, #tpu.memory_space<vmem>> -> memref<80xi32, #tpu.memory_space<vmem>>
          %dma_start3A_190 = arith.constant 0 : i32
          %dma_start3A_191 = arith.constant 0 : i32
          %dma_start3A_192 = tpu.memref_slice %arg2[%dma_start3A_190, %dma_start3A_191] : memref<10000x128xf32, #tpu.memory_space<hbm>> -> memref<10000x128xf32, #tpu.memory_space<hbm>>
          tpu.enqueue_indirect_dma source(%dma_start3A_192 : memref<10000x128xf32, #tpu.memory_space<hbm>>) target(%arg15 : memref<80x128xf32, #tpu.memory_space<vmem>>) offsets(%dma_start3A_189 : memref<80xi32, #tpu.memory_space<vmem>>) semaphore(%arg19 : memref<!tpu.dma_semaphore, #tpu.memory_space<semaphore_mem>>)
        } else {
        }
        %eq3A_184 = arith.constant 1 : i32
        %eq3A_185 = arith.cmpi eq, %arg0, %eq3A_184 : i32
        %convert_element_type3A_186 = arith.extui %eq3A_185 : i1 to i32
        %cond3A_187 = arith.constant 0 : i32
        %cond3A_188 = arith.cmpi ne, %convert_element_type3A_186, %cond3A_187 : i32
        scf.if %cond3A_188 {
          %dma_start3A_189 = tpu.memref_slice %arg10[%mul3A_178] : memref<10000xi32, #tpu.memory_space<vmem>> -> memref<80xi32, #tpu.memory_space<vmem>>
          %dma_start3A_190 = arith.constant 0 : i32
          %dma_start3A_191 = arith.constant 0 : i32
          %dma_start3A_192 = tpu.memref_slice %arg3[%dma_start3A_190, %dma_start3A_191] : memref<10000x128xf32, #tpu.memory_space<hbm>> -> memref<10000x128xf32, #tpu.memory_space<hbm>>
          tpu.enqueue_indirect_dma source(%dma_start3A_192 : memref<10000x128xf32, #tpu.memory_space<hbm>>) target(%arg15 : memref<80x128xf32, #tpu.memory_space<vmem>>) offsets(%dma_start3A_189 : memref<80xi32, #tpu.memory_space<vmem>>) semaphore(%arg19 : memref<!tpu.dma_semaphore, #tpu.memory_space<semaphore_mem>>)
        } else {
        }
      } else {
      }
      %add3A_144 = arith.constant 2 : i32
      %add3A_145 = arith.addi %mul3A_102, %add3A_144 : i32
      %mul3A_146 = arith.constant 80 : i32
      %mul3A_147 = arith.muli %add3A_145, %mul3A_146 : i32
      %dma_wait3A_148 = tpu.memref_slice %arg10[%mul3A_147] : memref<10000xi32, #tpu.memory_space<vmem>> -> memref<80xi32, #tpu.memory_space<vmem>>
      %dma_wait3A_149 = arith.constant 0 : i32
      %dma_wait3A_150 = arith.constant 0 : i32
      %dma_wait3A_151 = tpu.memref_slice %arg2[%dma_wait3A_149, %dma_wait3A_150] : memref<10000x128xf32, #tpu.memory_space<hbm>> -> memref<10000x128xf32, #tpu.memory_space<hbm>>
      tpu.wait_indirect_dma semaphore(%arg20 : memref<!tpu.dma_semaphore, #tpu.memory_space<semaphore_mem>>) src(%dma_wait3A_151 : memref<10000x128xf32, #tpu.memory_space<hbm>>) dst(%arg16 : memref<80x128xf32, #tpu.memory_space<vmem>>)
      %mul3A_152 = arith.constant 10000 : i32
      %mul3A_153 = arith.muli %arg1, %mul3A_152 : i32
      %mul3A_154 = arith.constant 80 : i32
      %mul3A_155 = arith.muli %add3A_145, %mul3A_154 : i32
      %add3A_156 = arith.addi %mul3A_153, %mul3A_155 : i32
      %dma_wait3A_157 = tpu.memref_slice %arg7[%add3A_156] : memref<160000xi32, #tpu.memory_space<hbm>> -> memref<80xi32, #tpu.memory_space<hbm>>
      %dma_wait3A_158 = tpu.memref_slice %arg7[%add3A_156] : memref<160000xi32, #tpu.memory_space<hbm>> -> memref<80xi32, #tpu.memory_space<hbm>>
      tpu.wait_dma2 semaphore(%arg23 : memref<!tpu.dma_semaphore, #tpu.memory_space<semaphore_mem>>) src(%dma_wait3A_158 : memref<80xi32, #tpu.memory_space<hbm>>) dst(%arg13 : memref<80xi32, #tpu.memory_space<vmem>>)
      "tpu.region"() ({
        %run_scoped3A = tpu.sem_alloc : memref<!tpu.dma_semaphore, #tpu.memory_space<semaphore_mem>>
        %dma_start3A_166 = arith.constant 0 : i32
        %dma_start3A_167 = arith.constant 0 : i32
        %dma_start3A_168 = tpu.memref_slice %arg17[%dma_start3A_166, %dma_start3A_167] : memref<10000x128xf32, #tpu.memory_space<vmem_shared>> -> memref<10000x128xf32, #tpu.memory_space<vmem_shared>>
        tpu.enqueue_indirect_dma source(%arg16 : memref<80x128xf32, #tpu.memory_space<vmem>>) target(%dma_start3A_168 : memref<10000x128xf32, #tpu.memory_space<vmem_shared>>) offsets(%arg13 : memref<80xi32, #tpu.memory_space<vmem>>) semaphore(%run_scoped3A : memref<!tpu.dma_semaphore, #tpu.memory_space<semaphore_mem>>) {add = true}
        %dma_wait3A_169 = arith.constant 0 : i32
        %dma_wait3A_170 = arith.constant 0 : i32
        %dma_wait3A_171 = tpu.memref_slice %arg17[%dma_wait3A_169, %dma_wait3A_170] : memref<10000x128xf32, #tpu.memory_space<vmem_shared>> -> memref<10000x128xf32, #tpu.memory_space<vmem_shared>>
        tpu.wait_indirect_dma semaphore(%run_scoped3A : memref<!tpu.dma_semaphore, #tpu.memory_space<semaphore_mem>>) src(%arg16 : memref<80x128xf32, #tpu.memory_space<vmem>>) dst(%dma_wait3A_171 : memref<10000x128xf32, #tpu.memory_space<vmem_shared>>)
        tpu.yield
      }) : () -> ()
      %add3A_159 = arith.constant 3 : i32
      %add3A_160 = arith.addi %add3A_145, %add3A_159 : i32
      %lt3A_161 = arith.constant 125 : i32
      %lt3A_162 = arith.cmpi slt, %add3A_160, %lt3A_161 : i32
      %convert_element_type3A_163 = arith.extui %lt3A_162 : i1 to i32
      %cond3A_164 = arith.constant 0 : i32
      %cond3A_165 = arith.cmpi ne, %convert_element_type3A_163, %cond3A_164 : i32
      scf.if %cond3A_165 {
        %add3A_166 = arith.constant 3 : i32
        %add3A_167 = arith.addi %add3A_145, %add3A_166 : i32
        %mul3A_168 = arith.constant 10000 : i32
        %mul3A_169 = arith.muli %arg1, %mul3A_168 : i32
        %mul3A_170 = arith.constant 80 : i32
        %mul3A_171 = arith.muli %add3A_167, %mul3A_170 : i32
        %add3A_172 = arith.addi %mul3A_169, %mul3A_171 : i32
        %dma_start3A_173 = tpu.memref_slice %arg7[%add3A_172] : memref<160000xi32, #tpu.memory_space<hbm>> -> memref<80xi32, #tpu.memory_space<hbm>>
        %dma_start3A_174 = tpu.memref_slice %arg7[%add3A_172] : memref<160000xi32, #tpu.memory_space<hbm>> -> memref<80xi32, #tpu.memory_space<hbm>>
        tpu.enqueue_dma source(%dma_start3A_174 : memref<80xi32, #tpu.memory_space<hbm>>) target(%arg13 : memref<80xi32, #tpu.memory_space<vmem>>) target_semaphore(%arg23 : memref<!tpu.dma_semaphore, #tpu.memory_space<semaphore_mem>>)
        %add3A_175 = arith.constant 3 : i32
        %add3A_176 = arith.addi %add3A_145, %add3A_175 : i32
        %mul3A_177 = arith.constant 80 : i32
        %mul3A_178 = arith.muli %add3A_176, %mul3A_177 : i32
        %eq3A_179 = arith.constant 0 : i32
        %eq3A_180 = arith.cmpi eq, %arg0, %eq3A_179 : i32
        %convert_element_type3A_181 = arith.extui %eq3A_180 : i1 to i32
        %cond3A_182 = arith.constant 0 : i32
        %cond3A_183 = arith.cmpi ne, %convert_element_type3A_181, %cond3A_182 : i32
        scf.if %cond3A_183 {
          %dma_start3A_189 = tpu.memref_slice %arg10[%mul3A_178] : memref<10000xi32, #tpu.memory_space<vmem>> -> memref<80xi32, #tpu.memory_space<vmem>>
          %dma_start3A_190 = arith.constant 0 : i32
          %dma_start3A_191 = arith.constant 0 : i32
          %dma_start3A_192 = tpu.memref_slice %arg2[%dma_start3A_190, %dma_start3A_191] : memref<10000x128xf32, #tpu.memory_space<hbm>> -> memref<10000x128xf32, #tpu.memory_space<hbm>>
          tpu.enqueue_indirect_dma source(%dma_start3A_192 : memref<10000x128xf32, #tpu.memory_space<hbm>>) target(%arg16 : memref<80x128xf32, #tpu.memory_space<vmem>>) offsets(%dma_start3A_189 : memref<80xi32, #tpu.memory_space<vmem>>) semaphore(%arg20 : memref<!tpu.dma_semaphore, #tpu.memory_space<semaphore_mem>>)
        } else {
        }
        %eq3A_184 = arith.constant 1 : i32
        %eq3A_185 = arith.cmpi eq, %arg0, %eq3A_184 : i32
        %convert_element_type3A_186 = arith.extui %eq3A_185 : i1 to i32
        %cond3A_187 = arith.constant 0 : i32
        %cond3A_188 = arith.cmpi ne, %convert_element_type3A_186, %cond3A_187 : i32
        scf.if %cond3A_188 {
          %dma_start3A_189 = tpu.memref_slice %arg10[%mul3A_178] : memref<10000xi32, #tpu.memory_space<vmem>> -> memref<80xi32, #tpu.memory_space<vmem>>
          %dma_start3A_190 = arith.constant 0 : i32
          %dma_start3A_191 = arith.constant 0 : i32
          %dma_start3A_192 = tpu.memref_slice %arg3[%dma_start3A_190, %dma_start3A_191] : memref<10000x128xf32, #tpu.memory_space<hbm>> -> memref<10000x128xf32, #tpu.memory_space<hbm>>
          tpu.enqueue_indirect_dma source(%dma_start3A_192 : memref<10000x128xf32, #tpu.memory_space<hbm>>) target(%arg16 : memref<80x128xf32, #tpu.memory_space<vmem>>) offsets(%dma_start3A_189 : memref<80xi32, #tpu.memory_space<vmem>>) semaphore(%arg20 : memref<!tpu.dma_semaphore, #tpu.memory_space<semaphore_mem>>)
        } else {
        }
      } else {
      }
    }
    %scan3A_66 = arith.constant 41 : i32
    %dma_wait3A_67 = arith.constant 9840 : i32
    %dma_wait3A_68 = tpu.memref_slice %arg10[%dma_wait3A_67] : memref<10000xi32, #tpu.memory_space<vmem>> -> memref<80xi32, #tpu.memory_space<vmem>>
    %dma_wait3A_69 = arith.constant 0 : i32
    %dma_wait3A_70 = arith.constant 0 : i32
    %dma_wait3A_71 = tpu.memref_slice %arg2[%dma_wait3A_69, %dma_wait3A_70] : memref<10000x128xf32, #tpu.memory_space<hbm>> -> memref<10000x128xf32, #tpu.memory_space<hbm>>
    tpu.wait_indirect_dma semaphore(%arg18 : memref<!tpu.dma_semaphore, #tpu.memory_space<semaphore_mem>>) src(%dma_wait3A_71 : memref<10000x128xf32, #tpu.memory_space<hbm>>) dst(%arg14 : memref<80x128xf32, #tpu.memory_space<vmem>>)
    %mul3A_72 = arith.constant 10000 : i32
    %mul3A_73 = arith.muli %arg1, %mul3A_72 : i32
    %add3A_74 = arith.constant 9840 : i32
    %add3A_75 = arith.addi %mul3A_73, %add3A_74 : i32
    %dma_wait3A_76 = tpu.memref_slice %arg7[%add3A_75] : memref<160000xi32, #tpu.memory_space<hbm>> -> memref<80xi32, #tpu.memory_space<hbm>>
    %dma_wait3A_77 = tpu.memref_slice %arg7[%add3A_75] : memref<160000xi32, #tpu.memory_space<hbm>> -> memref<80xi32, #tpu.memory_space<hbm>>
    tpu.wait_dma2 semaphore(%arg21 : memref<!tpu.dma_semaphore, #tpu.memory_space<semaphore_mem>>) src(%dma_wait3A_77 : memref<80xi32, #tpu.memory_space<hbm>>) dst(%arg11 : memref<80xi32, #tpu.memory_space<vmem>>)
    "tpu.region"() ({
      %run_scoped3A = tpu.sem_alloc : memref<!tpu.dma_semaphore, #tpu.memory_space<semaphore_mem>>
      %dma_start3A_100 = arith.constant 0 : i32
      %dma_start3A_101 = arith.constant 0 : i32
      %dma_start3A_102 = tpu.memref_slice %arg17[%dma_start3A_100, %dma_start3A_101] : memref<10000x128xf32, #tpu.memory_space<vmem_shared>> -> memref<10000x128xf32, #tpu.memory_space<vmem_shared>>
      tpu.enqueue_indirect_dma source(%arg14 : memref<80x128xf32, #tpu.memory_space<vmem>>) target(%dma_start3A_102 : memref<10000x128xf32, #tpu.memory_space<vmem_shared>>) offsets(%arg11 : memref<80xi32, #tpu.memory_space<vmem>>) semaphore(%run_scoped3A : memref<!tpu.dma_semaphore, #tpu.memory_space<semaphore_mem>>) {add = true}
      %dma_wait3A_103 = arith.constant 0 : i32
      %dma_wait3A_104 = arith.constant 0 : i32
      %dma_wait3A_105 = tpu.memref_slice %arg17[%dma_wait3A_103, %dma_wait3A_104] : memref<10000x128xf32, #tpu.memory_space<vmem_shared>> -> memref<10000x128xf32, #tpu.memory_space<vmem_shared>>
      tpu.wait_indirect_dma semaphore(%run_scoped3A : memref<!tpu.dma_semaphore, #tpu.memory_space<semaphore_mem>>) src(%arg14 : memref<80x128xf32, #tpu.memory_space<vmem>>) dst(%dma_wait3A_105 : memref<10000x128xf32, #tpu.memory_space<vmem_shared>>)
      tpu.yield
    }) : () -> ()
    %dma_wait3A_78 = arith.constant 9920 : i32
    %dma_wait3A_79 = tpu.memref_slice %arg10[%dma_wait3A_78] : memref<10000xi32, #tpu.memory_space<vmem>> -> memref<80xi32, #tpu.memory_space<vmem>>
    %dma_wait3A_80 = arith.constant 0 : i32
    %dma_wait3A_81 = arith.constant 0 : i32
    %dma_wait3A_82 = tpu.memref_slice %arg2[%dma_wait3A_80, %dma_wait3A_81] : memref<10000x128xf32, #tpu.memory_space<hbm>> -> memref<10000x128xf32, #tpu.memory_space<hbm>>
    tpu.wait_indirect_dma semaphore(%arg19 : memref<!tpu.dma_semaphore, #tpu.memory_space<semaphore_mem>>) src(%dma_wait3A_82 : memref<10000x128xf32, #tpu.memory_space<hbm>>) dst(%arg15 : memref<80x128xf32, #tpu.memory_space<vmem>>)
    %mul3A_83 = arith.constant 10000 : i32
    %mul3A_84 = arith.muli %arg1, %mul3A_83 : i32
    %add3A_85 = arith.constant 9920 : i32
    %add3A_86 = arith.addi %mul3A_84, %add3A_85 : i32
    %dma_wait3A_87 = tpu.memref_slice %arg7[%add3A_86] : memref<160000xi32, #tpu.memory_space<hbm>> -> memref<80xi32, #tpu.memory_space<hbm>>
    %dma_wait3A_88 = tpu.memref_slice %arg7[%add3A_86] : memref<160000xi32, #tpu.memory_space<hbm>> -> memref<80xi32, #tpu.memory_space<hbm>>
    tpu.wait_dma2 semaphore(%arg22 : memref<!tpu.dma_semaphore, #tpu.memory_space<semaphore_mem>>) src(%dma_wait3A_88 : memref<80xi32, #tpu.memory_space<hbm>>) dst(%arg12 : memref<80xi32, #tpu.memory_space<vmem>>)
    "tpu.region"() ({
      %run_scoped3A = tpu.sem_alloc : memref<!tpu.dma_semaphore, #tpu.memory_space<semaphore_mem>>
      %dma_start3A_100 = arith.constant 0 : i32
      %dma_start3A_101 = arith.constant 0 : i32
      %dma_start3A_102 = tpu.memref_slice %arg17[%dma_start3A_100, %dma_start3A_101] : memref<10000x128xf32, #tpu.memory_space<vmem_shared>> -> memref<10000x128xf32, #tpu.memory_space<vmem_shared>>
      tpu.enqueue_indirect_dma source(%arg15 : memref<80x128xf32, #tpu.memory_space<vmem>>) target(%dma_start3A_102 : memref<10000x128xf32, #tpu.memory_space<vmem_shared>>) offsets(%arg12 : memref<80xi32, #tpu.memory_space<vmem>>) semaphore(%run_scoped3A : memref<!tpu.dma_semaphore, #tpu.memory_space<semaphore_mem>>) {add = true}
      %dma_wait3A_103 = arith.constant 0 : i32
      %dma_wait3A_104 = arith.constant 0 : i32
      %dma_wait3A_105 = tpu.memref_slice %arg17[%dma_wait3A_103, %dma_wait3A_104] : memref<10000x128xf32, #tpu.memory_space<vmem_shared>> -> memref<10000x128xf32, #tpu.memory_space<vmem_shared>>
      tpu.wait_indirect_dma semaphore(%run_scoped3A : memref<!tpu.dma_semaphore, #tpu.memory_space<semaphore_mem>>) src(%arg15 : memref<80x128xf32, #tpu.memory_space<vmem>>) dst(%dma_wait3A_105 : memref<10000x128xf32, #tpu.memory_space<vmem_shared>>)
      tpu.yield
    }) : () -> ()
    %barrier3A_89 = arith.constant 0 : index
    tpu.barrier barrier_id(%barrier3A_89)
    %eq3A_90 = arith.constant 0 : i32
    %eq3A_91 = arith.cmpi eq, %arg0, %eq3A_90 : i32
    %convert_element_type3A_92 = arith.extui %eq3A_91 : i1 to i32
    %cond3A_93 = arith.constant 0 : i32
    %cond3A_94 = arith.cmpi ne, %convert_element_type3A_92, %cond3A_93 : i32
    scf.if %cond3A_94 {
      "tpu.region"() ({
        %run_scoped3A = tpu.sem_alloc : memref<!tpu.dma_semaphore, #tpu.memory_space<semaphore_mem>>
        %dma_start3A_105 = arith.constant 0 : i32
        %dma_start3A_106 = tpu.memref_slice %arg8[%mul3A_0, %dma_start3A_105] : memref<10000x128xf32, #tpu.memory_space<hbm>> -> memref<624x128xf32, #tpu.memory_space<hbm>>
        %dma_start3A_107 = arith.constant 0 : i32
        %dma_start3A_108 = tpu.memref_slice %arg17[%mul3A_0, %dma_start3A_107] : memref<10000x128xf32, #tpu.memory_space<vmem_shared>> -> memref<624x128xf32, #tpu.memory_space<vmem_shared>>
        tpu.enqueue_dma source(%dma_start3A_108 : memref<624x128xf32, #tpu.memory_space<vmem_shared>>) target(%dma_start3A_106 : memref<624x128xf32, #tpu.memory_space<hbm>>) target_semaphore(%run_scoped3A : memref<!tpu.dma_semaphore, #tpu.memory_space<semaphore_mem>>)
        %dma_wait3A_109 = arith.constant 0 : i32
        %dma_wait3A_110 = tpu.memref_slice %arg8[%mul3A_0, %dma_wait3A_109] : memref<10000x128xf32, #tpu.memory_space<hbm>> -> memref<624x128xf32, #tpu.memory_space<hbm>>
        %dma_wait3A_111 = arith.constant 0 : i32
        %dma_wait3A_112 = tpu.memref_slice %arg17[%mul3A_0, %dma_wait3A_111] : memref<10000x128xf32, #tpu.memory_space<vmem_shared>> -> memref<624x128xf32, #tpu.memory_space<vmem_shared>>
        tpu.wait_dma2 semaphore(%run_scoped3A : memref<!tpu.dma_semaphore, #tpu.memory_space<semaphore_mem>>) src(%dma_wait3A_112 : memref<624x128xf32, #tpu.memory_space<vmem_shared>>) dst(%dma_wait3A_110 : memref<624x128xf32, #tpu.memory_space<hbm>>)
        tpu.yield
      }) : () -> ()
      %eq3A_100 = arith.constant 15 : i32
      %eq3A_101 = arith.cmpi eq, %arg1, %eq3A_100 : i32
      %convert_element_type3A_102 = arith.extui %eq3A_101 : i1 to i32
      %cond3A_103 = arith.constant 0 : i32
      %cond3A_104 = arith.cmpi ne, %convert_element_type3A_102, %cond3A_103 : i32
      scf.if %cond3A_104 {
        "tpu.region"() ({
          %run_scoped3A = tpu.sem_alloc : memref<!tpu.dma_semaphore, #tpu.memory_space<semaphore_mem>>
          %dma_start3A_105 = arith.constant 9984 : i32
          %dma_start3A_106 = arith.constant 0 : i32
          %dma_start3A_107 = tpu.memref_slice %arg8[%dma_start3A_105, %dma_start3A_106] : memref<10000x128xf32, #tpu.memory_space<hbm>> -> memref<16x128xf32, #tpu.memory_space<hbm>>
          %dma_start3A_108 = arith.constant 9984 : i32
          %dma_start3A_109 = arith.constant 0 : i32
          %dma_start3A_110 = tpu.memref_slice %arg17[%dma_start3A_108, %dma_start3A_109] : memref<10000x128xf32, #tpu.memory_space<vmem_shared>> -> memref<16x128xf32, #tpu.memory_space<vmem_shared>>
          tpu.enqueue_dma source(%dma_start3A_110 : memref<16x128xf32, #tpu.memory_space<vmem_shared>>) target(%dma_start3A_107 : memref<16x128xf32, #tpu.memory_space<hbm>>) target_semaphore(%run_scoped3A : memref<!tpu.dma_semaphore, #tpu.memory_space<semaphore_mem>>)
          %dma_wait3A_111 = arith.constant 9984 : i32
          %dma_wait3A_112 = arith.constant 0 : i32
          %dma_wait3A_113 = tpu.memref_slice %arg8[%dma_wait3A_111, %dma_wait3A_112] : memref<10000x128xf32, #tpu.memory_space<hbm>> -> memref<16x128xf32, #tpu.memory_space<hbm>>
          %dma_wait3A_114 = arith.constant 9984 : i32
          %dma_wait3A_115 = arith.constant 0 : i32
          %dma_wait3A_116 = tpu.memref_slice %arg17[%dma_wait3A_114, %dma_wait3A_115] : memref<10000x128xf32, #tpu.memory_space<vmem_shared>> -> memref<16x128xf32, #tpu.memory_space<vmem_shared>>
          tpu.wait_dma2 semaphore(%run_scoped3A : memref<!tpu.dma_semaphore, #tpu.memory_space<semaphore_mem>>) src(%dma_wait3A_116 : memref<16x128xf32, #tpu.memory_space<vmem_shared>>) dst(%dma_wait3A_113 : memref<16x128xf32, #tpu.memory_space<hbm>>)
          tpu.yield
        }) : () -> ()
      } else {
      }
    } else {
    }
    %eq3A_95 = arith.constant 1 : i32
    %eq3A_96 = arith.cmpi eq, %arg0, %eq3A_95 : i32
    %convert_element_type3A_97 = arith.extui %eq3A_96 : i1 to i32
    %cond3A_98 = arith.constant 0 : i32
    %cond3A_99 = arith.cmpi ne, %convert_element_type3A_97, %cond3A_98 : i32
    scf.if %cond3A_99 {
      "tpu.region"() ({
        %run_scoped3A = tpu.sem_alloc : memref<!tpu.dma_semaphore, #tpu.memory_space<semaphore_mem>>
        %dma_start3A_105 = arith.constant 0 : i32
        %dma_start3A_106 = tpu.memref_slice %arg9[%mul3A_0, %dma_start3A_105] : memref<10000x128xf32, #tpu.memory_space<hbm>> -> memref<624x128xf32, #tpu.memory_space<hbm>>
        %dma_start3A_107 = arith.constant 0 : i32
        %dma_start3A_108 = tpu.memref_slice %arg17[%mul3A_0, %dma_start3A_107] : memref<10000x128xf32, #tpu.memory_space<vmem_shared>> -> memref<624x128xf32, #tpu.memory_space<vmem_shared>>
        tpu.enqueue_dma source(%dma_start3A_108 : memref<624x128xf32, #tpu.memory_space<vmem_shared>>) target(%dma_start3A_106 : memref<624x128xf32, #tpu.memory_space<hbm>>) target_semaphore(%run_scoped3A : memref<!tpu.dma_semaphore, #tpu.memory_space<semaphore_mem>>)
        %dma_wait3A_109 = arith.constant 0 : i32
        %dma_wait3A_110 = tpu.memref_slice %arg9[%mul3A_0, %dma_wait3A_109] : memref<10000x128xf32, #tpu.memory_space<hbm>> -> memref<624x128xf32, #tpu.memory_space<hbm>>
        %dma_wait3A_111 = arith.constant 0 : i32
        %dma_wait3A_112 = tpu.memref_slice %arg17[%mul3A_0, %dma_wait3A_111] : memref<10000x128xf32, #tpu.memory_space<vmem_shared>> -> memref<624x128xf32, #tpu.memory_space<vmem_shared>>
        tpu.wait_dma2 semaphore(%run_scoped3A : memref<!tpu.dma_semaphore, #tpu.memory_space<semaphore_mem>>) src(%dma_wait3A_112 : memref<624x128xf32, #tpu.memory_space<vmem_shared>>) dst(%dma_wait3A_110 : memref<624x128xf32, #tpu.memory_space<hbm>>)
        tpu.yield
      }) : () -> ()
      %eq3A_100 = arith.constant 15 : i32
      %eq3A_101 = arith.cmpi eq, %arg1, %eq3A_100 : i32
      %convert_element_type3A_102 = arith.extui %eq3A_101 : i1 to i32
      %cond3A_103 = arith.constant 0 : i32
      %cond3A_104 = arith.cmpi ne, %convert_element_type3A_102, %cond3A_103 : i32
      scf.if %cond3A_104 {
        "tpu.region"() ({
          %run_scoped3A = tpu.sem_alloc : memref<!tpu.dma_semaphore, #tpu.memory_space<semaphore_mem>>
          %dma_start3A_105 = arith.constant 9984 : i32
          %dma_start3A_106 = arith.constant 0 : i32
          %dma_start3A_107 = tpu.memref_slice %arg9[%dma_start3A_105, %dma_start3A_106] : memref<10000x128xf32, #tpu.memory_space<hbm>> -> memref<16x128xf32, #tpu.memory_space<hbm>>
          %dma_start3A_108 = arith.constant 9984 : i32
          %dma_start3A_109 = arith.constant 0 : i32
          %dma_start3A_110 = tpu.memref_slice %arg17[%dma_start3A_108, %dma_start3A_109] : memref<10000x128xf32, #tpu.memory_space<vmem_shared>> -> memref<16x128xf32, #tpu.memory_space<vmem_shared>>
          tpu.enqueue_dma source(%dma_start3A_110 : memref<16x128xf32, #tpu.memory_space<vmem_shared>>) target(%dma_start3A_107 : memref<16x128xf32, #tpu.memory_space<hbm>>) target_semaphore(%run_scoped3A : memref<!tpu.dma_semaphore, #tpu.memory_space<semaphore_mem>>)
          %dma_wait3A_111 = arith.constant 9984 : i32
          %dma_wait3A_112 = arith.constant 0 : i32
          %dma_wait3A_113 = tpu.memref_slice %arg9[%dma_wait3A_111, %dma_wait3A_112] : memref<10000x128xf32, #tpu.memory_space<hbm>> -> memref<16x128xf32, #tpu.memory_space<hbm>>
          %dma_wait3A_114 = arith.constant 9984 : i32
          %dma_wait3A_115 = arith.constant 0 : i32
          %dma_wait3A_116 = tpu.memref_slice %arg17[%dma_wait3A_114, %dma_wait3A_115] : memref<10000x128xf32, #tpu.memory_space<vmem_shared>> -> memref<16x128xf32, #tpu.memory_space<vmem_shared>>
          tpu.wait_dma2 semaphore(%run_scoped3A : memref<!tpu.dma_semaphore, #tpu.memory_space<semaphore_mem>>) src(%dma_wait3A_116 : memref<16x128xf32, #tpu.memory_space<vmem_shared>>) dst(%dma_wait3A_113 : memref<16x128xf32, #tpu.memory_space<hbm>>)
          tpu.yield
        }) : () -> ()
      } else {
      }
    } else {
    }
    return
  }
}

#map = affine_map<(d0, d1) -> (0, 0)>
#map1 = affine_map<(d0, d1) -> (0)>
module attributes {stable_mosaic.version = 14 : i64} {
  func.func @_sc_aggregate(%arg0: i32, %arg1: i32, %arg2: memref<10000x128xf32, #tpu.memory_space<hbm>>, %arg3: memref<10000x128xf32, #tpu.memory_space<hbm>>, %arg4: memref<10000x128xf32, #tpu.memory_space<hbm>>, %arg5: memref<10000x128xf32, #tpu.memory_space<hbm>>, %arg6: memref<16x10000xi32, #tpu.memory_space<hbm>>, %arg7: memref<160000xi32, #tpu.memory_space<hbm>>, %arg8: memref<10000x128xf32, #tpu.memory_space<hbm>>, %arg9: memref<10000x128xf32, #tpu.memory_space<hbm>>, %arg10: memref<10000xi32, #tpu.memory_space<vmem>>, %arg11: memref<80xi32, #tpu.memory_space<vmem>>, %arg12: memref<80xi32, #tpu.memory_space<vmem>>, %arg13: memref<80xi32, #tpu.memory_space<vmem>>, %arg14: memref<80x128xf32, #tpu.memory_space<vmem>>, %arg15: memref<80x128xf32, #tpu.memory_space<vmem>>, %arg16: memref<80x128xf32, #tpu.memory_space<vmem>>, %arg17: memref<10000x128xf32, #tpu.memory_space<vmem_shared>>, %arg18: memref<!tpu.dma_semaphore, #tpu.memory_space<semaphore_mem>>, %arg19: memref<!tpu.dma_semaphore, #tpu.memory_space<semaphore_mem>>, %arg20: memref<!tpu.dma_semaphore, #tpu.memory_space<semaphore_mem>>, %arg21: memref<!tpu.dma_semaphore, #tpu.memory_space<semaphore_mem>>, %arg22: memref<!tpu.dma_semaphore, #tpu.memory_space<semaphore_mem>>, %arg23: memref<!tpu.dma_semaphore, #tpu.memory_space<semaphore_mem>>) attributes {dimension_semantics = [#tpu.dimension_semantics<core_parallel>, #tpu.dimension_semantics<subcore_parallel>], iteration_bounds = array<i64: 2, 16>, scalar_prefetch = 0 : i64, scratch_operands = 14 : i64, tpu.core_type = #tpu.core_type<sc_vector_subcore>, window_params = [{transform_indices = #map}, {transform_indices = #map}, {transform_indices = #map}, {transform_indices = #map}, {transform_indices = #map}, {transform_indices = #map1}, {transform_indices = #map}, {transform_indices = #map}]} {
    %mul3A = arith.constant 624 : i32
    %mul3A_0 = arith.muli %arg1, %mul3A : i32
    %eq3A = arith.constant 0 : i32
    %eq3A_1 = arith.cmpi eq, %arg0, %eq3A : i32
    %convert_element_type3A = arith.extui %eq3A_1 : i1 to i32
    %cond3A = arith.constant 0 : i32
    %cond3A_2 = arith.cmpi ne, %convert_element_type3A, %cond3A : i32
    scf.if %cond3A_2 {
      %dma_start3A_100 = arith.constant 0 : i32
      %dma_start3A_101 = tpu.memref_slice %arg17[%mul3A_0, %dma_start3A_100] : memref<10000x128xf32, #tpu.memory_space<vmem_shared>> -> memref<624x128xf32, #tpu.memory_space<vmem_shared>>
      %dma_start3A_102 = arith.constant 0 : i32
      %dma_start3A_103 = tpu.memref_slice %arg4[%mul3A_0, %dma_start3A_102] : memref<10000x128xf32, #tpu.memory_space<hbm>> -> memref<624x128xf32, #tpu.memory_space<hbm>>
      tpu.enqueue_dma source(%dma_start3A_103 : memref<624x128xf32, #tpu.memory_space<hbm>>) target(%dma_start3A_101 : memref<624x128xf32, #tpu.memory_space<vmem_shared>>) target_semaphore(%arg18 : memref<!tpu.dma_semaphore, #tpu.memory_space<semaphore_mem>>)
      %eq3A_104 = arith.constant 15 : i32
      %eq3A_105 = arith.cmpi eq, %arg1, %eq3A_104 : i32
      %convert_element_type3A_106 = arith.extui %eq3A_105 : i1 to i32
      %cond3A_107 = arith.constant 0 : i32
      %cond3A_108 = arith.cmpi ne, %convert_element_type3A_106, %cond3A_107 : i32
      scf.if %cond3A_108 {
        %dma_start3A_109 = arith.constant 9984 : i32
        %dma_start3A_110 = arith.constant 0 : i32
        %dma_start3A_111 = tpu.memref_slice %arg17[%dma_start3A_109, %dma_start3A_110] : memref<10000x128xf32, #tpu.memory_space<vmem_shared>> -> memref<16x128xf32, #tpu.memory_space<vmem_shared>>
        %dma_start3A_112 = arith.constant 9984 : i32
        %dma_start3A_113 = arith.constant 0 : i32
        %dma_start3A_114 = tpu.memref_slice %arg4[%dma_start3A_112, %dma_start3A_113] : memref<10000x128xf32, #tpu.memory_space<hbm>> -> memref<16x128xf32, #tpu.memory_space<hbm>>
        tpu.enqueue_dma source(%dma_start3A_114 : memref<16x128xf32, #tpu.memory_space<hbm>>) target(%dma_start3A_111 : memref<16x128xf32, #tpu.memory_space<vmem_shared>>) target_semaphore(%arg19 : memref<!tpu.dma_semaphore, #tpu.memory_space<semaphore_mem>>)
      } else {
      }
    } else {
    }
    %eq3A_3 = arith.constant 1 : i32
    %eq3A_4 = arith.cmpi eq, %arg0, %eq3A_3 : i32
    %convert_element_type3A_5 = arith.extui %eq3A_4 : i1 to i32
    %cond3A_6 = arith.constant 0 : i32
    %cond3A_7 = arith.cmpi ne, %convert_element_type3A_5, %cond3A_6 : i32
    scf.if %cond3A_7 {
      %dma_start3A_100 = arith.constant 0 : i32
      %dma_start3A_101 = tpu.memref_slice %arg17[%mul3A_0, %dma_start3A_100] : memref<10000x128xf32, #tpu.memory_space<vmem_shared>> -> memref<624x128xf32, #tpu.memory_space<vmem_shared>>
      %dma_start3A_102 = arith.constant 0 : i32
      %dma_start3A_103 = tpu.memref_slice %arg5[%mul3A_0, %dma_start3A_102] : memref<10000x128xf32, #tpu.memory_space<hbm>> -> memref<624x128xf32, #tpu.memory_space<hbm>>
      tpu.enqueue_dma source(%dma_start3A_103 : memref<624x128xf32, #tpu.memory_space<hbm>>) target(%dma_start3A_101 : memref<624x128xf32, #tpu.memory_space<vmem_shared>>) target_semaphore(%arg18 : memref<!tpu.dma_semaphore, #tpu.memory_space<semaphore_mem>>)
      %eq3A_104 = arith.constant 15 : i32
      %eq3A_105 = arith.cmpi eq, %arg1, %eq3A_104 : i32
      %convert_element_type3A_106 = arith.extui %eq3A_105 : i1 to i32
      %cond3A_107 = arith.constant 0 : i32
      %cond3A_108 = arith.cmpi ne, %convert_element_type3A_106, %cond3A_107 : i32
      scf.if %cond3A_108 {
        %dma_start3A_109 = arith.constant 9984 : i32
        %dma_start3A_110 = arith.constant 0 : i32
        %dma_start3A_111 = tpu.memref_slice %arg17[%dma_start3A_109, %dma_start3A_110] : memref<10000x128xf32, #tpu.memory_space<vmem_shared>> -> memref<16x128xf32, #tpu.memory_space<vmem_shared>>
        %dma_start3A_112 = arith.constant 9984 : i32
        %dma_start3A_113 = arith.constant 0 : i32
        %dma_start3A_114 = tpu.memref_slice %arg5[%dma_start3A_112, %dma_start3A_113] : memref<10000x128xf32, #tpu.memory_space<hbm>> -> memref<16x128xf32, #tpu.memory_space<hbm>>
        tpu.enqueue_dma source(%dma_start3A_114 : memref<16x128xf32, #tpu.memory_space<hbm>>) target(%dma_start3A_111 : memref<16x128xf32, #tpu.memory_space<vmem_shared>>) target_semaphore(%arg19 : memref<!tpu.dma_semaphore, #tpu.memory_space<semaphore_mem>>)
      } else {
      }
    } else {
    }
    "tpu.region"() ({
      %run_scoped3A = tpu.sem_alloc : memref<!tpu.dma_semaphore, #tpu.memory_space<semaphore_mem>>
      %dma_start3A_100 = arith.constant 0 : i32
      %dma_start3A_101 = tpu.memref_slice %arg6[%arg1, %dma_start3A_100] : memref<16x10000xi32, #tpu.memory_space<hbm>> -> memref<1x10000xi32, #tpu.memory_space<hbm>>
      %dma_start3A_102 = tpu.memref_squeeze %dma_start3A_101 : memref<1x10000xi32, #tpu.memory_space<hbm>> -> memref<10000xi32, #tpu.memory_space<hbm>>
      %dma_start3A_103 = arith.constant 0 : i32
      %dma_start3A_104 = tpu.memref_slice %arg6[%arg1, %dma_start3A_103] : memref<16x10000xi32, #tpu.memory_space<hbm>> -> memref<1x10000xi32, #tpu.memory_space<hbm>>
      %dma_start3A_105 = tpu.memref_squeeze %dma_start3A_104 : memref<1x10000xi32, #tpu.memory_space<hbm>> -> memref<10000xi32, #tpu.memory_space<hbm>>
      tpu.enqueue_dma source(%dma_start3A_105 : memref<10000xi32, #tpu.memory_space<hbm>>) target(%arg10 : memref<10000xi32, #tpu.memory_space<vmem>>) target_semaphore(%run_scoped3A : memref<!tpu.dma_semaphore, #tpu.memory_space<semaphore_mem>>)
      %dma_wait3A_106 = arith.constant 0 : i32
      %dma_wait3A_107 = tpu.memref_slice %arg6[%arg1, %dma_wait3A_106] : memref<16x10000xi32, #tpu.memory_space<hbm>> -> memref<1x10000xi32, #tpu.memory_space<hbm>>
      %dma_wait3A_108 = tpu.memref_squeeze %dma_wait3A_107 : memref<1x10000xi32, #tpu.memory_space<hbm>> -> memref<10000xi32, #tpu.memory_space<hbm>>
      %dma_wait3A_109 = arith.constant 0 : i32
      %dma_wait3A_110 = tpu.memref_slice %arg6[%arg1, %dma_wait3A_109] : memref<16x10000xi32, #tpu.memory_space<hbm>> -> memref<1x10000xi32, #tpu.memory_space<hbm>>
      %dma_wait3A_111 = tpu.memref_squeeze %dma_wait3A_110 : memref<1x10000xi32, #tpu.memory_space<hbm>> -> memref<10000xi32, #tpu.memory_space<hbm>>
      tpu.wait_dma2 semaphore(%run_scoped3A : memref<!tpu.dma_semaphore, #tpu.memory_space<semaphore_mem>>) src(%dma_wait3A_111 : memref<10000xi32, #tpu.memory_space<hbm>>) dst(%arg10 : memref<10000xi32, #tpu.memory_space<vmem>>)
      tpu.yield
    }) : () -> ()
    %dma_wait3A = arith.constant 0 : i32
    %dma_wait3A_8 = tpu.memref_slice %arg17[%mul3A_0, %dma_wait3A] : memref<10000x128xf32, #tpu.memory_space<vmem_shared>> -> memref<624x128xf32, #tpu.memory_space<vmem_shared>>
    %dma_wait3A_9 = arith.constant 0 : i32
    %dma_wait3A_10 = tpu.memref_slice %arg4[%mul3A_0, %dma_wait3A_9] : memref<10000x128xf32, #tpu.memory_space<hbm>> -> memref<624x128xf32, #tpu.memory_space<hbm>>
    tpu.wait_dma2 semaphore(%arg18 : memref<!tpu.dma_semaphore, #tpu.memory_space<semaphore_mem>>) src(%dma_wait3A_10 : memref<624x128xf32, #tpu.memory_space<hbm>>) dst(%dma_wait3A_8 : memref<624x128xf32, #tpu.memory_space<vmem_shared>>)
    %eq3A_11 = arith.constant 15 : i32
    %eq3A_12 = arith.cmpi eq, %arg1, %eq3A_11 : i32
    %convert_element_type3A_13 = arith.extui %eq3A_12 : i1 to i32
    %cond3A_14 = arith.constant 0 : i32
    %cond3A_15 = arith.cmpi ne, %convert_element_type3A_13, %cond3A_14 : i32
    scf.if %cond3A_15 {
      %dma_wait3A_100 = arith.constant 9984 : i32
      %dma_wait3A_101 = arith.constant 0 : i32
      %dma_wait3A_102 = tpu.memref_slice %arg17[%dma_wait3A_100, %dma_wait3A_101] : memref<10000x128xf32, #tpu.memory_space<vmem_shared>> -> memref<16x128xf32, #tpu.memory_space<vmem_shared>>
      %dma_wait3A_103 = arith.constant 9984 : i32
      %dma_wait3A_104 = arith.constant 0 : i32
      %dma_wait3A_105 = tpu.memref_slice %arg4[%dma_wait3A_103, %dma_wait3A_104] : memref<10000x128xf32, #tpu.memory_space<hbm>> -> memref<16x128xf32, #tpu.memory_space<hbm>>
      tpu.wait_dma2 semaphore(%arg19 : memref<!tpu.dma_semaphore, #tpu.memory_space<semaphore_mem>>) src(%dma_wait3A_105 : memref<16x128xf32, #tpu.memory_space<hbm>>) dst(%dma_wait3A_102 : memref<16x128xf32, #tpu.memory_space<vmem_shared>>)
    } else {
    }
    %barrier3A = arith.constant 0 : index
    tpu.barrier barrier_id(%barrier3A)
    %mul3A_16 = arith.constant 10000 : i32
    %mul3A_17 = arith.muli %arg1, %mul3A_16 : i32
    %add3A = arith.constant 0 : i32
    %add3A_18 = arith.addi %mul3A_17, %add3A : i32
    %dma_start3A = tpu.memref_slice %arg7[%add3A_18] : memref<160000xi32, #tpu.memory_space<hbm>> -> memref<80xi32, #tpu.memory_space<hbm>>
    %dma_start3A_19 = tpu.memref_slice %arg7[%add3A_18] : memref<160000xi32, #tpu.memory_space<hbm>> -> memref<80xi32, #tpu.memory_space<hbm>>
    tpu.enqueue_dma source(%dma_start3A_19 : memref<80xi32, #tpu.memory_space<hbm>>) target(%arg11 : memref<80xi32, #tpu.memory_space<vmem>>) target_semaphore(%arg21 : memref<!tpu.dma_semaphore, #tpu.memory_space<semaphore_mem>>)
    %eq3A_20 = arith.constant 0 : i32
    %eq3A_21 = arith.cmpi eq, %arg0, %eq3A_20 : i32
    %convert_element_type3A_22 = arith.extui %eq3A_21 : i1 to i32
    %cond3A_23 = arith.constant 0 : i32
    %cond3A_24 = arith.cmpi ne, %convert_element_type3A_22, %cond3A_23 : i32
    scf.if %cond3A_24 {
      %dma_start3A_100 = arith.constant 0 : i32
      %dma_start3A_101 = tpu.memref_slice %arg10[%dma_start3A_100] : memref<10000xi32, #tpu.memory_space<vmem>> -> memref<80xi32, #tpu.memory_space<vmem>>
      %dma_start3A_102 = arith.constant 0 : i32
      %dma_start3A_103 = arith.constant 0 : i32
      %dma_start3A_104 = tpu.memref_slice %arg2[%dma_start3A_102, %dma_start3A_103] : memref<10000x128xf32, #tpu.memory_space<hbm>> -> memref<10000x128xf32, #tpu.memory_space<hbm>>
      tpu.enqueue_indirect_dma source(%dma_start3A_104 : memref<10000x128xf32, #tpu.memory_space<hbm>>) target(%arg14 : memref<80x128xf32, #tpu.memory_space<vmem>>) offsets(%dma_start3A_101 : memref<80xi32, #tpu.memory_space<vmem>>) semaphore(%arg18 : memref<!tpu.dma_semaphore, #tpu.memory_space<semaphore_mem>>)
    } else {
    }
    %eq3A_25 = arith.constant 1 : i32
    %eq3A_26 = arith.cmpi eq, %arg0, %eq3A_25 : i32
    %convert_element_type3A_27 = arith.extui %eq3A_26 : i1 to i32
    %cond3A_28 = arith.constant 0 : i32
    %cond3A_29 = arith.cmpi ne, %convert_element_type3A_27, %cond3A_28 : i32
    scf.if %cond3A_29 {
      %dma_start3A_100 = arith.constant 0 : i32
      %dma_start3A_101 = tpu.memref_slice %arg10[%dma_start3A_100] : memref<10000xi32, #tpu.memory_space<vmem>> -> memref<80xi32, #tpu.memory_space<vmem>>
      %dma_start3A_102 = arith.constant 0 : i32
      %dma_start3A_103 = arith.constant 0 : i32
      %dma_start3A_104 = tpu.memref_slice %arg3[%dma_start3A_102, %dma_start3A_103] : memref<10000x128xf32, #tpu.memory_space<hbm>> -> memref<10000x128xf32, #tpu.memory_space<hbm>>
      tpu.enqueue_indirect_dma source(%dma_start3A_104 : memref<10000x128xf32, #tpu.memory_space<hbm>>) target(%arg14 : memref<80x128xf32, #tpu.memory_space<vmem>>) offsets(%dma_start3A_101 : memref<80xi32, #tpu.memory_space<vmem>>) semaphore(%arg18 : memref<!tpu.dma_semaphore, #tpu.memory_space<semaphore_mem>>)
    } else {
    }
    %mul3A_30 = arith.constant 10000 : i32
    %mul3A_31 = arith.muli %arg1, %mul3A_30 : i32
    %add3A_32 = arith.constant 80 : i32
    %add3A_33 = arith.addi %mul3A_31, %add3A_32 : i32
    %dma_start3A_34 = tpu.memref_slice %arg7[%add3A_33] : memref<160000xi32, #tpu.memory_space<hbm>> -> memref<80xi32, #tpu.memory_space<hbm>>
    %dma_start3A_35 = tpu.memref_slice %arg7[%add3A_33] : memref<160000xi32, #tpu.memory_space<hbm>> -> memref<80xi32, #tpu.memory_space<hbm>>
    tpu.enqueue_dma source(%dma_start3A_35 : memref<80xi32, #tpu.memory_space<hbm>>) target(%arg12 : memref<80xi32, #tpu.memory_space<vmem>>) target_semaphore(%arg22 : memref<!tpu.dma_semaphore, #tpu.memory_space<semaphore_mem>>)
    %eq3A_36 = arith.constant 0 : i32
    %eq3A_37 = arith.cmpi eq, %arg0, %eq3A_36 : i32
    %convert_element_type3A_38 = arith.extui %eq3A_37 : i1 to i32
    %cond3A_39 = arith.constant 0 : i32
    %cond3A_40 = arith.cmpi ne, %convert_element_type3A_38, %cond3A_39 : i32
    scf.if %cond3A_40 {
      %dma_start3A_100 = arith.constant 80 : i32
      %dma_start3A_101 = tpu.memref_slice %arg10[%dma_start3A_100] : memref<10000xi32, #tpu.memory_space<vmem>> -> memref<80xi32, #tpu.memory_space<vmem>>
      %dma_start3A_102 = arith.constant 0 : i32
      %dma_start3A_103 = arith.constant 0 : i32
      %dma_start3A_104 = tpu.memref_slice %arg2[%dma_start3A_102, %dma_start3A_103] : memref<10000x128xf32, #tpu.memory_space<hbm>> -> memref<10000x128xf32, #tpu.memory_space<hbm>>
      tpu.enqueue_indirect_dma source(%dma_start3A_104 : memref<10000x128xf32, #tpu.memory_space<hbm>>) target(%arg15 : memref<80x128xf32, #tpu.memory_space<vmem>>) offsets(%dma_start3A_101 : memref<80xi32, #tpu.memory_space<vmem>>) semaphore(%arg19 : memref<!tpu.dma_semaphore, #tpu.memory_space<semaphore_mem>>)
    } else {
    }
    %eq3A_41 = arith.constant 1 : i32
    %eq3A_42 = arith.cmpi eq, %arg0, %eq3A_41 : i32
    %convert_element_type3A_43 = arith.extui %eq3A_42 : i1 to i32
    %cond3A_44 = arith.constant 0 : i32
    %cond3A_45 = arith.cmpi ne, %convert_element_type3A_43, %cond3A_44 : i32
    scf.if %cond3A_45 {
      %dma_start3A_100 = arith.constant 80 : i32
      %dma_start3A_101 = tpu.memref_slice %arg10[%dma_start3A_100] : memref<10000xi32, #tpu.memory_space<vmem>> -> memref<80xi32, #tpu.memory_space<vmem>>
      %dma_start3A_102 = arith.constant 0 : i32
      %dma_start3A_103 = arith.constant 0 : i32
      %dma_start3A_104 = tpu.memref_slice %arg3[%dma_start3A_102, %dma_start3A_103] : memref<10000x128xf32, #tpu.memory_space<hbm>> -> memref<10000x128xf32, #tpu.memory_space<hbm>>
      tpu.enqueue_indirect_dma source(%dma_start3A_104 : memref<10000x128xf32, #tpu.memory_space<hbm>>) target(%arg15 : memref<80x128xf32, #tpu.memory_space<vmem>>) offsets(%dma_start3A_101 : memref<80xi32, #tpu.memory_space<vmem>>) semaphore(%arg19 : memref<!tpu.dma_semaphore, #tpu.memory_space<semaphore_mem>>)
    } else {
    }
    %mul3A_46 = arith.constant 10000 : i32
    %mul3A_47 = arith.muli %arg1, %mul3A_46 : i32
    %add3A_48 = arith.constant 160 : i32
    %add3A_49 = arith.addi %mul3A_47, %add3A_48 : i32
    %dma_start3A_50 = tpu.memref_slice %arg7[%add3A_49] : memref<160000xi32, #tpu.memory_space<hbm>> -> memref<80xi32, #tpu.memory_space<hbm>>
    %dma_start3A_51 = tpu.memref_slice %arg7[%add3A_49] : memref<160000xi32, #tpu.memory_space<hbm>> -> memref<80xi32, #tpu.memory_space<hbm>>
    tpu.enqueue_dma source(%dma_start3A_51 : memref<80xi32, #tpu.memory_space<hbm>>) target(%arg13 : memref<80xi32, #tpu.memory_space<vmem>>) target_semaphore(%arg23 : memref<!tpu.dma_semaphore, #tpu.memory_space<semaphore_mem>>)
    %eq3A_52 = arith.constant 0 : i32
    %eq3A_53 = arith.cmpi eq, %arg0, %eq3A_52 : i32
    %convert_element_type3A_54 = arith.extui %eq3A_53 : i1 to i32
    %cond3A_55 = arith.constant 0 : i32
    %cond3A_56 = arith.cmpi ne, %convert_element_type3A_54, %cond3A_55 : i32
    scf.if %cond3A_56 {
      %dma_start3A_100 = arith.constant 160 : i32
      %dma_start3A_101 = tpu.memref_slice %arg10[%dma_start3A_100] : memref<10000xi32, #tpu.memory_space<vmem>> -> memref<80xi32, #tpu.memory_space<vmem>>
      %dma_start3A_102 = arith.constant 0 : i32
      %dma_start3A_103 = arith.constant 0 : i32
      %dma_start3A_104 = tpu.memref_slice %arg2[%dma_start3A_102, %dma_start3A_103] : memref<10000x128xf32, #tpu.memory_space<hbm>> -> memref<10000x128xf32, #tpu.memory_space<hbm>>
      tpu.enqueue_indirect_dma source(%dma_start3A_104 : memref<10000x128xf32, #tpu.memory_space<hbm>>) target(%arg16 : memref<80x128xf32, #tpu.memory_space<vmem>>) offsets(%dma_start3A_101 : memref<80xi32, #tpu.memory_space<vmem>>) semaphore(%arg20 : memref<!tpu.dma_semaphore, #tpu.memory_space<semaphore_mem>>)
    } else {
    }
    %eq3A_57 = arith.constant 1 : i32
    %eq3A_58 = arith.cmpi eq, %arg0, %eq3A_57 : i32
    %convert_element_type3A_59 = arith.extui %eq3A_58 : i1 to i32
    %cond3A_60 = arith.constant 0 : i32
    %cond3A_61 = arith.cmpi ne, %convert_element_type3A_59, %cond3A_60 : i32
    scf.if %cond3A_61 {
      %dma_start3A_100 = arith.constant 160 : i32
      %dma_start3A_101 = tpu.memref_slice %arg10[%dma_start3A_100] : memref<10000xi32, #tpu.memory_space<vmem>> -> memref<80xi32, #tpu.memory_space<vmem>>
      %dma_start3A_102 = arith.constant 0 : i32
      %dma_start3A_103 = arith.constant 0 : i32
      %dma_start3A_104 = tpu.memref_slice %arg3[%dma_start3A_102, %dma_start3A_103] : memref<10000x128xf32, #tpu.memory_space<hbm>> -> memref<10000x128xf32, #tpu.memory_space<hbm>>
      tpu.enqueue_indirect_dma source(%dma_start3A_104 : memref<10000x128xf32, #tpu.memory_space<hbm>>) target(%arg16 : memref<80x128xf32, #tpu.memory_space<vmem>>) offsets(%dma_start3A_101 : memref<80xi32, #tpu.memory_space<vmem>>) semaphore(%arg20 : memref<!tpu.dma_semaphore, #tpu.memory_space<semaphore_mem>>)
    } else {
    }
    %scan3A = arith.constant 0 : i32
    %scan3A_62 = arith.constant 0 : i32
    %scan3A_63 = arith.constant 41 : i32
    %scan3A_64 = arith.addi %scan3A_62, %scan3A_63 : i32
    %scan3A_65 = arith.constant 1 : i32
    scf.for %scan3A_100 = %scan3A_62 to %scan3A_64 step %scan3A_65  : i32 {
      %mul3A_101 = arith.constant 3 : i32
      %mul3A_102 = arith.muli %scan3A_100, %mul3A_101 : i32
      %mul3A_103 = arith.constant 80 : i32
      %mul3A_104 = arith.muli %mul3A_102, %mul3A_103 : i32
      %dma_wait3A_105 = tpu.memref_slice %arg10[%mul3A_104] : memref<10000xi32, #tpu.memory_space<vmem>> -> memref<80xi32, #tpu.memory_space<vmem>>
      %dma_wait3A_106 = arith.constant 0 : i32
      %dma_wait3A_107 = arith.constant 0 : i32
      %dma_wait3A_108 = tpu.memref_slice %arg2[%dma_wait3A_106, %dma_wait3A_107] : memref<10000x128xf32, #tpu.memory_space<hbm>> -> memref<10000x128xf32, #tpu.memory_space<hbm>>
      tpu.wait_indirect_dma semaphore(%arg18 : memref<!tpu.dma_semaphore, #tpu.memory_space<semaphore_mem>>) src(%dma_wait3A_108 : memref<10000x128xf32, #tpu.memory_space<hbm>>) dst(%arg14 : memref<80x128xf32, #tpu.memory_space<vmem>>)
      %mul3A_109 = arith.constant 10000 : i32
      %mul3A_110 = arith.muli %arg1, %mul3A_109 : i32
      %mul3A_111 = arith.constant 80 : i32
      %mul3A_112 = arith.muli %mul3A_102, %mul3A_111 : i32
      %add3A_113 = arith.addi %mul3A_110, %mul3A_112 : i32
      %dma_wait3A_114 = tpu.memref_slice %arg7[%add3A_113] : memref<160000xi32, #tpu.memory_space<hbm>> -> memref<80xi32, #tpu.memory_space<hbm>>
      %dma_wait3A_115 = tpu.memref_slice %arg7[%add3A_113] : memref<160000xi32, #tpu.memory_space<hbm>> -> memref<80xi32, #tpu.memory_space<hbm>>
      tpu.wait_dma2 semaphore(%arg21 : memref<!tpu.dma_semaphore, #tpu.memory_space<semaphore_mem>>) src(%dma_wait3A_115 : memref<80xi32, #tpu.memory_space<hbm>>) dst(%arg11 : memref<80xi32, #tpu.memory_space<vmem>>)
      "tpu.region"() ({
        %run_scoped3A = tpu.sem_alloc : memref<!tpu.dma_semaphore, #tpu.memory_space<semaphore_mem>>
        %dma_start3A_166 = arith.constant 0 : i32
        %dma_start3A_167 = arith.constant 0 : i32
        %dma_start3A_168 = tpu.memref_slice %arg17[%dma_start3A_166, %dma_start3A_167] : memref<10000x128xf32, #tpu.memory_space<vmem_shared>> -> memref<10000x128xf32, #tpu.memory_space<vmem_shared>>
        tpu.enqueue_indirect_dma source(%arg14 : memref<80x128xf32, #tpu.memory_space<vmem>>) target(%dma_start3A_168 : memref<10000x128xf32, #tpu.memory_space<vmem_shared>>) offsets(%arg11 : memref<80xi32, #tpu.memory_space<vmem>>) semaphore(%run_scoped3A : memref<!tpu.dma_semaphore, #tpu.memory_space<semaphore_mem>>) {add = true}
        %dma_wait3A_169 = arith.constant 0 : i32
        %dma_wait3A_170 = arith.constant 0 : i32
        %dma_wait3A_171 = tpu.memref_slice %arg17[%dma_wait3A_169, %dma_wait3A_170] : memref<10000x128xf32, #tpu.memory_space<vmem_shared>> -> memref<10000x128xf32, #tpu.memory_space<vmem_shared>>
        tpu.wait_indirect_dma semaphore(%run_scoped3A : memref<!tpu.dma_semaphore, #tpu.memory_space<semaphore_mem>>) src(%arg14 : memref<80x128xf32, #tpu.memory_space<vmem>>) dst(%dma_wait3A_171 : memref<10000x128xf32, #tpu.memory_space<vmem_shared>>)
        tpu.yield
      }) : () -> ()
      %add3A_116 = arith.constant 3 : i32
      %add3A_117 = arith.addi %mul3A_102, %add3A_116 : i32
      %lt3A = arith.constant 125 : i32
      %lt3A_118 = arith.cmpi slt, %add3A_117, %lt3A : i32
      %convert_element_type3A_119 = arith.extui %lt3A_118 : i1 to i32
      %cond3A_120 = arith.constant 0 : i32
      %cond3A_121 = arith.cmpi ne, %convert_element_type3A_119, %cond3A_120 : i32
      scf.if %cond3A_121 {
        %add3A_166 = arith.constant 3 : i32
        %add3A_167 = arith.addi %mul3A_102, %add3A_166 : i32
        %mul3A_168 = arith.constant 10000 : i32
        %mul3A_169 = arith.muli %arg1, %mul3A_168 : i32
        %mul3A_170 = arith.constant 80 : i32
        %mul3A_171 = arith.muli %add3A_167, %mul3A_170 : i32
        %add3A_172 = arith.addi %mul3A_169, %mul3A_171 : i32
        %dma_start3A_173 = tpu.memref_slice %arg7[%add3A_172] : memref<160000xi32, #tpu.memory_space<hbm>> -> memref<80xi32, #tpu.memory_space<hbm>>
        %dma_start3A_174 = tpu.memref_slice %arg7[%add3A_172] : memref<160000xi32, #tpu.memory_space<hbm>> -> memref<80xi32, #tpu.memory_space<hbm>>
        tpu.enqueue_dma source(%dma_start3A_174 : memref<80xi32, #tpu.memory_space<hbm>>) target(%arg11 : memref<80xi32, #tpu.memory_space<vmem>>) target_semaphore(%arg21 : memref<!tpu.dma_semaphore, #tpu.memory_space<semaphore_mem>>)
        %add3A_175 = arith.constant 3 : i32
        %add3A_176 = arith.addi %mul3A_102, %add3A_175 : i32
        %mul3A_177 = arith.constant 80 : i32
        %mul3A_178 = arith.muli %add3A_176, %mul3A_177 : i32
        %eq3A_179 = arith.constant 0 : i32
        %eq3A_180 = arith.cmpi eq, %arg0, %eq3A_179 : i32
        %convert_element_type3A_181 = arith.extui %eq3A_180 : i1 to i32
        %cond3A_182 = arith.constant 0 : i32
        %cond3A_183 = arith.cmpi ne, %convert_element_type3A_181, %cond3A_182 : i32
        scf.if %cond3A_183 {
          %dma_start3A_189 = tpu.memref_slice %arg10[%mul3A_178] : memref<10000xi32, #tpu.memory_space<vmem>> -> memref<80xi32, #tpu.memory_space<vmem>>
          %dma_start3A_190 = arith.constant 0 : i32
          %dma_start3A_191 = arith.constant 0 : i32
          %dma_start3A_192 = tpu.memref_slice %arg2[%dma_start3A_190, %dma_start3A_191] : memref<10000x128xf32, #tpu.memory_space<hbm>> -> memref<10000x128xf32, #tpu.memory_space<hbm>>
          tpu.enqueue_indirect_dma source(%dma_start3A_192 : memref<10000x128xf32, #tpu.memory_space<hbm>>) target(%arg14 : memref<80x128xf32, #tpu.memory_space<vmem>>) offsets(%dma_start3A_189 : memref<80xi32, #tpu.memory_space<vmem>>) semaphore(%arg18 : memref<!tpu.dma_semaphore, #tpu.memory_space<semaphore_mem>>)
        } else {
        }
        %eq3A_184 = arith.constant 1 : i32
        %eq3A_185 = arith.cmpi eq, %arg0, %eq3A_184 : i32
        %convert_element_type3A_186 = arith.extui %eq3A_185 : i1 to i32
        %cond3A_187 = arith.constant 0 : i32
        %cond3A_188 = arith.cmpi ne, %convert_element_type3A_186, %cond3A_187 : i32
        scf.if %cond3A_188 {
          %dma_start3A_189 = tpu.memref_slice %arg10[%mul3A_178] : memref<10000xi32, #tpu.memory_space<vmem>> -> memref<80xi32, #tpu.memory_space<vmem>>
          %dma_start3A_190 = arith.constant 0 : i32
          %dma_start3A_191 = arith.constant 0 : i32
          %dma_start3A_192 = tpu.memref_slice %arg3[%dma_start3A_190, %dma_start3A_191] : memref<10000x128xf32, #tpu.memory_space<hbm>> -> memref<10000x128xf32, #tpu.memory_space<hbm>>
          tpu.enqueue_indirect_dma source(%dma_start3A_192 : memref<10000x128xf32, #tpu.memory_space<hbm>>) target(%arg14 : memref<80x128xf32, #tpu.memory_space<vmem>>) offsets(%dma_start3A_189 : memref<80xi32, #tpu.memory_space<vmem>>) semaphore(%arg18 : memref<!tpu.dma_semaphore, #tpu.memory_space<semaphore_mem>>)
        } else {
        }
      } else {
      }
      %add3A_122 = arith.constant 1 : i32
      %add3A_123 = arith.addi %mul3A_102, %add3A_122 : i32
      %mul3A_124 = arith.constant 80 : i32
      %mul3A_125 = arith.muli %add3A_123, %mul3A_124 : i32
      %dma_wait3A_126 = tpu.memref_slice %arg10[%mul3A_125] : memref<10000xi32, #tpu.memory_space<vmem>> -> memref<80xi32, #tpu.memory_space<vmem>>
      %dma_wait3A_127 = arith.constant 0 : i32
      %dma_wait3A_128 = arith.constant 0 : i32
      %dma_wait3A_129 = tpu.memref_slice %arg2[%dma_wait3A_127, %dma_wait3A_128] : memref<10000x128xf32, #tpu.memory_space<hbm>> -> memref<10000x128xf32, #tpu.memory_space<hbm>>
      tpu.wait_indirect_dma semaphore(%arg19 : memref<!tpu.dma_semaphore, #tpu.memory_space<semaphore_mem>>) src(%dma_wait3A_129 : memref<10000x128xf32, #tpu.memory_space<hbm>>) dst(%arg15 : memref<80x128xf32, #tpu.memory_space<vmem>>)
      %mul3A_130 = arith.constant 10000 : i32
      %mul3A_131 = arith.muli %arg1, %mul3A_130 : i32
      %mul3A_132 = arith.constant 80 : i32
      %mul3A_133 = arith.muli %add3A_123, %mul3A_132 : i32
      %add3A_134 = arith.addi %mul3A_131, %mul3A_133 : i32
      %dma_wait3A_135 = tpu.memref_slice %arg7[%add3A_134] : memref<160000xi32, #tpu.memory_space<hbm>> -> memref<80xi32, #tpu.memory_space<hbm>>
      %dma_wait3A_136 = tpu.memref_slice %arg7[%add3A_134] : memref<160000xi32, #tpu.memory_space<hbm>> -> memref<80xi32, #tpu.memory_space<hbm>>
      tpu.wait_dma2 semaphore(%arg22 : memref<!tpu.dma_semaphore, #tpu.memory_space<semaphore_mem>>) src(%dma_wait3A_136 : memref<80xi32, #tpu.memory_space<hbm>>) dst(%arg12 : memref<80xi32, #tpu.memory_space<vmem>>)
      "tpu.region"() ({
        %run_scoped3A = tpu.sem_alloc : memref<!tpu.dma_semaphore, #tpu.memory_space<semaphore_mem>>
        %dma_start3A_166 = arith.constant 0 : i32
        %dma_start3A_167 = arith.constant 0 : i32
        %dma_start3A_168 = tpu.memref_slice %arg17[%dma_start3A_166, %dma_start3A_167] : memref<10000x128xf32, #tpu.memory_space<vmem_shared>> -> memref<10000x128xf32, #tpu.memory_space<vmem_shared>>
        tpu.enqueue_indirect_dma source(%arg15 : memref<80x128xf32, #tpu.memory_space<vmem>>) target(%dma_start3A_168 : memref<10000x128xf32, #tpu.memory_space<vmem_shared>>) offsets(%arg12 : memref<80xi32, #tpu.memory_space<vmem>>) semaphore(%run_scoped3A : memref<!tpu.dma_semaphore, #tpu.memory_space<semaphore_mem>>) {add = true}
        %dma_wait3A_169 = arith.constant 0 : i32
        %dma_wait3A_170 = arith.constant 0 : i32
        %dma_wait3A_171 = tpu.memref_slice %arg17[%dma_wait3A_169, %dma_wait3A_170] : memref<10000x128xf32, #tpu.memory_space<vmem_shared>> -> memref<10000x128xf32, #tpu.memory_space<vmem_shared>>
        tpu.wait_indirect_dma semaphore(%run_scoped3A : memref<!tpu.dma_semaphore, #tpu.memory_space<semaphore_mem>>) src(%arg15 : memref<80x128xf32, #tpu.memory_space<vmem>>) dst(%dma_wait3A_171 : memref<10000x128xf32, #tpu.memory_space<vmem_shared>>)
        tpu.yield
      }) : () -> ()
      %add3A_137 = arith.constant 3 : i32
      %add3A_138 = arith.addi %add3A_123, %add3A_137 : i32
      %lt3A_139 = arith.constant 125 : i32
      %lt3A_140 = arith.cmpi slt, %add3A_138, %lt3A_139 : i32
      %convert_element_type3A_141 = arith.extui %lt3A_140 : i1 to i32
      %cond3A_142 = arith.constant 0 : i32
      %cond3A_143 = arith.cmpi ne, %convert_element_type3A_141, %cond3A_142 : i32
      scf.if %cond3A_143 {
        %add3A_166 = arith.constant 3 : i32
        %add3A_167 = arith.addi %add3A_123, %add3A_166 : i32
        %mul3A_168 = arith.constant 10000 : i32
        %mul3A_169 = arith.muli %arg1, %mul3A_168 : i32
        %mul3A_170 = arith.constant 80 : i32
        %mul3A_171 = arith.muli %add3A_167, %mul3A_170 : i32
        %add3A_172 = arith.addi %mul3A_169, %mul3A_171 : i32
        %dma_start3A_173 = tpu.memref_slice %arg7[%add3A_172] : memref<160000xi32, #tpu.memory_space<hbm>> -> memref<80xi32, #tpu.memory_space<hbm>>
        %dma_start3A_174 = tpu.memref_slice %arg7[%add3A_172] : memref<160000xi32, #tpu.memory_space<hbm>> -> memref<80xi32, #tpu.memory_space<hbm>>
        tpu.enqueue_dma source(%dma_start3A_174 : memref<80xi32, #tpu.memory_space<hbm>>) target(%arg12 : memref<80xi32, #tpu.memory_space<vmem>>) target_semaphore(%arg22 : memref<!tpu.dma_semaphore, #tpu.memory_space<semaphore_mem>>)
        %add3A_175 = arith.constant 3 : i32
        %add3A_176 = arith.addi %add3A_123, %add3A_175 : i32
        %mul3A_177 = arith.constant 80 : i32
        %mul3A_178 = arith.muli %add3A_176, %mul3A_177 : i32
        %eq3A_179 = arith.constant 0 : i32
        %eq3A_180 = arith.cmpi eq, %arg0, %eq3A_179 : i32
        %convert_element_type3A_181 = arith.extui %eq3A_180 : i1 to i32
        %cond3A_182 = arith.constant 0 : i32
        %cond3A_183 = arith.cmpi ne, %convert_element_type3A_181, %cond3A_182 : i32
        scf.if %cond3A_183 {
          %dma_start3A_189 = tpu.memref_slice %arg10[%mul3A_178] : memref<10000xi32, #tpu.memory_space<vmem>> -> memref<80xi32, #tpu.memory_space<vmem>>
          %dma_start3A_190 = arith.constant 0 : i32
          %dma_start3A_191 = arith.constant 0 : i32
          %dma_start3A_192 = tpu.memref_slice %arg2[%dma_start3A_190, %dma_start3A_191] : memref<10000x128xf32, #tpu.memory_space<hbm>> -> memref<10000x128xf32, #tpu.memory_space<hbm>>
          tpu.enqueue_indirect_dma source(%dma_start3A_192 : memref<10000x128xf32, #tpu.memory_space<hbm>>) target(%arg15 : memref<80x128xf32, #tpu.memory_space<vmem>>) offsets(%dma_start3A_189 : memref<80xi32, #tpu.memory_space<vmem>>) semaphore(%arg19 : memref<!tpu.dma_semaphore, #tpu.memory_space<semaphore_mem>>)
        } else {
        }
        %eq3A_184 = arith.constant 1 : i32
        %eq3A_185 = arith.cmpi eq, %arg0, %eq3A_184 : i32
        %convert_element_type3A_186 = arith.extui %eq3A_185 : i1 to i32
        %cond3A_187 = arith.constant 0 : i32
        %cond3A_188 = arith.cmpi ne, %convert_element_type3A_186, %cond3A_187 : i32
        scf.if %cond3A_188 {
          %dma_start3A_189 = tpu.memref_slice %arg10[%mul3A_178] : memref<10000xi32, #tpu.memory_space<vmem>> -> memref<80xi32, #tpu.memory_space<vmem>>
          %dma_start3A_190 = arith.constant 0 : i32
          %dma_start3A_191 = arith.constant 0 : i32
          %dma_start3A_192 = tpu.memref_slice %arg3[%dma_start3A_190, %dma_start3A_191] : memref<10000x128xf32, #tpu.memory_space<hbm>> -> memref<10000x128xf32, #tpu.memory_space<hbm>>
          tpu.enqueue_indirect_dma source(%dma_start3A_192 : memref<10000x128xf32, #tpu.memory_space<hbm>>) target(%arg15 : memref<80x128xf32, #tpu.memory_space<vmem>>) offsets(%dma_start3A_189 : memref<80xi32, #tpu.memory_space<vmem>>) semaphore(%arg19 : memref<!tpu.dma_semaphore, #tpu.memory_space<semaphore_mem>>)
        } else {
        }
      } else {
      }
      %add3A_144 = arith.constant 2 : i32
      %add3A_145 = arith.addi %mul3A_102, %add3A_144 : i32
      %mul3A_146 = arith.constant 80 : i32
      %mul3A_147 = arith.muli %add3A_145, %mul3A_146 : i32
      %dma_wait3A_148 = tpu.memref_slice %arg10[%mul3A_147] : memref<10000xi32, #tpu.memory_space<vmem>> -> memref<80xi32, #tpu.memory_space<vmem>>
      %dma_wait3A_149 = arith.constant 0 : i32
      %dma_wait3A_150 = arith.constant 0 : i32
      %dma_wait3A_151 = tpu.memref_slice %arg2[%dma_wait3A_149, %dma_wait3A_150] : memref<10000x128xf32, #tpu.memory_space<hbm>> -> memref<10000x128xf32, #tpu.memory_space<hbm>>
      tpu.wait_indirect_dma semaphore(%arg20 : memref<!tpu.dma_semaphore, #tpu.memory_space<semaphore_mem>>) src(%dma_wait3A_151 : memref<10000x128xf32, #tpu.memory_space<hbm>>) dst(%arg16 : memref<80x128xf32, #tpu.memory_space<vmem>>)
      %mul3A_152 = arith.constant 10000 : i32
      %mul3A_153 = arith.muli %arg1, %mul3A_152 : i32
      %mul3A_154 = arith.constant 80 : i32
      %mul3A_155 = arith.muli %add3A_145, %mul3A_154 : i32
      %add3A_156 = arith.addi %mul3A_153, %mul3A_155 : i32
      %dma_wait3A_157 = tpu.memref_slice %arg7[%add3A_156] : memref<160000xi32, #tpu.memory_space<hbm>> -> memref<80xi32, #tpu.memory_space<hbm>>
      %dma_wait3A_158 = tpu.memref_slice %arg7[%add3A_156] : memref<160000xi32, #tpu.memory_space<hbm>> -> memref<80xi32, #tpu.memory_space<hbm>>
      tpu.wait_dma2 semaphore(%arg23 : memref<!tpu.dma_semaphore, #tpu.memory_space<semaphore_mem>>) src(%dma_wait3A_158 : memref<80xi32, #tpu.memory_space<hbm>>) dst(%arg13 : memref<80xi32, #tpu.memory_space<vmem>>)
      "tpu.region"() ({
        %run_scoped3A = tpu.sem_alloc : memref<!tpu.dma_semaphore, #tpu.memory_space<semaphore_mem>>
        %dma_start3A_166 = arith.constant 0 : i32
        %dma_start3A_167 = arith.constant 0 : i32
        %dma_start3A_168 = tpu.memref_slice %arg17[%dma_start3A_166, %dma_start3A_167] : memref<10000x128xf32, #tpu.memory_space<vmem_shared>> -> memref<10000x128xf32, #tpu.memory_space<vmem_shared>>
        tpu.enqueue_indirect_dma source(%arg16 : memref<80x128xf32, #tpu.memory_space<vmem>>) target(%dma_start3A_168 : memref<10000x128xf32, #tpu.memory_space<vmem_shared>>) offsets(%arg13 : memref<80xi32, #tpu.memory_space<vmem>>) semaphore(%run_scoped3A : memref<!tpu.dma_semaphore, #tpu.memory_space<semaphore_mem>>) {add = true}
        %dma_wait3A_169 = arith.constant 0 : i32
        %dma_wait3A_170 = arith.constant 0 : i32
        %dma_wait3A_171 = tpu.memref_slice %arg17[%dma_wait3A_169, %dma_wait3A_170] : memref<10000x128xf32, #tpu.memory_space<vmem_shared>> -> memref<10000x128xf32, #tpu.memory_space<vmem_shared>>
        tpu.wait_indirect_dma semaphore(%run_scoped3A : memref<!tpu.dma_semaphore, #tpu.memory_space<semaphore_mem>>) src(%arg16 : memref<80x128xf32, #tpu.memory_space<vmem>>) dst(%dma_wait3A_171 : memref<10000x128xf32, #tpu.memory_space<vmem_shared>>)
        tpu.yield
      }) : () -> ()
      %add3A_159 = arith.constant 3 : i32
      %add3A_160 = arith.addi %add3A_145, %add3A_159 : i32
      %lt3A_161 = arith.constant 125 : i32
      %lt3A_162 = arith.cmpi slt, %add3A_160, %lt3A_161 : i32
      %convert_element_type3A_163 = arith.extui %lt3A_162 : i1 to i32
      %cond3A_164 = arith.constant 0 : i32
      %cond3A_165 = arith.cmpi ne, %convert_element_type3A_163, %cond3A_164 : i32
      scf.if %cond3A_165 {
        %add3A_166 = arith.constant 3 : i32
        %add3A_167 = arith.addi %add3A_145, %add3A_166 : i32
        %mul3A_168 = arith.constant 10000 : i32
        %mul3A_169 = arith.muli %arg1, %mul3A_168 : i32
        %mul3A_170 = arith.constant 80 : i32
        %mul3A_171 = arith.muli %add3A_167, %mul3A_170 : i32
        %add3A_172 = arith.addi %mul3A_169, %mul3A_171 : i32
        %dma_start3A_173 = tpu.memref_slice %arg7[%add3A_172] : memref<160000xi32, #tpu.memory_space<hbm>> -> memref<80xi32, #tpu.memory_space<hbm>>
        %dma_start3A_174 = tpu.memref_slice %arg7[%add3A_172] : memref<160000xi32, #tpu.memory_space<hbm>> -> memref<80xi32, #tpu.memory_space<hbm>>
        tpu.enqueue_dma source(%dma_start3A_174 : memref<80xi32, #tpu.memory_space<hbm>>) target(%arg13 : memref<80xi32, #tpu.memory_space<vmem>>) target_semaphore(%arg23 : memref<!tpu.dma_semaphore, #tpu.memory_space<semaphore_mem>>)
        %add3A_175 = arith.constant 3 : i32
        %add3A_176 = arith.addi %add3A_145, %add3A_175 : i32
        %mul3A_177 = arith.constant 80 : i32
        %mul3A_178 = arith.muli %add3A_176, %mul3A_177 : i32
        %eq3A_179 = arith.constant 0 : i32
        %eq3A_180 = arith.cmpi eq, %arg0, %eq3A_179 : i32
        %convert_element_type3A_181 = arith.extui %eq3A_180 : i1 to i32
        %cond3A_182 = arith.constant 0 : i32
        %cond3A_183 = arith.cmpi ne, %convert_element_type3A_181, %cond3A_182 : i32
        scf.if %cond3A_183 {
          %dma_start3A_189 = tpu.memref_slice %arg10[%mul3A_178] : memref<10000xi32, #tpu.memory_space<vmem>> -> memref<80xi32, #tpu.memory_space<vmem>>
          %dma_start3A_190 = arith.constant 0 : i32
          %dma_start3A_191 = arith.constant 0 : i32
          %dma_start3A_192 = tpu.memref_slice %arg2[%dma_start3A_190, %dma_start3A_191] : memref<10000x128xf32, #tpu.memory_space<hbm>> -> memref<10000x128xf32, #tpu.memory_space<hbm>>
          tpu.enqueue_indirect_dma source(%dma_start3A_192 : memref<10000x128xf32, #tpu.memory_space<hbm>>) target(%arg16 : memref<80x128xf32, #tpu.memory_space<vmem>>) offsets(%dma_start3A_189 : memref<80xi32, #tpu.memory_space<vmem>>) semaphore(%arg20 : memref<!tpu.dma_semaphore, #tpu.memory_space<semaphore_mem>>)
        } else {
        }
        %eq3A_184 = arith.constant 1 : i32
        %eq3A_185 = arith.cmpi eq, %arg0, %eq3A_184 : i32
        %convert_element_type3A_186 = arith.extui %eq3A_185 : i1 to i32
        %cond3A_187 = arith.constant 0 : i32
        %cond3A_188 = arith.cmpi ne, %convert_element_type3A_186, %cond3A_187 : i32
        scf.if %cond3A_188 {
          %dma_start3A_189 = tpu.memref_slice %arg10[%mul3A_178] : memref<10000xi32, #tpu.memory_space<vmem>> -> memref<80xi32, #tpu.memory_space<vmem>>
          %dma_start3A_190 = arith.constant 0 : i32
          %dma_start3A_191 = arith.constant 0 : i32
          %dma_start3A_192 = tpu.memref_slice %arg3[%dma_start3A_190, %dma_start3A_191] : memref<10000x128xf32, #tpu.memory_space<hbm>> -> memref<10000x128xf32, #tpu.memory_space<hbm>>
          tpu.enqueue_indirect_dma source(%dma_start3A_192 : memref<10000x128xf32, #tpu.memory_space<hbm>>) target(%arg16 : memref<80x128xf32, #tpu.memory_space<vmem>>) offsets(%dma_start3A_189 : memref<80xi32, #tpu.memory_space<vmem>>) semaphore(%arg20 : memref<!tpu.dma_semaphore, #tpu.memory_space<semaphore_mem>>)
        } else {
        }
      } else {
      }
    }
    %scan3A_66 = arith.constant 41 : i32
    %dma_wait3A_67 = arith.constant 9840 : i32
    %dma_wait3A_68 = tpu.memref_slice %arg10[%dma_wait3A_67] : memref<10000xi32, #tpu.memory_space<vmem>> -> memref<80xi32, #tpu.memory_space<vmem>>
    %dma_wait3A_69 = arith.constant 0 : i32
    %dma_wait3A_70 = arith.constant 0 : i32
    %dma_wait3A_71 = tpu.memref_slice %arg2[%dma_wait3A_69, %dma_wait3A_70] : memref<10000x128xf32, #tpu.memory_space<hbm>> -> memref<10000x128xf32, #tpu.memory_space<hbm>>
    tpu.wait_indirect_dma semaphore(%arg18 : memref<!tpu.dma_semaphore, #tpu.memory_space<semaphore_mem>>) src(%dma_wait3A_71 : memref<10000x128xf32, #tpu.memory_space<hbm>>) dst(%arg14 : memref<80x128xf32, #tpu.memory_space<vmem>>)
    %mul3A_72 = arith.constant 10000 : i32
    %mul3A_73 = arith.muli %arg1, %mul3A_72 : i32
    %add3A_74 = arith.constant 9840 : i32
    %add3A_75 = arith.addi %mul3A_73, %add3A_74 : i32
    %dma_wait3A_76 = tpu.memref_slice %arg7[%add3A_75] : memref<160000xi32, #tpu.memory_space<hbm>> -> memref<80xi32, #tpu.memory_space<hbm>>
    %dma_wait3A_77 = tpu.memref_slice %arg7[%add3A_75] : memref<160000xi32, #tpu.memory_space<hbm>> -> memref<80xi32, #tpu.memory_space<hbm>>
    tpu.wait_dma2 semaphore(%arg21 : memref<!tpu.dma_semaphore, #tpu.memory_space<semaphore_mem>>) src(%dma_wait3A_77 : memref<80xi32, #tpu.memory_space<hbm>>) dst(%arg11 : memref<80xi32, #tpu.memory_space<vmem>>)
    "tpu.region"() ({
      %run_scoped3A = tpu.sem_alloc : memref<!tpu.dma_semaphore, #tpu.memory_space<semaphore_mem>>
      %dma_start3A_100 = arith.constant 0 : i32
      %dma_start3A_101 = arith.constant 0 : i32
      %dma_start3A_102 = tpu.memref_slice %arg17[%dma_start3A_100, %dma_start3A_101] : memref<10000x128xf32, #tpu.memory_space<vmem_shared>> -> memref<10000x128xf32, #tpu.memory_space<vmem_shared>>
      tpu.enqueue_indirect_dma source(%arg14 : memref<80x128xf32, #tpu.memory_space<vmem>>) target(%dma_start3A_102 : memref<10000x128xf32, #tpu.memory_space<vmem_shared>>) offsets(%arg11 : memref<80xi32, #tpu.memory_space<vmem>>) semaphore(%run_scoped3A : memref<!tpu.dma_semaphore, #tpu.memory_space<semaphore_mem>>) {add = true}
      %dma_wait3A_103 = arith.constant 0 : i32
      %dma_wait3A_104 = arith.constant 0 : i32
      %dma_wait3A_105 = tpu.memref_slice %arg17[%dma_wait3A_103, %dma_wait3A_104] : memref<10000x128xf32, #tpu.memory_space<vmem_shared>> -> memref<10000x128xf32, #tpu.memory_space<vmem_shared>>
      tpu.wait_indirect_dma semaphore(%run_scoped3A : memref<!tpu.dma_semaphore, #tpu.memory_space<semaphore_mem>>) src(%arg14 : memref<80x128xf32, #tpu.memory_space<vmem>>) dst(%dma_wait3A_105 : memref<10000x128xf32, #tpu.memory_space<vmem_shared>>)
      tpu.yield
    }) : () -> ()
    %dma_wait3A_78 = arith.constant 9920 : i32
    %dma_wait3A_79 = tpu.memref_slice %arg10[%dma_wait3A_78] : memref<10000xi32, #tpu.memory_space<vmem>> -> memref<80xi32, #tpu.memory_space<vmem>>
    %dma_wait3A_80 = arith.constant 0 : i32
    %dma_wait3A_81 = arith.constant 0 : i32
    %dma_wait3A_82 = tpu.memref_slice %arg2[%dma_wait3A_80, %dma_wait3A_81] : memref<10000x128xf32, #tpu.memory_space<hbm>> -> memref<10000x128xf32, #tpu.memory_space<hbm>>
    tpu.wait_indirect_dma semaphore(%arg19 : memref<!tpu.dma_semaphore, #tpu.memory_space<semaphore_mem>>) src(%dma_wait3A_82 : memref<10000x128xf32, #tpu.memory_space<hbm>>) dst(%arg15 : memref<80x128xf32, #tpu.memory_space<vmem>>)
    %mul3A_83 = arith.constant 10000 : i32
    %mul3A_84 = arith.muli %arg1, %mul3A_83 : i32
    %add3A_85 = arith.constant 9920 : i32
    %add3A_86 = arith.addi %mul3A_84, %add3A_85 : i32
    %dma_wait3A_87 = tpu.memref_slice %arg7[%add3A_86] : memref<160000xi32, #tpu.memory_space<hbm>> -> memref<80xi32, #tpu.memory_space<hbm>>
    %dma_wait3A_88 = tpu.memref_slice %arg7[%add3A_86] : memref<160000xi32, #tpu.memory_space<hbm>> -> memref<80xi32, #tpu.memory_space<hbm>>
    tpu.wait_dma2 semaphore(%arg22 : memref<!tpu.dma_semaphore, #tpu.memory_space<semaphore_mem>>) src(%dma_wait3A_88 : memref<80xi32, #tpu.memory_space<hbm>>) dst(%arg12 : memref<80xi32, #tpu.memory_space<vmem>>)
    "tpu.region"() ({
      %run_scoped3A = tpu.sem_alloc : memref<!tpu.dma_semaphore, #tpu.memory_space<semaphore_mem>>
      %dma_start3A_100 = arith.constant 0 : i32
      %dma_start3A_101 = arith.constant 0 : i32
      %dma_start3A_102 = tpu.memref_slice %arg17[%dma_start3A_100, %dma_start3A_101] : memref<10000x128xf32, #tpu.memory_space<vmem_shared>> -> memref<10000x128xf32, #tpu.memory_space<vmem_shared>>
      tpu.enqueue_indirect_dma source(%arg15 : memref<80x128xf32, #tpu.memory_space<vmem>>) target(%dma_start3A_102 : memref<10000x128xf32, #tpu.memory_space<vmem_shared>>) offsets(%arg12 : memref<80xi32, #tpu.memory_space<vmem>>) semaphore(%run_scoped3A : memref<!tpu.dma_semaphore, #tpu.memory_space<semaphore_mem>>) {add = true}
      %dma_wait3A_103 = arith.constant 0 : i32
      %dma_wait3A_104 = arith.constant 0 : i32
      %dma_wait3A_105 = tpu.memref_slice %arg17[%dma_wait3A_103, %dma_wait3A_104] : memref<10000x128xf32, #tpu.memory_space<vmem_shared>> -> memref<10000x128xf32, #tpu.memory_space<vmem_shared>>
      tpu.wait_indirect_dma semaphore(%run_scoped3A : memref<!tpu.dma_semaphore, #tpu.memory_space<semaphore_mem>>) src(%arg15 : memref<80x128xf32, #tpu.memory_space<vmem>>) dst(%dma_wait3A_105 : memref<10000x128xf32, #tpu.memory_space<vmem_shared>>)
      tpu.yield
    }) : () -> ()
    %barrier3A_89 = arith.constant 0 : index
    tpu.barrier barrier_id(%barrier3A_89)
    %eq3A_90 = arith.constant 0 : i32
    %eq3A_91 = arith.cmpi eq, %arg0, %eq3A_90 : i32
    %convert_element_type3A_92 = arith.extui %eq3A_91 : i1 to i32
    %cond3A_93 = arith.constant 0 : i32
    %cond3A_94 = arith.cmpi ne, %convert_element_type3A_92, %cond3A_93 : i32
    scf.if %cond3A_94 {
      "tpu.region"() ({
        %run_scoped3A = tpu.sem_alloc : memref<!tpu.dma_semaphore, #tpu.memory_space<semaphore_mem>>
        %dma_start3A_105 = arith.constant 0 : i32
        %dma_start3A_106 = tpu.memref_slice %arg8[%mul3A_0, %dma_start3A_105] : memref<10000x128xf32, #tpu.memory_space<hbm>> -> memref<624x128xf32, #tpu.memory_space<hbm>>
        %dma_start3A_107 = arith.constant 0 : i32
        %dma_start3A_108 = tpu.memref_slice %arg17[%mul3A_0, %dma_start3A_107] : memref<10000x128xf32, #tpu.memory_space<vmem_shared>> -> memref<624x128xf32, #tpu.memory_space<vmem_shared>>
        tpu.enqueue_dma source(%dma_start3A_108 : memref<624x128xf32, #tpu.memory_space<vmem_shared>>) target(%dma_start3A_106 : memref<624x128xf32, #tpu.memory_space<hbm>>) target_semaphore(%run_scoped3A : memref<!tpu.dma_semaphore, #tpu.memory_space<semaphore_mem>>)
        %dma_wait3A_109 = arith.constant 0 : i32
        %dma_wait3A_110 = tpu.memref_slice %arg8[%mul3A_0, %dma_wait3A_109] : memref<10000x128xf32, #tpu.memory_space<hbm>> -> memref<624x128xf32, #tpu.memory_space<hbm>>
        %dma_wait3A_111 = arith.constant 0 : i32
        %dma_wait3A_112 = tpu.memref_slice %arg17[%mul3A_0, %dma_wait3A_111] : memref<10000x128xf32, #tpu.memory_space<vmem_shared>> -> memref<624x128xf32, #tpu.memory_space<vmem_shared>>
        tpu.wait_dma2 semaphore(%run_scoped3A : memref<!tpu.dma_semaphore, #tpu.memory_space<semaphore_mem>>) src(%dma_wait3A_112 : memref<624x128xf32, #tpu.memory_space<vmem_shared>>) dst(%dma_wait3A_110 : memref<624x128xf32, #tpu.memory_space<hbm>>)
        tpu.yield
      }) : () -> ()
      %eq3A_100 = arith.constant 15 : i32
      %eq3A_101 = arith.cmpi eq, %arg1, %eq3A_100 : i32
      %convert_element_type3A_102 = arith.extui %eq3A_101 : i1 to i32
      %cond3A_103 = arith.constant 0 : i32
      %cond3A_104 = arith.cmpi ne, %convert_element_type3A_102, %cond3A_103 : i32
      scf.if %cond3A_104 {
        "tpu.region"() ({
          %run_scoped3A = tpu.sem_alloc : memref<!tpu.dma_semaphore, #tpu.memory_space<semaphore_mem>>
          %dma_start3A_105 = arith.constant 9984 : i32
          %dma_start3A_106 = arith.constant 0 : i32
          %dma_start3A_107 = tpu.memref_slice %arg8[%dma_start3A_105, %dma_start3A_106] : memref<10000x128xf32, #tpu.memory_space<hbm>> -> memref<16x128xf32, #tpu.memory_space<hbm>>
          %dma_start3A_108 = arith.constant 9984 : i32
          %dma_start3A_109 = arith.constant 0 : i32
          %dma_start3A_110 = tpu.memref_slice %arg17[%dma_start3A_108, %dma_start3A_109] : memref<10000x128xf32, #tpu.memory_space<vmem_shared>> -> memref<16x128xf32, #tpu.memory_space<vmem_shared>>
          tpu.enqueue_dma source(%dma_start3A_110 : memref<16x128xf32, #tpu.memory_space<vmem_shared>>) target(%dma_start3A_107 : memref<16x128xf32, #tpu.memory_space<hbm>>) target_semaphore(%run_scoped3A : memref<!tpu.dma_semaphore, #tpu.memory_space<semaphore_mem>>)
          %dma_wait3A_111 = arith.constant 9984 : i32
          %dma_wait3A_112 = arith.constant 0 : i32
          %dma_wait3A_113 = tpu.memref_slice %arg8[%dma_wait3A_111, %dma_wait3A_112] : memref<10000x128xf32, #tpu.memory_space<hbm>> -> memref<16x128xf32, #tpu.memory_space<hbm>>
          %dma_wait3A_114 = arith.constant 9984 : i32
          %dma_wait3A_115 = arith.constant 0 : i32
          %dma_wait3A_116 = tpu.memref_slice %arg17[%dma_wait3A_114, %dma_wait3A_115] : memref<10000x128xf32, #tpu.memory_space<vmem_shared>> -> memref<16x128xf32, #tpu.memory_space<vmem_shared>>
          tpu.wait_dma2 semaphore(%run_scoped3A : memref<!tpu.dma_semaphore, #tpu.memory_space<semaphore_mem>>) src(%dma_wait3A_116 : memref<16x128xf32, #tpu.memory_space<vmem_shared>>) dst(%dma_wait3A_113 : memref<16x128xf32, #tpu.memory_space<hbm>>)
          tpu.yield
        }) : () -> ()
      } else {
      }
    } else {
    }
    %eq3A_95 = arith.constant 1 : i32
    %eq3A_96 = arith.cmpi eq, %arg0, %eq3A_95 : i32
    %convert_element_type3A_97 = arith.extui %eq3A_96 : i1 to i32
    %cond3A_98 = arith.constant 0 : i32
    %cond3A_99 = arith.cmpi ne, %convert_element_type3A_97, %cond3A_98 : i32
    scf.if %cond3A_99 {
      "tpu.region"() ({
        %run_scoped3A = tpu.sem_alloc : memref<!tpu.dma_semaphore, #tpu.memory_space<semaphore_mem>>
        %dma_start3A_105 = arith.constant 0 : i32
        %dma_start3A_106 = tpu.memref_slice %arg9[%mul3A_0, %dma_start3A_105] : memref<10000x128xf32, #tpu.memory_space<hbm>> -> memref<624x128xf32, #tpu.memory_space<hbm>>
        %dma_start3A_107 = arith.constant 0 : i32
        %dma_start3A_108 = tpu.memref_slice %arg17[%mul3A_0, %dma_start3A_107] : memref<10000x128xf32, #tpu.memory_space<vmem_shared>> -> memref<624x128xf32, #tpu.memory_space<vmem_shared>>
        tpu.enqueue_dma source(%dma_start3A_108 : memref<624x128xf32, #tpu.memory_space<vmem_shared>>) target(%dma_start3A_106 : memref<624x128xf32, #tpu.memory_space<hbm>>) target_semaphore(%run_scoped3A : memref<!tpu.dma_semaphore, #tpu.memory_space<semaphore_mem>>)
        %dma_wait3A_109 = arith.constant 0 : i32
        %dma_wait3A_110 = tpu.memref_slice %arg9[%mul3A_0, %dma_wait3A_109] : memref<10000x128xf32, #tpu.memory_space<hbm>> -> memref<624x128xf32, #tpu.memory_space<hbm>>
        %dma_wait3A_111 = arith.constant 0 : i32
        %dma_wait3A_112 = tpu.memref_slice %arg17[%mul3A_0, %dma_wait3A_111] : memref<10000x128xf32, #tpu.memory_space<vmem_shared>> -> memref<624x128xf32, #tpu.memory_space<vmem_shared>>
        tpu.wait_dma2 semaphore(%run_scoped3A : memref<!tpu.dma_semaphore, #tpu.memory_space<semaphore_mem>>) src(%dma_wait3A_112 : memref<624x128xf32, #tpu.memory_space<vmem_shared>>) dst(%dma_wait3A_110 : memref<624x128xf32, #tpu.memory_space<hbm>>)
        tpu.yield
      }) : () -> ()
      %eq3A_100 = arith.constant 15 : i32
      %eq3A_101 = arith.cmpi eq, %arg1, %eq3A_100 : i32
      %convert_element_type3A_102 = arith.extui %eq3A_101 : i1 to i32
      %cond3A_103 = arith.constant 0 : i32
      %cond3A_104 = arith.cmpi ne, %convert_element_type3A_102, %cond3A_103 : i32
      scf.if %cond3A_104 {
        "tpu.region"() ({
          %run_scoped3A = tpu.sem_alloc : memref<!tpu.dma_semaphore, #tpu.memory_space<semaphore_mem>>
          %dma_start3A_105 = arith.constant 9984 : i32
          %dma_start3A_106 = arith.constant 0 : i32
          %dma_start3A_107 = tpu.memref_slice %arg9[%dma_start3A_105, %dma_start3A_106] : memref<10000x128xf32, #tpu.memory_space<hbm>> -> memref<16x128xf32, #tpu.memory_space<hbm>>
          %dma_start3A_108 = arith.constant 9984 : i32
          %dma_start3A_109 = arith.constant 0 : i32
          %dma_start3A_110 = tpu.memref_slice %arg17[%dma_start3A_108, %dma_start3A_109] : memref<10000x128xf32, #tpu.memory_space<vmem_shared>> -> memref<16x128xf32, #tpu.memory_space<vmem_shared>>
          tpu.enqueue_dma source(%dma_start3A_110 : memref<16x128xf32, #tpu.memory_space<vmem_shared>>) target(%dma_start3A_107 : memref<16x128xf32, #tpu.memory_space<hbm>>) target_semaphore(%run_scoped3A : memref<!tpu.dma_semaphore, #tpu.memory_space<semaphore_mem>>)
          %dma_wait3A_111 = arith.constant 9984 : i32
          %dma_wait3A_112 = arith.constant 0 : i32
          %dma_wait3A_113 = tpu.memref_slice %arg9[%dma_wait3A_111, %dma_wait3A_112] : memref<10000x128xf32, #tpu.memory_space<hbm>> -> memref<16x128xf32, #tpu.memory_space<hbm>>
          %dma_wait3A_114 = arith.constant 9984 : i32
          %dma_wait3A_115 = arith.constant 0 : i32
          %dma_wait3A_116 = tpu.memref_slice %arg17[%dma_wait3A_114, %dma_wait3A_115] : memref<10000x128xf32, #tpu.memory_space<vmem_shared>> -> memref<16x128xf32, #tpu.memory_space<vmem_shared>>
          tpu.wait_dma2 semaphore(%run_scoped3A : memref<!tpu.dma_semaphore, #tpu.memory_space<semaphore_mem>>) src(%dma_wait3A_116 : memref<16x128xf32, #tpu.memory_space<vmem_shared>>) dst(%dma_wait3A_113 : memref<16x128xf32, #tpu.memory_space<hbm>>)
          tpu.yield
        }) : () -> ()
      } else {
      }
    } else {
    }
    return
  }
}

#map = affine_map<(d0, d1) -> (0, 0)>
#map1 = affine_map<(d0, d1) -> (0)>
module attributes {stable_mosaic.version = 14 : i64} {
  func.func @_sc_aggregate(%arg0: i32, %arg1: i32, %arg2: memref<10000x128xf32, #tpu.memory_space<hbm>>, %arg3: memref<10000x128xf32, #tpu.memory_space<hbm>>, %arg4: memref<10000x128xf32, #tpu.memory_space<hbm>>, %arg5: memref<10000x128xf32, #tpu.memory_space<hbm>>, %arg6: memref<16x10000xi32, #tpu.memory_space<hbm>>, %arg7: memref<160000xi32, #tpu.memory_space<hbm>>, %arg8: memref<10000x128xf32, #tpu.memory_space<hbm>>, %arg9: memref<10000x128xf32, #tpu.memory_space<hbm>>, %arg10: memref<10000xi32, #tpu.memory_space<vmem>>, %arg11: memref<80xi32, #tpu.memory_space<vmem>>, %arg12: memref<80xi32, #tpu.memory_space<vmem>>, %arg13: memref<80xi32, #tpu.memory_space<vmem>>, %arg14: memref<80x128xf32, #tpu.memory_space<vmem>>, %arg15: memref<80x128xf32, #tpu.memory_space<vmem>>, %arg16: memref<80x128xf32, #tpu.memory_space<vmem>>, %arg17: memref<10000x128xf32, #tpu.memory_space<vmem_shared>>, %arg18: memref<!tpu.dma_semaphore, #tpu.memory_space<semaphore_mem>>, %arg19: memref<!tpu.dma_semaphore, #tpu.memory_space<semaphore_mem>>, %arg20: memref<!tpu.dma_semaphore, #tpu.memory_space<semaphore_mem>>, %arg21: memref<!tpu.dma_semaphore, #tpu.memory_space<semaphore_mem>>, %arg22: memref<!tpu.dma_semaphore, #tpu.memory_space<semaphore_mem>>, %arg23: memref<!tpu.dma_semaphore, #tpu.memory_space<semaphore_mem>>) attributes {dimension_semantics = [#tpu.dimension_semantics<core_parallel>, #tpu.dimension_semantics<subcore_parallel>], iteration_bounds = array<i64: 2, 16>, scalar_prefetch = 0 : i64, scratch_operands = 14 : i64, tpu.core_type = #tpu.core_type<sc_vector_subcore>, window_params = [{transform_indices = #map}, {transform_indices = #map}, {transform_indices = #map}, {transform_indices = #map}, {transform_indices = #map}, {transform_indices = #map1}, {transform_indices = #map}, {transform_indices = #map}]} {
    %mul3A = arith.constant 624 : i32
    %mul3A_0 = arith.muli %arg1, %mul3A : i32
    %eq3A = arith.constant 0 : i32
    %eq3A_1 = arith.cmpi eq, %arg0, %eq3A : i32
    %convert_element_type3A = arith.extui %eq3A_1 : i1 to i32
    %cond3A = arith.constant 0 : i32
    %cond3A_2 = arith.cmpi ne, %convert_element_type3A, %cond3A : i32
    scf.if %cond3A_2 {
      %dma_start3A_100 = arith.constant 0 : i32
      %dma_start3A_101 = tpu.memref_slice %arg17[%mul3A_0, %dma_start3A_100] : memref<10000x128xf32, #tpu.memory_space<vmem_shared>> -> memref<624x128xf32, #tpu.memory_space<vmem_shared>>
      %dma_start3A_102 = arith.constant 0 : i32
      %dma_start3A_103 = tpu.memref_slice %arg4[%mul3A_0, %dma_start3A_102] : memref<10000x128xf32, #tpu.memory_space<hbm>> -> memref<624x128xf32, #tpu.memory_space<hbm>>
      tpu.enqueue_dma source(%dma_start3A_103 : memref<624x128xf32, #tpu.memory_space<hbm>>) target(%dma_start3A_101 : memref<624x128xf32, #tpu.memory_space<vmem_shared>>) target_semaphore(%arg18 : memref<!tpu.dma_semaphore, #tpu.memory_space<semaphore_mem>>)
      %eq3A_104 = arith.constant 15 : i32
      %eq3A_105 = arith.cmpi eq, %arg1, %eq3A_104 : i32
      %convert_element_type3A_106 = arith.extui %eq3A_105 : i1 to i32
      %cond3A_107 = arith.constant 0 : i32
      %cond3A_108 = arith.cmpi ne, %convert_element_type3A_106, %cond3A_107 : i32
      scf.if %cond3A_108 {
        %dma_start3A_109 = arith.constant 9984 : i32
        %dma_start3A_110 = arith.constant 0 : i32
        %dma_start3A_111 = tpu.memref_slice %arg17[%dma_start3A_109, %dma_start3A_110] : memref<10000x128xf32, #tpu.memory_space<vmem_shared>> -> memref<16x128xf32, #tpu.memory_space<vmem_shared>>
        %dma_start3A_112 = arith.constant 9984 : i32
        %dma_start3A_113 = arith.constant 0 : i32
        %dma_start3A_114 = tpu.memref_slice %arg4[%dma_start3A_112, %dma_start3A_113] : memref<10000x128xf32, #tpu.memory_space<hbm>> -> memref<16x128xf32, #tpu.memory_space<hbm>>
        tpu.enqueue_dma source(%dma_start3A_114 : memref<16x128xf32, #tpu.memory_space<hbm>>) target(%dma_start3A_111 : memref<16x128xf32, #tpu.memory_space<vmem_shared>>) target_semaphore(%arg19 : memref<!tpu.dma_semaphore, #tpu.memory_space<semaphore_mem>>)
      } else {
      }
    } else {
    }
    %eq3A_3 = arith.constant 1 : i32
    %eq3A_4 = arith.cmpi eq, %arg0, %eq3A_3 : i32
    %convert_element_type3A_5 = arith.extui %eq3A_4 : i1 to i32
    %cond3A_6 = arith.constant 0 : i32
    %cond3A_7 = arith.cmpi ne, %convert_element_type3A_5, %cond3A_6 : i32
    scf.if %cond3A_7 {
      %dma_start3A_100 = arith.constant 0 : i32
      %dma_start3A_101 = tpu.memref_slice %arg17[%mul3A_0, %dma_start3A_100] : memref<10000x128xf32, #tpu.memory_space<vmem_shared>> -> memref<624x128xf32, #tpu.memory_space<vmem_shared>>
      %dma_start3A_102 = arith.constant 0 : i32
      %dma_start3A_103 = tpu.memref_slice %arg5[%mul3A_0, %dma_start3A_102] : memref<10000x128xf32, #tpu.memory_space<hbm>> -> memref<624x128xf32, #tpu.memory_space<hbm>>
      tpu.enqueue_dma source(%dma_start3A_103 : memref<624x128xf32, #tpu.memory_space<hbm>>) target(%dma_start3A_101 : memref<624x128xf32, #tpu.memory_space<vmem_shared>>) target_semaphore(%arg18 : memref<!tpu.dma_semaphore, #tpu.memory_space<semaphore_mem>>)
      %eq3A_104 = arith.constant 15 : i32
      %eq3A_105 = arith.cmpi eq, %arg1, %eq3A_104 : i32
      %convert_element_type3A_106 = arith.extui %eq3A_105 : i1 to i32
      %cond3A_107 = arith.constant 0 : i32
      %cond3A_108 = arith.cmpi ne, %convert_element_type3A_106, %cond3A_107 : i32
      scf.if %cond3A_108 {
        %dma_start3A_109 = arith.constant 9984 : i32
        %dma_start3A_110 = arith.constant 0 : i32
        %dma_start3A_111 = tpu.memref_slice %arg17[%dma_start3A_109, %dma_start3A_110] : memref<10000x128xf32, #tpu.memory_space<vmem_shared>> -> memref<16x128xf32, #tpu.memory_space<vmem_shared>>
        %dma_start3A_112 = arith.constant 9984 : i32
        %dma_start3A_113 = arith.constant 0 : i32
        %dma_start3A_114 = tpu.memref_slice %arg5[%dma_start3A_112, %dma_start3A_113] : memref<10000x128xf32, #tpu.memory_space<hbm>> -> memref<16x128xf32, #tpu.memory_space<hbm>>
        tpu.enqueue_dma source(%dma_start3A_114 : memref<16x128xf32, #tpu.memory_space<hbm>>) target(%dma_start3A_111 : memref<16x128xf32, #tpu.memory_space<vmem_shared>>) target_semaphore(%arg19 : memref<!tpu.dma_semaphore, #tpu.memory_space<semaphore_mem>>)
      } else {
      }
    } else {
    }
    "tpu.region"() ({
      %run_scoped3A = tpu.sem_alloc : memref<!tpu.dma_semaphore, #tpu.memory_space<semaphore_mem>>
      %dma_start3A_100 = arith.constant 0 : i32
      %dma_start3A_101 = tpu.memref_slice %arg6[%arg1, %dma_start3A_100] : memref<16x10000xi32, #tpu.memory_space<hbm>> -> memref<1x10000xi32, #tpu.memory_space<hbm>>
      %dma_start3A_102 = tpu.memref_squeeze %dma_start3A_101 : memref<1x10000xi32, #tpu.memory_space<hbm>> -> memref<10000xi32, #tpu.memory_space<hbm>>
      %dma_start3A_103 = arith.constant 0 : i32
      %dma_start3A_104 = tpu.memref_slice %arg6[%arg1, %dma_start3A_103] : memref<16x10000xi32, #tpu.memory_space<hbm>> -> memref<1x10000xi32, #tpu.memory_space<hbm>>
      %dma_start3A_105 = tpu.memref_squeeze %dma_start3A_104 : memref<1x10000xi32, #tpu.memory_space<hbm>> -> memref<10000xi32, #tpu.memory_space<hbm>>
      tpu.enqueue_dma source(%dma_start3A_105 : memref<10000xi32, #tpu.memory_space<hbm>>) target(%arg10 : memref<10000xi32, #tpu.memory_space<vmem>>) target_semaphore(%run_scoped3A : memref<!tpu.dma_semaphore, #tpu.memory_space<semaphore_mem>>)
      %dma_wait3A_106 = arith.constant 0 : i32
      %dma_wait3A_107 = tpu.memref_slice %arg6[%arg1, %dma_wait3A_106] : memref<16x10000xi32, #tpu.memory_space<hbm>> -> memref<1x10000xi32, #tpu.memory_space<hbm>>
      %dma_wait3A_108 = tpu.memref_squeeze %dma_wait3A_107 : memref<1x10000xi32, #tpu.memory_space<hbm>> -> memref<10000xi32, #tpu.memory_space<hbm>>
      %dma_wait3A_109 = arith.constant 0 : i32
      %dma_wait3A_110 = tpu.memref_slice %arg6[%arg1, %dma_wait3A_109] : memref<16x10000xi32, #tpu.memory_space<hbm>> -> memref<1x10000xi32, #tpu.memory_space<hbm>>
      %dma_wait3A_111 = tpu.memref_squeeze %dma_wait3A_110 : memref<1x10000xi32, #tpu.memory_space<hbm>> -> memref<10000xi32, #tpu.memory_space<hbm>>
      tpu.wait_dma2 semaphore(%run_scoped3A : memref<!tpu.dma_semaphore, #tpu.memory_space<semaphore_mem>>) src(%dma_wait3A_111 : memref<10000xi32, #tpu.memory_space<hbm>>) dst(%arg10 : memref<10000xi32, #tpu.memory_space<vmem>>)
      tpu.yield
    }) : () -> ()
    %dma_wait3A = arith.constant 0 : i32
    %dma_wait3A_8 = tpu.memref_slice %arg17[%mul3A_0, %dma_wait3A] : memref<10000x128xf32, #tpu.memory_space<vmem_shared>> -> memref<624x128xf32, #tpu.memory_space<vmem_shared>>
    %dma_wait3A_9 = arith.constant 0 : i32
    %dma_wait3A_10 = tpu.memref_slice %arg4[%mul3A_0, %dma_wait3A_9] : memref<10000x128xf32, #tpu.memory_space<hbm>> -> memref<624x128xf32, #tpu.memory_space<hbm>>
    tpu.wait_dma2 semaphore(%arg18 : memref<!tpu.dma_semaphore, #tpu.memory_space<semaphore_mem>>) src(%dma_wait3A_10 : memref<624x128xf32, #tpu.memory_space<hbm>>) dst(%dma_wait3A_8 : memref<624x128xf32, #tpu.memory_space<vmem_shared>>)
    %eq3A_11 = arith.constant 15 : i32
    %eq3A_12 = arith.cmpi eq, %arg1, %eq3A_11 : i32
    %convert_element_type3A_13 = arith.extui %eq3A_12 : i1 to i32
    %cond3A_14 = arith.constant 0 : i32
    %cond3A_15 = arith.cmpi ne, %convert_element_type3A_13, %cond3A_14 : i32
    scf.if %cond3A_15 {
      %dma_wait3A_100 = arith.constant 9984 : i32
      %dma_wait3A_101 = arith.constant 0 : i32
      %dma_wait3A_102 = tpu.memref_slice %arg17[%dma_wait3A_100, %dma_wait3A_101] : memref<10000x128xf32, #tpu.memory_space<vmem_shared>> -> memref<16x128xf32, #tpu.memory_space<vmem_shared>>
      %dma_wait3A_103 = arith.constant 9984 : i32
      %dma_wait3A_104 = arith.constant 0 : i32
      %dma_wait3A_105 = tpu.memref_slice %arg4[%dma_wait3A_103, %dma_wait3A_104] : memref<10000x128xf32, #tpu.memory_space<hbm>> -> memref<16x128xf32, #tpu.memory_space<hbm>>
      tpu.wait_dma2 semaphore(%arg19 : memref<!tpu.dma_semaphore, #tpu.memory_space<semaphore_mem>>) src(%dma_wait3A_105 : memref<16x128xf32, #tpu.memory_space<hbm>>) dst(%dma_wait3A_102 : memref<16x128xf32, #tpu.memory_space<vmem_shared>>)
    } else {
    }
    %barrier3A = arith.constant 0 : index
    tpu.barrier barrier_id(%barrier3A)
    %mul3A_16 = arith.constant 10000 : i32
    %mul3A_17 = arith.muli %arg1, %mul3A_16 : i32
    %add3A = arith.constant 0 : i32
    %add3A_18 = arith.addi %mul3A_17, %add3A : i32
    %dma_start3A = tpu.memref_slice %arg7[%add3A_18] : memref<160000xi32, #tpu.memory_space<hbm>> -> memref<80xi32, #tpu.memory_space<hbm>>
    %dma_start3A_19 = tpu.memref_slice %arg7[%add3A_18] : memref<160000xi32, #tpu.memory_space<hbm>> -> memref<80xi32, #tpu.memory_space<hbm>>
    tpu.enqueue_dma source(%dma_start3A_19 : memref<80xi32, #tpu.memory_space<hbm>>) target(%arg11 : memref<80xi32, #tpu.memory_space<vmem>>) target_semaphore(%arg21 : memref<!tpu.dma_semaphore, #tpu.memory_space<semaphore_mem>>)
    %eq3A_20 = arith.constant 0 : i32
    %eq3A_21 = arith.cmpi eq, %arg0, %eq3A_20 : i32
    %convert_element_type3A_22 = arith.extui %eq3A_21 : i1 to i32
    %cond3A_23 = arith.constant 0 : i32
    %cond3A_24 = arith.cmpi ne, %convert_element_type3A_22, %cond3A_23 : i32
    scf.if %cond3A_24 {
      %dma_start3A_100 = arith.constant 0 : i32
      %dma_start3A_101 = tpu.memref_slice %arg10[%dma_start3A_100] : memref<10000xi32, #tpu.memory_space<vmem>> -> memref<80xi32, #tpu.memory_space<vmem>>
      %dma_start3A_102 = arith.constant 0 : i32
      %dma_start3A_103 = arith.constant 0 : i32
      %dma_start3A_104 = tpu.memref_slice %arg2[%dma_start3A_102, %dma_start3A_103] : memref<10000x128xf32, #tpu.memory_space<hbm>> -> memref<10000x128xf32, #tpu.memory_space<hbm>>
      tpu.enqueue_indirect_dma source(%dma_start3A_104 : memref<10000x128xf32, #tpu.memory_space<hbm>>) target(%arg14 : memref<80x128xf32, #tpu.memory_space<vmem>>) offsets(%dma_start3A_101 : memref<80xi32, #tpu.memory_space<vmem>>) semaphore(%arg18 : memref<!tpu.dma_semaphore, #tpu.memory_space<semaphore_mem>>)
    } else {
    }
    %eq3A_25 = arith.constant 1 : i32
    %eq3A_26 = arith.cmpi eq, %arg0, %eq3A_25 : i32
    %convert_element_type3A_27 = arith.extui %eq3A_26 : i1 to i32
    %cond3A_28 = arith.constant 0 : i32
    %cond3A_29 = arith.cmpi ne, %convert_element_type3A_27, %cond3A_28 : i32
    scf.if %cond3A_29 {
      %dma_start3A_100 = arith.constant 0 : i32
      %dma_start3A_101 = tpu.memref_slice %arg10[%dma_start3A_100] : memref<10000xi32, #tpu.memory_space<vmem>> -> memref<80xi32, #tpu.memory_space<vmem>>
      %dma_start3A_102 = arith.constant 0 : i32
      %dma_start3A_103 = arith.constant 0 : i32
      %dma_start3A_104 = tpu.memref_slice %arg3[%dma_start3A_102, %dma_start3A_103] : memref<10000x128xf32, #tpu.memory_space<hbm>> -> memref<10000x128xf32, #tpu.memory_space<hbm>>
      tpu.enqueue_indirect_dma source(%dma_start3A_104 : memref<10000x128xf32, #tpu.memory_space<hbm>>) target(%arg14 : memref<80x128xf32, #tpu.memory_space<vmem>>) offsets(%dma_start3A_101 : memref<80xi32, #tpu.memory_space<vmem>>) semaphore(%arg18 : memref<!tpu.dma_semaphore, #tpu.memory_space<semaphore_mem>>)
    } else {
    }
    %mul3A_30 = arith.constant 10000 : i32
    %mul3A_31 = arith.muli %arg1, %mul3A_30 : i32
    %add3A_32 = arith.constant 80 : i32
    %add3A_33 = arith.addi %mul3A_31, %add3A_32 : i32
    %dma_start3A_34 = tpu.memref_slice %arg7[%add3A_33] : memref<160000xi32, #tpu.memory_space<hbm>> -> memref<80xi32, #tpu.memory_space<hbm>>
    %dma_start3A_35 = tpu.memref_slice %arg7[%add3A_33] : memref<160000xi32, #tpu.memory_space<hbm>> -> memref<80xi32, #tpu.memory_space<hbm>>
    tpu.enqueue_dma source(%dma_start3A_35 : memref<80xi32, #tpu.memory_space<hbm>>) target(%arg12 : memref<80xi32, #tpu.memory_space<vmem>>) target_semaphore(%arg22 : memref<!tpu.dma_semaphore, #tpu.memory_space<semaphore_mem>>)
    %eq3A_36 = arith.constant 0 : i32
    %eq3A_37 = arith.cmpi eq, %arg0, %eq3A_36 : i32
    %convert_element_type3A_38 = arith.extui %eq3A_37 : i1 to i32
    %cond3A_39 = arith.constant 0 : i32
    %cond3A_40 = arith.cmpi ne, %convert_element_type3A_38, %cond3A_39 : i32
    scf.if %cond3A_40 {
      %dma_start3A_100 = arith.constant 80 : i32
      %dma_start3A_101 = tpu.memref_slice %arg10[%dma_start3A_100] : memref<10000xi32, #tpu.memory_space<vmem>> -> memref<80xi32, #tpu.memory_space<vmem>>
      %dma_start3A_102 = arith.constant 0 : i32
      %dma_start3A_103 = arith.constant 0 : i32
      %dma_start3A_104 = tpu.memref_slice %arg2[%dma_start3A_102, %dma_start3A_103] : memref<10000x128xf32, #tpu.memory_space<hbm>> -> memref<10000x128xf32, #tpu.memory_space<hbm>>
      tpu.enqueue_indirect_dma source(%dma_start3A_104 : memref<10000x128xf32, #tpu.memory_space<hbm>>) target(%arg15 : memref<80x128xf32, #tpu.memory_space<vmem>>) offsets(%dma_start3A_101 : memref<80xi32, #tpu.memory_space<vmem>>) semaphore(%arg19 : memref<!tpu.dma_semaphore, #tpu.memory_space<semaphore_mem>>)
    } else {
    }
    %eq3A_41 = arith.constant 1 : i32
    %eq3A_42 = arith.cmpi eq, %arg0, %eq3A_41 : i32
    %convert_element_type3A_43 = arith.extui %eq3A_42 : i1 to i32
    %cond3A_44 = arith.constant 0 : i32
    %cond3A_45 = arith.cmpi ne, %convert_element_type3A_43, %cond3A_44 : i32
    scf.if %cond3A_45 {
      %dma_start3A_100 = arith.constant 80 : i32
      %dma_start3A_101 = tpu.memref_slice %arg10[%dma_start3A_100] : memref<10000xi32, #tpu.memory_space<vmem>> -> memref<80xi32, #tpu.memory_space<vmem>>
      %dma_start3A_102 = arith.constant 0 : i32
      %dma_start3A_103 = arith.constant 0 : i32
      %dma_start3A_104 = tpu.memref_slice %arg3[%dma_start3A_102, %dma_start3A_103] : memref<10000x128xf32, #tpu.memory_space<hbm>> -> memref<10000x128xf32, #tpu.memory_space<hbm>>
      tpu.enqueue_indirect_dma source(%dma_start3A_104 : memref<10000x128xf32, #tpu.memory_space<hbm>>) target(%arg15 : memref<80x128xf32, #tpu.memory_space<vmem>>) offsets(%dma_start3A_101 : memref<80xi32, #tpu.memory_space<vmem>>) semaphore(%arg19 : memref<!tpu.dma_semaphore, #tpu.memory_space<semaphore_mem>>)
    } else {
    }
    %mul3A_46 = arith.constant 10000 : i32
    %mul3A_47 = arith.muli %arg1, %mul3A_46 : i32
    %add3A_48 = arith.constant 160 : i32
    %add3A_49 = arith.addi %mul3A_47, %add3A_48 : i32
    %dma_start3A_50 = tpu.memref_slice %arg7[%add3A_49] : memref<160000xi32, #tpu.memory_space<hbm>> -> memref<80xi32, #tpu.memory_space<hbm>>
    %dma_start3A_51 = tpu.memref_slice %arg7[%add3A_49] : memref<160000xi32, #tpu.memory_space<hbm>> -> memref<80xi32, #tpu.memory_space<hbm>>
    tpu.enqueue_dma source(%dma_start3A_51 : memref<80xi32, #tpu.memory_space<hbm>>) target(%arg13 : memref<80xi32, #tpu.memory_space<vmem>>) target_semaphore(%arg23 : memref<!tpu.dma_semaphore, #tpu.memory_space<semaphore_mem>>)
    %eq3A_52 = arith.constant 0 : i32
    %eq3A_53 = arith.cmpi eq, %arg0, %eq3A_52 : i32
    %convert_element_type3A_54 = arith.extui %eq3A_53 : i1 to i32
    %cond3A_55 = arith.constant 0 : i32
    %cond3A_56 = arith.cmpi ne, %convert_element_type3A_54, %cond3A_55 : i32
    scf.if %cond3A_56 {
      %dma_start3A_100 = arith.constant 160 : i32
      %dma_start3A_101 = tpu.memref_slice %arg10[%dma_start3A_100] : memref<10000xi32, #tpu.memory_space<vmem>> -> memref<80xi32, #tpu.memory_space<vmem>>
      %dma_start3A_102 = arith.constant 0 : i32
      %dma_start3A_103 = arith.constant 0 : i32
      %dma_start3A_104 = tpu.memref_slice %arg2[%dma_start3A_102, %dma_start3A_103] : memref<10000x128xf32, #tpu.memory_space<hbm>> -> memref<10000x128xf32, #tpu.memory_space<hbm>>
      tpu.enqueue_indirect_dma source(%dma_start3A_104 : memref<10000x128xf32, #tpu.memory_space<hbm>>) target(%arg16 : memref<80x128xf32, #tpu.memory_space<vmem>>) offsets(%dma_start3A_101 : memref<80xi32, #tpu.memory_space<vmem>>) semaphore(%arg20 : memref<!tpu.dma_semaphore, #tpu.memory_space<semaphore_mem>>)
    } else {
    }
    %eq3A_57 = arith.constant 1 : i32
    %eq3A_58 = arith.cmpi eq, %arg0, %eq3A_57 : i32
    %convert_element_type3A_59 = arith.extui %eq3A_58 : i1 to i32
    %cond3A_60 = arith.constant 0 : i32
    %cond3A_61 = arith.cmpi ne, %convert_element_type3A_59, %cond3A_60 : i32
    scf.if %cond3A_61 {
      %dma_start3A_100 = arith.constant 160 : i32
      %dma_start3A_101 = tpu.memref_slice %arg10[%dma_start3A_100] : memref<10000xi32, #tpu.memory_space<vmem>> -> memref<80xi32, #tpu.memory_space<vmem>>
      %dma_start3A_102 = arith.constant 0 : i32
      %dma_start3A_103 = arith.constant 0 : i32
      %dma_start3A_104 = tpu.memref_slice %arg3[%dma_start3A_102, %dma_start3A_103] : memref<10000x128xf32, #tpu.memory_space<hbm>> -> memref<10000x128xf32, #tpu.memory_space<hbm>>
      tpu.enqueue_indirect_dma source(%dma_start3A_104 : memref<10000x128xf32, #tpu.memory_space<hbm>>) target(%arg16 : memref<80x128xf32, #tpu.memory_space<vmem>>) offsets(%dma_start3A_101 : memref<80xi32, #tpu.memory_space<vmem>>) semaphore(%arg20 : memref<!tpu.dma_semaphore, #tpu.memory_space<semaphore_mem>>)
    } else {
    }
    %scan3A = arith.constant 0 : i32
    %scan3A_62 = arith.constant 0 : i32
    %scan3A_63 = arith.constant 41 : i32
    %scan3A_64 = arith.addi %scan3A_62, %scan3A_63 : i32
    %scan3A_65 = arith.constant 1 : i32
    scf.for %scan3A_100 = %scan3A_62 to %scan3A_64 step %scan3A_65  : i32 {
      %mul3A_101 = arith.constant 3 : i32
      %mul3A_102 = arith.muli %scan3A_100, %mul3A_101 : i32
      %mul3A_103 = arith.constant 80 : i32
      %mul3A_104 = arith.muli %mul3A_102, %mul3A_103 : i32
      %dma_wait3A_105 = tpu.memref_slice %arg10[%mul3A_104] : memref<10000xi32, #tpu.memory_space<vmem>> -> memref<80xi32, #tpu.memory_space<vmem>>
      %dma_wait3A_106 = arith.constant 0 : i32
      %dma_wait3A_107 = arith.constant 0 : i32
      %dma_wait3A_108 = tpu.memref_slice %arg2[%dma_wait3A_106, %dma_wait3A_107] : memref<10000x128xf32, #tpu.memory_space<hbm>> -> memref<10000x128xf32, #tpu.memory_space<hbm>>
      tpu.wait_indirect_dma semaphore(%arg18 : memref<!tpu.dma_semaphore, #tpu.memory_space<semaphore_mem>>) src(%dma_wait3A_108 : memref<10000x128xf32, #tpu.memory_space<hbm>>) dst(%arg14 : memref<80x128xf32, #tpu.memory_space<vmem>>)
      %mul3A_109 = arith.constant 10000 : i32
      %mul3A_110 = arith.muli %arg1, %mul3A_109 : i32
      %mul3A_111 = arith.constant 80 : i32
      %mul3A_112 = arith.muli %mul3A_102, %mul3A_111 : i32
      %add3A_113 = arith.addi %mul3A_110, %mul3A_112 : i32
      %dma_wait3A_114 = tpu.memref_slice %arg7[%add3A_113] : memref<160000xi32, #tpu.memory_space<hbm>> -> memref<80xi32, #tpu.memory_space<hbm>>
      %dma_wait3A_115 = tpu.memref_slice %arg7[%add3A_113] : memref<160000xi32, #tpu.memory_space<hbm>> -> memref<80xi32, #tpu.memory_space<hbm>>
      tpu.wait_dma2 semaphore(%arg21 : memref<!tpu.dma_semaphore, #tpu.memory_space<semaphore_mem>>) src(%dma_wait3A_115 : memref<80xi32, #tpu.memory_space<hbm>>) dst(%arg11 : memref<80xi32, #tpu.memory_space<vmem>>)
      "tpu.region"() ({
        %run_scoped3A = tpu.sem_alloc : memref<!tpu.dma_semaphore, #tpu.memory_space<semaphore_mem>>
        %dma_start3A_166 = arith.constant 0 : i32
        %dma_start3A_167 = arith.constant 0 : i32
        %dma_start3A_168 = tpu.memref_slice %arg17[%dma_start3A_166, %dma_start3A_167] : memref<10000x128xf32, #tpu.memory_space<vmem_shared>> -> memref<10000x128xf32, #tpu.memory_space<vmem_shared>>
        tpu.enqueue_indirect_dma source(%arg14 : memref<80x128xf32, #tpu.memory_space<vmem>>) target(%dma_start3A_168 : memref<10000x128xf32, #tpu.memory_space<vmem_shared>>) offsets(%arg11 : memref<80xi32, #tpu.memory_space<vmem>>) semaphore(%run_scoped3A : memref<!tpu.dma_semaphore, #tpu.memory_space<semaphore_mem>>) {add = true}
        %dma_wait3A_169 = arith.constant 0 : i32
        %dma_wait3A_170 = arith.constant 0 : i32
        %dma_wait3A_171 = tpu.memref_slice %arg17[%dma_wait3A_169, %dma_wait3A_170] : memref<10000x128xf32, #tpu.memory_space<vmem_shared>> -> memref<10000x128xf32, #tpu.memory_space<vmem_shared>>
        tpu.wait_indirect_dma semaphore(%run_scoped3A : memref<!tpu.dma_semaphore, #tpu.memory_space<semaphore_mem>>) src(%arg14 : memref<80x128xf32, #tpu.memory_space<vmem>>) dst(%dma_wait3A_171 : memref<10000x128xf32, #tpu.memory_space<vmem_shared>>)
        tpu.yield
      }) : () -> ()
      %add3A_116 = arith.constant 3 : i32
      %add3A_117 = arith.addi %mul3A_102, %add3A_116 : i32
      %lt3A = arith.constant 125 : i32
      %lt3A_118 = arith.cmpi slt, %add3A_117, %lt3A : i32
      %convert_element_type3A_119 = arith.extui %lt3A_118 : i1 to i32
      %cond3A_120 = arith.constant 0 : i32
      %cond3A_121 = arith.cmpi ne, %convert_element_type3A_119, %cond3A_120 : i32
      scf.if %cond3A_121 {
        %add3A_166 = arith.constant 3 : i32
        %add3A_167 = arith.addi %mul3A_102, %add3A_166 : i32
        %mul3A_168 = arith.constant 10000 : i32
        %mul3A_169 = arith.muli %arg1, %mul3A_168 : i32
        %mul3A_170 = arith.constant 80 : i32
        %mul3A_171 = arith.muli %add3A_167, %mul3A_170 : i32
        %add3A_172 = arith.addi %mul3A_169, %mul3A_171 : i32
        %dma_start3A_173 = tpu.memref_slice %arg7[%add3A_172] : memref<160000xi32, #tpu.memory_space<hbm>> -> memref<80xi32, #tpu.memory_space<hbm>>
        %dma_start3A_174 = tpu.memref_slice %arg7[%add3A_172] : memref<160000xi32, #tpu.memory_space<hbm>> -> memref<80xi32, #tpu.memory_space<hbm>>
        tpu.enqueue_dma source(%dma_start3A_174 : memref<80xi32, #tpu.memory_space<hbm>>) target(%arg11 : memref<80xi32, #tpu.memory_space<vmem>>) target_semaphore(%arg21 : memref<!tpu.dma_semaphore, #tpu.memory_space<semaphore_mem>>)
        %add3A_175 = arith.constant 3 : i32
        %add3A_176 = arith.addi %mul3A_102, %add3A_175 : i32
        %mul3A_177 = arith.constant 80 : i32
        %mul3A_178 = arith.muli %add3A_176, %mul3A_177 : i32
        %eq3A_179 = arith.constant 0 : i32
        %eq3A_180 = arith.cmpi eq, %arg0, %eq3A_179 : i32
        %convert_element_type3A_181 = arith.extui %eq3A_180 : i1 to i32
        %cond3A_182 = arith.constant 0 : i32
        %cond3A_183 = arith.cmpi ne, %convert_element_type3A_181, %cond3A_182 : i32
        scf.if %cond3A_183 {
          %dma_start3A_189 = tpu.memref_slice %arg10[%mul3A_178] : memref<10000xi32, #tpu.memory_space<vmem>> -> memref<80xi32, #tpu.memory_space<vmem>>
          %dma_start3A_190 = arith.constant 0 : i32
          %dma_start3A_191 = arith.constant 0 : i32
          %dma_start3A_192 = tpu.memref_slice %arg2[%dma_start3A_190, %dma_start3A_191] : memref<10000x128xf32, #tpu.memory_space<hbm>> -> memref<10000x128xf32, #tpu.memory_space<hbm>>
          tpu.enqueue_indirect_dma source(%dma_start3A_192 : memref<10000x128xf32, #tpu.memory_space<hbm>>) target(%arg14 : memref<80x128xf32, #tpu.memory_space<vmem>>) offsets(%dma_start3A_189 : memref<80xi32, #tpu.memory_space<vmem>>) semaphore(%arg18 : memref<!tpu.dma_semaphore, #tpu.memory_space<semaphore_mem>>)
        } else {
        }
        %eq3A_184 = arith.constant 1 : i32
        %eq3A_185 = arith.cmpi eq, %arg0, %eq3A_184 : i32
        %convert_element_type3A_186 = arith.extui %eq3A_185 : i1 to i32
        %cond3A_187 = arith.constant 0 : i32
        %cond3A_188 = arith.cmpi ne, %convert_element_type3A_186, %cond3A_187 : i32
        scf.if %cond3A_188 {
          %dma_start3A_189 = tpu.memref_slice %arg10[%mul3A_178] : memref<10000xi32, #tpu.memory_space<vmem>> -> memref<80xi32, #tpu.memory_space<vmem>>
          %dma_start3A_190 = arith.constant 0 : i32
          %dma_start3A_191 = arith.constant 0 : i32
          %dma_start3A_192 = tpu.memref_slice %arg3[%dma_start3A_190, %dma_start3A_191] : memref<10000x128xf32, #tpu.memory_space<hbm>> -> memref<10000x128xf32, #tpu.memory_space<hbm>>
          tpu.enqueue_indirect_dma source(%dma_start3A_192 : memref<10000x128xf32, #tpu.memory_space<hbm>>) target(%arg14 : memref<80x128xf32, #tpu.memory_space<vmem>>) offsets(%dma_start3A_189 : memref<80xi32, #tpu.memory_space<vmem>>) semaphore(%arg18 : memref<!tpu.dma_semaphore, #tpu.memory_space<semaphore_mem>>)
        } else {
        }
      } else {
      }
      %add3A_122 = arith.constant 1 : i32
      %add3A_123 = arith.addi %mul3A_102, %add3A_122 : i32
      %mul3A_124 = arith.constant 80 : i32
      %mul3A_125 = arith.muli %add3A_123, %mul3A_124 : i32
      %dma_wait3A_126 = tpu.memref_slice %arg10[%mul3A_125] : memref<10000xi32, #tpu.memory_space<vmem>> -> memref<80xi32, #tpu.memory_space<vmem>>
      %dma_wait3A_127 = arith.constant 0 : i32
      %dma_wait3A_128 = arith.constant 0 : i32
      %dma_wait3A_129 = tpu.memref_slice %arg2[%dma_wait3A_127, %dma_wait3A_128] : memref<10000x128xf32, #tpu.memory_space<hbm>> -> memref<10000x128xf32, #tpu.memory_space<hbm>>
      tpu.wait_indirect_dma semaphore(%arg19 : memref<!tpu.dma_semaphore, #tpu.memory_space<semaphore_mem>>) src(%dma_wait3A_129 : memref<10000x128xf32, #tpu.memory_space<hbm>>) dst(%arg15 : memref<80x128xf32, #tpu.memory_space<vmem>>)
      %mul3A_130 = arith.constant 10000 : i32
      %mul3A_131 = arith.muli %arg1, %mul3A_130 : i32
      %mul3A_132 = arith.constant 80 : i32
      %mul3A_133 = arith.muli %add3A_123, %mul3A_132 : i32
      %add3A_134 = arith.addi %mul3A_131, %mul3A_133 : i32
      %dma_wait3A_135 = tpu.memref_slice %arg7[%add3A_134] : memref<160000xi32, #tpu.memory_space<hbm>> -> memref<80xi32, #tpu.memory_space<hbm>>
      %dma_wait3A_136 = tpu.memref_slice %arg7[%add3A_134] : memref<160000xi32, #tpu.memory_space<hbm>> -> memref<80xi32, #tpu.memory_space<hbm>>
      tpu.wait_dma2 semaphore(%arg22 : memref<!tpu.dma_semaphore, #tpu.memory_space<semaphore_mem>>) src(%dma_wait3A_136 : memref<80xi32, #tpu.memory_space<hbm>>) dst(%arg12 : memref<80xi32, #tpu.memory_space<vmem>>)
      "tpu.region"() ({
        %run_scoped3A = tpu.sem_alloc : memref<!tpu.dma_semaphore, #tpu.memory_space<semaphore_mem>>
        %dma_start3A_166 = arith.constant 0 : i32
        %dma_start3A_167 = arith.constant 0 : i32
        %dma_start3A_168 = tpu.memref_slice %arg17[%dma_start3A_166, %dma_start3A_167] : memref<10000x128xf32, #tpu.memory_space<vmem_shared>> -> memref<10000x128xf32, #tpu.memory_space<vmem_shared>>
        tpu.enqueue_indirect_dma source(%arg15 : memref<80x128xf32, #tpu.memory_space<vmem>>) target(%dma_start3A_168 : memref<10000x128xf32, #tpu.memory_space<vmem_shared>>) offsets(%arg12 : memref<80xi32, #tpu.memory_space<vmem>>) semaphore(%run_scoped3A : memref<!tpu.dma_semaphore, #tpu.memory_space<semaphore_mem>>) {add = true}
        %dma_wait3A_169 = arith.constant 0 : i32
        %dma_wait3A_170 = arith.constant 0 : i32
        %dma_wait3A_171 = tpu.memref_slice %arg17[%dma_wait3A_169, %dma_wait3A_170] : memref<10000x128xf32, #tpu.memory_space<vmem_shared>> -> memref<10000x128xf32, #tpu.memory_space<vmem_shared>>
        tpu.wait_indirect_dma semaphore(%run_scoped3A : memref<!tpu.dma_semaphore, #tpu.memory_space<semaphore_mem>>) src(%arg15 : memref<80x128xf32, #tpu.memory_space<vmem>>) dst(%dma_wait3A_171 : memref<10000x128xf32, #tpu.memory_space<vmem_shared>>)
        tpu.yield
      }) : () -> ()
      %add3A_137 = arith.constant 3 : i32
      %add3A_138 = arith.addi %add3A_123, %add3A_137 : i32
      %lt3A_139 = arith.constant 125 : i32
      %lt3A_140 = arith.cmpi slt, %add3A_138, %lt3A_139 : i32
      %convert_element_type3A_141 = arith.extui %lt3A_140 : i1 to i32
      %cond3A_142 = arith.constant 0 : i32
      %cond3A_143 = arith.cmpi ne, %convert_element_type3A_141, %cond3A_142 : i32
      scf.if %cond3A_143 {
        %add3A_166 = arith.constant 3 : i32
        %add3A_167 = arith.addi %add3A_123, %add3A_166 : i32
        %mul3A_168 = arith.constant 10000 : i32
        %mul3A_169 = arith.muli %arg1, %mul3A_168 : i32
        %mul3A_170 = arith.constant 80 : i32
        %mul3A_171 = arith.muli %add3A_167, %mul3A_170 : i32
        %add3A_172 = arith.addi %mul3A_169, %mul3A_171 : i32
        %dma_start3A_173 = tpu.memref_slice %arg7[%add3A_172] : memref<160000xi32, #tpu.memory_space<hbm>> -> memref<80xi32, #tpu.memory_space<hbm>>
        %dma_start3A_174 = tpu.memref_slice %arg7[%add3A_172] : memref<160000xi32, #tpu.memory_space<hbm>> -> memref<80xi32, #tpu.memory_space<hbm>>
        tpu.enqueue_dma source(%dma_start3A_174 : memref<80xi32, #tpu.memory_space<hbm>>) target(%arg12 : memref<80xi32, #tpu.memory_space<vmem>>) target_semaphore(%arg22 : memref<!tpu.dma_semaphore, #tpu.memory_space<semaphore_mem>>)
        %add3A_175 = arith.constant 3 : i32
        %add3A_176 = arith.addi %add3A_123, %add3A_175 : i32
        %mul3A_177 = arith.constant 80 : i32
        %mul3A_178 = arith.muli %add3A_176, %mul3A_177 : i32
        %eq3A_179 = arith.constant 0 : i32
        %eq3A_180 = arith.cmpi eq, %arg0, %eq3A_179 : i32
        %convert_element_type3A_181 = arith.extui %eq3A_180 : i1 to i32
        %cond3A_182 = arith.constant 0 : i32
        %cond3A_183 = arith.cmpi ne, %convert_element_type3A_181, %cond3A_182 : i32
        scf.if %cond3A_183 {
          %dma_start3A_189 = tpu.memref_slice %arg10[%mul3A_178] : memref<10000xi32, #tpu.memory_space<vmem>> -> memref<80xi32, #tpu.memory_space<vmem>>
          %dma_start3A_190 = arith.constant 0 : i32
          %dma_start3A_191 = arith.constant 0 : i32
          %dma_start3A_192 = tpu.memref_slice %arg2[%dma_start3A_190, %dma_start3A_191] : memref<10000x128xf32, #tpu.memory_space<hbm>> -> memref<10000x128xf32, #tpu.memory_space<hbm>>
          tpu.enqueue_indirect_dma source(%dma_start3A_192 : memref<10000x128xf32, #tpu.memory_space<hbm>>) target(%arg15 : memref<80x128xf32, #tpu.memory_space<vmem>>) offsets(%dma_start3A_189 : memref<80xi32, #tpu.memory_space<vmem>>) semaphore(%arg19 : memref<!tpu.dma_semaphore, #tpu.memory_space<semaphore_mem>>)
        } else {
        }
        %eq3A_184 = arith.constant 1 : i32
        %eq3A_185 = arith.cmpi eq, %arg0, %eq3A_184 : i32
        %convert_element_type3A_186 = arith.extui %eq3A_185 : i1 to i32
        %cond3A_187 = arith.constant 0 : i32
        %cond3A_188 = arith.cmpi ne, %convert_element_type3A_186, %cond3A_187 : i32
        scf.if %cond3A_188 {
          %dma_start3A_189 = tpu.memref_slice %arg10[%mul3A_178] : memref<10000xi32, #tpu.memory_space<vmem>> -> memref<80xi32, #tpu.memory_space<vmem>>
          %dma_start3A_190 = arith.constant 0 : i32
          %dma_start3A_191 = arith.constant 0 : i32
          %dma_start3A_192 = tpu.memref_slice %arg3[%dma_start3A_190, %dma_start3A_191] : memref<10000x128xf32, #tpu.memory_space<hbm>> -> memref<10000x128xf32, #tpu.memory_space<hbm>>
          tpu.enqueue_indirect_dma source(%dma_start3A_192 : memref<10000x128xf32, #tpu.memory_space<hbm>>) target(%arg15 : memref<80x128xf32, #tpu.memory_space<vmem>>) offsets(%dma_start3A_189 : memref<80xi32, #tpu.memory_space<vmem>>) semaphore(%arg19 : memref<!tpu.dma_semaphore, #tpu.memory_space<semaphore_mem>>)
        } else {
        }
      } else {
      }
      %add3A_144 = arith.constant 2 : i32
      %add3A_145 = arith.addi %mul3A_102, %add3A_144 : i32
      %mul3A_146 = arith.constant 80 : i32
      %mul3A_147 = arith.muli %add3A_145, %mul3A_146 : i32
      %dma_wait3A_148 = tpu.memref_slice %arg10[%mul3A_147] : memref<10000xi32, #tpu.memory_space<vmem>> -> memref<80xi32, #tpu.memory_space<vmem>>
      %dma_wait3A_149 = arith.constant 0 : i32
      %dma_wait3A_150 = arith.constant 0 : i32
      %dma_wait3A_151 = tpu.memref_slice %arg2[%dma_wait3A_149, %dma_wait3A_150] : memref<10000x128xf32, #tpu.memory_space<hbm>> -> memref<10000x128xf32, #tpu.memory_space<hbm>>
      tpu.wait_indirect_dma semaphore(%arg20 : memref<!tpu.dma_semaphore, #tpu.memory_space<semaphore_mem>>) src(%dma_wait3A_151 : memref<10000x128xf32, #tpu.memory_space<hbm>>) dst(%arg16 : memref<80x128xf32, #tpu.memory_space<vmem>>)
      %mul3A_152 = arith.constant 10000 : i32
      %mul3A_153 = arith.muli %arg1, %mul3A_152 : i32
      %mul3A_154 = arith.constant 80 : i32
      %mul3A_155 = arith.muli %add3A_145, %mul3A_154 : i32
      %add3A_156 = arith.addi %mul3A_153, %mul3A_155 : i32
      %dma_wait3A_157 = tpu.memref_slice %arg7[%add3A_156] : memref<160000xi32, #tpu.memory_space<hbm>> -> memref<80xi32, #tpu.memory_space<hbm>>
      %dma_wait3A_158 = tpu.memref_slice %arg7[%add3A_156] : memref<160000xi32, #tpu.memory_space<hbm>> -> memref<80xi32, #tpu.memory_space<hbm>>
      tpu.wait_dma2 semaphore(%arg23 : memref<!tpu.dma_semaphore, #tpu.memory_space<semaphore_mem>>) src(%dma_wait3A_158 : memref<80xi32, #tpu.memory_space<hbm>>) dst(%arg13 : memref<80xi32, #tpu.memory_space<vmem>>)
      "tpu.region"() ({
        %run_scoped3A = tpu.sem_alloc : memref<!tpu.dma_semaphore, #tpu.memory_space<semaphore_mem>>
        %dma_start3A_166 = arith.constant 0 : i32
        %dma_start3A_167 = arith.constant 0 : i32
        %dma_start3A_168 = tpu.memref_slice %arg17[%dma_start3A_166, %dma_start3A_167] : memref<10000x128xf32, #tpu.memory_space<vmem_shared>> -> memref<10000x128xf32, #tpu.memory_space<vmem_shared>>
        tpu.enqueue_indirect_dma source(%arg16 : memref<80x128xf32, #tpu.memory_space<vmem>>) target(%dma_start3A_168 : memref<10000x128xf32, #tpu.memory_space<vmem_shared>>) offsets(%arg13 : memref<80xi32, #tpu.memory_space<vmem>>) semaphore(%run_scoped3A : memref<!tpu.dma_semaphore, #tpu.memory_space<semaphore_mem>>) {add = true}
        %dma_wait3A_169 = arith.constant 0 : i32
        %dma_wait3A_170 = arith.constant 0 : i32
        %dma_wait3A_171 = tpu.memref_slice %arg17[%dma_wait3A_169, %dma_wait3A_170] : memref<10000x128xf32, #tpu.memory_space<vmem_shared>> -> memref<10000x128xf32, #tpu.memory_space<vmem_shared>>
        tpu.wait_indirect_dma semaphore(%run_scoped3A : memref<!tpu.dma_semaphore, #tpu.memory_space<semaphore_mem>>) src(%arg16 : memref<80x128xf32, #tpu.memory_space<vmem>>) dst(%dma_wait3A_171 : memref<10000x128xf32, #tpu.memory_space<vmem_shared>>)
        tpu.yield
      }) : () -> ()
      %add3A_159 = arith.constant 3 : i32
      %add3A_160 = arith.addi %add3A_145, %add3A_159 : i32
      %lt3A_161 = arith.constant 125 : i32
      %lt3A_162 = arith.cmpi slt, %add3A_160, %lt3A_161 : i32
      %convert_element_type3A_163 = arith.extui %lt3A_162 : i1 to i32
      %cond3A_164 = arith.constant 0 : i32
      %cond3A_165 = arith.cmpi ne, %convert_element_type3A_163, %cond3A_164 : i32
      scf.if %cond3A_165 {
        %add3A_166 = arith.constant 3 : i32
        %add3A_167 = arith.addi %add3A_145, %add3A_166 : i32
        %mul3A_168 = arith.constant 10000 : i32
        %mul3A_169 = arith.muli %arg1, %mul3A_168 : i32
        %mul3A_170 = arith.constant 80 : i32
        %mul3A_171 = arith.muli %add3A_167, %mul3A_170 : i32
        %add3A_172 = arith.addi %mul3A_169, %mul3A_171 : i32
        %dma_start3A_173 = tpu.memref_slice %arg7[%add3A_172] : memref<160000xi32, #tpu.memory_space<hbm>> -> memref<80xi32, #tpu.memory_space<hbm>>
        %dma_start3A_174 = tpu.memref_slice %arg7[%add3A_172] : memref<160000xi32, #tpu.memory_space<hbm>> -> memref<80xi32, #tpu.memory_space<hbm>>
        tpu.enqueue_dma source(%dma_start3A_174 : memref<80xi32, #tpu.memory_space<hbm>>) target(%arg13 : memref<80xi32, #tpu.memory_space<vmem>>) target_semaphore(%arg23 : memref<!tpu.dma_semaphore, #tpu.memory_space<semaphore_mem>>)
        %add3A_175 = arith.constant 3 : i32
        %add3A_176 = arith.addi %add3A_145, %add3A_175 : i32
        %mul3A_177 = arith.constant 80 : i32
        %mul3A_178 = arith.muli %add3A_176, %mul3A_177 : i32
        %eq3A_179 = arith.constant 0 : i32
        %eq3A_180 = arith.cmpi eq, %arg0, %eq3A_179 : i32
        %convert_element_type3A_181 = arith.extui %eq3A_180 : i1 to i32
        %cond3A_182 = arith.constant 0 : i32
        %cond3A_183 = arith.cmpi ne, %convert_element_type3A_181, %cond3A_182 : i32
        scf.if %cond3A_183 {
          %dma_start3A_189 = tpu.memref_slice %arg10[%mul3A_178] : memref<10000xi32, #tpu.memory_space<vmem>> -> memref<80xi32, #tpu.memory_space<vmem>>
          %dma_start3A_190 = arith.constant 0 : i32
          %dma_start3A_191 = arith.constant 0 : i32
          %dma_start3A_192 = tpu.memref_slice %arg2[%dma_start3A_190, %dma_start3A_191] : memref<10000x128xf32, #tpu.memory_space<hbm>> -> memref<10000x128xf32, #tpu.memory_space<hbm>>
          tpu.enqueue_indirect_dma source(%dma_start3A_192 : memref<10000x128xf32, #tpu.memory_space<hbm>>) target(%arg16 : memref<80x128xf32, #tpu.memory_space<vmem>>) offsets(%dma_start3A_189 : memref<80xi32, #tpu.memory_space<vmem>>) semaphore(%arg20 : memref<!tpu.dma_semaphore, #tpu.memory_space<semaphore_mem>>)
        } else {
        }
        %eq3A_184 = arith.constant 1 : i32
        %eq3A_185 = arith.cmpi eq, %arg0, %eq3A_184 : i32
        %convert_element_type3A_186 = arith.extui %eq3A_185 : i1 to i32
        %cond3A_187 = arith.constant 0 : i32
        %cond3A_188 = arith.cmpi ne, %convert_element_type3A_186, %cond3A_187 : i32
        scf.if %cond3A_188 {
          %dma_start3A_189 = tpu.memref_slice %arg10[%mul3A_178] : memref<10000xi32, #tpu.memory_space<vmem>> -> memref<80xi32, #tpu.memory_space<vmem>>
          %dma_start3A_190 = arith.constant 0 : i32
          %dma_start3A_191 = arith.constant 0 : i32
          %dma_start3A_192 = tpu.memref_slice %arg3[%dma_start3A_190, %dma_start3A_191] : memref<10000x128xf32, #tpu.memory_space<hbm>> -> memref<10000x128xf32, #tpu.memory_space<hbm>>
          tpu.enqueue_indirect_dma source(%dma_start3A_192 : memref<10000x128xf32, #tpu.memory_space<hbm>>) target(%arg16 : memref<80x128xf32, #tpu.memory_space<vmem>>) offsets(%dma_start3A_189 : memref<80xi32, #tpu.memory_space<vmem>>) semaphore(%arg20 : memref<!tpu.dma_semaphore, #tpu.memory_space<semaphore_mem>>)
        } else {
        }
      } else {
      }
    }
    %scan3A_66 = arith.constant 41 : i32
    %dma_wait3A_67 = arith.constant 9840 : i32
    %dma_wait3A_68 = tpu.memref_slice %arg10[%dma_wait3A_67] : memref<10000xi32, #tpu.memory_space<vmem>> -> memref<80xi32, #tpu.memory_space<vmem>>
    %dma_wait3A_69 = arith.constant 0 : i32
    %dma_wait3A_70 = arith.constant 0 : i32
    %dma_wait3A_71 = tpu.memref_slice %arg2[%dma_wait3A_69, %dma_wait3A_70] : memref<10000x128xf32, #tpu.memory_space<hbm>> -> memref<10000x128xf32, #tpu.memory_space<hbm>>
    tpu.wait_indirect_dma semaphore(%arg18 : memref<!tpu.dma_semaphore, #tpu.memory_space<semaphore_mem>>) src(%dma_wait3A_71 : memref<10000x128xf32, #tpu.memory_space<hbm>>) dst(%arg14 : memref<80x128xf32, #tpu.memory_space<vmem>>)
    %mul3A_72 = arith.constant 10000 : i32
    %mul3A_73 = arith.muli %arg1, %mul3A_72 : i32
    %add3A_74 = arith.constant 9840 : i32
    %add3A_75 = arith.addi %mul3A_73, %add3A_74 : i32
    %dma_wait3A_76 = tpu.memref_slice %arg7[%add3A_75] : memref<160000xi32, #tpu.memory_space<hbm>> -> memref<80xi32, #tpu.memory_space<hbm>>
    %dma_wait3A_77 = tpu.memref_slice %arg7[%add3A_75] : memref<160000xi32, #tpu.memory_space<hbm>> -> memref<80xi32, #tpu.memory_space<hbm>>
    tpu.wait_dma2 semaphore(%arg21 : memref<!tpu.dma_semaphore, #tpu.memory_space<semaphore_mem>>) src(%dma_wait3A_77 : memref<80xi32, #tpu.memory_space<hbm>>) dst(%arg11 : memref<80xi32, #tpu.memory_space<vmem>>)
    "tpu.region"() ({
      %run_scoped3A = tpu.sem_alloc : memref<!tpu.dma_semaphore, #tpu.memory_space<semaphore_mem>>
      %dma_start3A_100 = arith.constant 0 : i32
      %dma_start3A_101 = arith.constant 0 : i32
      %dma_start3A_102 = tpu.memref_slice %arg17[%dma_start3A_100, %dma_start3A_101] : memref<10000x128xf32, #tpu.memory_space<vmem_shared>> -> memref<10000x128xf32, #tpu.memory_space<vmem_shared>>
      tpu.enqueue_indirect_dma source(%arg14 : memref<80x128xf32, #tpu.memory_space<vmem>>) target(%dma_start3A_102 : memref<10000x128xf32, #tpu.memory_space<vmem_shared>>) offsets(%arg11 : memref<80xi32, #tpu.memory_space<vmem>>) semaphore(%run_scoped3A : memref<!tpu.dma_semaphore, #tpu.memory_space<semaphore_mem>>) {add = true}
      %dma_wait3A_103 = arith.constant 0 : i32
      %dma_wait3A_104 = arith.constant 0 : i32
      %dma_wait3A_105 = tpu.memref_slice %arg17[%dma_wait3A_103, %dma_wait3A_104] : memref<10000x128xf32, #tpu.memory_space<vmem_shared>> -> memref<10000x128xf32, #tpu.memory_space<vmem_shared>>
      tpu.wait_indirect_dma semaphore(%run_scoped3A : memref<!tpu.dma_semaphore, #tpu.memory_space<semaphore_mem>>) src(%arg14 : memref<80x128xf32, #tpu.memory_space<vmem>>) dst(%dma_wait3A_105 : memref<10000x128xf32, #tpu.memory_space<vmem_shared>>)
      tpu.yield
    }) : () -> ()
    %dma_wait3A_78 = arith.constant 9920 : i32
    %dma_wait3A_79 = tpu.memref_slice %arg10[%dma_wait3A_78] : memref<10000xi32, #tpu.memory_space<vmem>> -> memref<80xi32, #tpu.memory_space<vmem>>
    %dma_wait3A_80 = arith.constant 0 : i32
    %dma_wait3A_81 = arith.constant 0 : i32
    %dma_wait3A_82 = tpu.memref_slice %arg2[%dma_wait3A_80, %dma_wait3A_81] : memref<10000x128xf32, #tpu.memory_space<hbm>> -> memref<10000x128xf32, #tpu.memory_space<hbm>>
    tpu.wait_indirect_dma semaphore(%arg19 : memref<!tpu.dma_semaphore, #tpu.memory_space<semaphore_mem>>) src(%dma_wait3A_82 : memref<10000x128xf32, #tpu.memory_space<hbm>>) dst(%arg15 : memref<80x128xf32, #tpu.memory_space<vmem>>)
    %mul3A_83 = arith.constant 10000 : i32
    %mul3A_84 = arith.muli %arg1, %mul3A_83 : i32
    %add3A_85 = arith.constant 9920 : i32
    %add3A_86 = arith.addi %mul3A_84, %add3A_85 : i32
    %dma_wait3A_87 = tpu.memref_slice %arg7[%add3A_86] : memref<160000xi32, #tpu.memory_space<hbm>> -> memref<80xi32, #tpu.memory_space<hbm>>
    %dma_wait3A_88 = tpu.memref_slice %arg7[%add3A_86] : memref<160000xi32, #tpu.memory_space<hbm>> -> memref<80xi32, #tpu.memory_space<hbm>>
    tpu.wait_dma2 semaphore(%arg22 : memref<!tpu.dma_semaphore, #tpu.memory_space<semaphore_mem>>) src(%dma_wait3A_88 : memref<80xi32, #tpu.memory_space<hbm>>) dst(%arg12 : memref<80xi32, #tpu.memory_space<vmem>>)
    "tpu.region"() ({
      %run_scoped3A = tpu.sem_alloc : memref<!tpu.dma_semaphore, #tpu.memory_space<semaphore_mem>>
      %dma_start3A_100 = arith.constant 0 : i32
      %dma_start3A_101 = arith.constant 0 : i32
      %dma_start3A_102 = tpu.memref_slice %arg17[%dma_start3A_100, %dma_start3A_101] : memref<10000x128xf32, #tpu.memory_space<vmem_shared>> -> memref<10000x128xf32, #tpu.memory_space<vmem_shared>>
      tpu.enqueue_indirect_dma source(%arg15 : memref<80x128xf32, #tpu.memory_space<vmem>>) target(%dma_start3A_102 : memref<10000x128xf32, #tpu.memory_space<vmem_shared>>) offsets(%arg12 : memref<80xi32, #tpu.memory_space<vmem>>) semaphore(%run_scoped3A : memref<!tpu.dma_semaphore, #tpu.memory_space<semaphore_mem>>) {add = true}
      %dma_wait3A_103 = arith.constant 0 : i32
      %dma_wait3A_104 = arith.constant 0 : i32
      %dma_wait3A_105 = tpu.memref_slice %arg17[%dma_wait3A_103, %dma_wait3A_104] : memref<10000x128xf32, #tpu.memory_space<vmem_shared>> -> memref<10000x128xf32, #tpu.memory_space<vmem_shared>>
      tpu.wait_indirect_dma semaphore(%run_scoped3A : memref<!tpu.dma_semaphore, #tpu.memory_space<semaphore_mem>>) src(%arg15 : memref<80x128xf32, #tpu.memory_space<vmem>>) dst(%dma_wait3A_105 : memref<10000x128xf32, #tpu.memory_space<vmem_shared>>)
      tpu.yield
    }) : () -> ()
    %barrier3A_89 = arith.constant 0 : index
    tpu.barrier barrier_id(%barrier3A_89)
    %eq3A_90 = arith.constant 0 : i32
    %eq3A_91 = arith.cmpi eq, %arg0, %eq3A_90 : i32
    %convert_element_type3A_92 = arith.extui %eq3A_91 : i1 to i32
    %cond3A_93 = arith.constant 0 : i32
    %cond3A_94 = arith.cmpi ne, %convert_element_type3A_92, %cond3A_93 : i32
    scf.if %cond3A_94 {
      "tpu.region"() ({
        %run_scoped3A = tpu.sem_alloc : memref<!tpu.dma_semaphore, #tpu.memory_space<semaphore_mem>>
        %dma_start3A_105 = arith.constant 0 : i32
        %dma_start3A_106 = tpu.memref_slice %arg8[%mul3A_0, %dma_start3A_105] : memref<10000x128xf32, #tpu.memory_space<hbm>> -> memref<624x128xf32, #tpu.memory_space<hbm>>
        %dma_start3A_107 = arith.constant 0 : i32
        %dma_start3A_108 = tpu.memref_slice %arg17[%mul3A_0, %dma_start3A_107] : memref<10000x128xf32, #tpu.memory_space<vmem_shared>> -> memref<624x128xf32, #tpu.memory_space<vmem_shared>>
        tpu.enqueue_dma source(%dma_start3A_108 : memref<624x128xf32, #tpu.memory_space<vmem_shared>>) target(%dma_start3A_106 : memref<624x128xf32, #tpu.memory_space<hbm>>) target_semaphore(%run_scoped3A : memref<!tpu.dma_semaphore, #tpu.memory_space<semaphore_mem>>)
        %dma_wait3A_109 = arith.constant 0 : i32
        %dma_wait3A_110 = tpu.memref_slice %arg8[%mul3A_0, %dma_wait3A_109] : memref<10000x128xf32, #tpu.memory_space<hbm>> -> memref<624x128xf32, #tpu.memory_space<hbm>>
        %dma_wait3A_111 = arith.constant 0 : i32
        %dma_wait3A_112 = tpu.memref_slice %arg17[%mul3A_0, %dma_wait3A_111] : memref<10000x128xf32, #tpu.memory_space<vmem_shared>> -> memref<624x128xf32, #tpu.memory_space<vmem_shared>>
        tpu.wait_dma2 semaphore(%run_scoped3A : memref<!tpu.dma_semaphore, #tpu.memory_space<semaphore_mem>>) src(%dma_wait3A_112 : memref<624x128xf32, #tpu.memory_space<vmem_shared>>) dst(%dma_wait3A_110 : memref<624x128xf32, #tpu.memory_space<hbm>>)
        tpu.yield
      }) : () -> ()
      %eq3A_100 = arith.constant 15 : i32
      %eq3A_101 = arith.cmpi eq, %arg1, %eq3A_100 : i32
      %convert_element_type3A_102 = arith.extui %eq3A_101 : i1 to i32
      %cond3A_103 = arith.constant 0 : i32
      %cond3A_104 = arith.cmpi ne, %convert_element_type3A_102, %cond3A_103 : i32
      scf.if %cond3A_104 {
        "tpu.region"() ({
          %run_scoped3A = tpu.sem_alloc : memref<!tpu.dma_semaphore, #tpu.memory_space<semaphore_mem>>
          %dma_start3A_105 = arith.constant 9984 : i32
          %dma_start3A_106 = arith.constant 0 : i32
          %dma_start3A_107 = tpu.memref_slice %arg8[%dma_start3A_105, %dma_start3A_106] : memref<10000x128xf32, #tpu.memory_space<hbm>> -> memref<16x128xf32, #tpu.memory_space<hbm>>
          %dma_start3A_108 = arith.constant 9984 : i32
          %dma_start3A_109 = arith.constant 0 : i32
          %dma_start3A_110 = tpu.memref_slice %arg17[%dma_start3A_108, %dma_start3A_109] : memref<10000x128xf32, #tpu.memory_space<vmem_shared>> -> memref<16x128xf32, #tpu.memory_space<vmem_shared>>
          tpu.enqueue_dma source(%dma_start3A_110 : memref<16x128xf32, #tpu.memory_space<vmem_shared>>) target(%dma_start3A_107 : memref<16x128xf32, #tpu.memory_space<hbm>>) target_semaphore(%run_scoped3A : memref<!tpu.dma_semaphore, #tpu.memory_space<semaphore_mem>>)
          %dma_wait3A_111 = arith.constant 9984 : i32
          %dma_wait3A_112 = arith.constant 0 : i32
          %dma_wait3A_113 = tpu.memref_slice %arg8[%dma_wait3A_111, %dma_wait3A_112] : memref<10000x128xf32, #tpu.memory_space<hbm>> -> memref<16x128xf32, #tpu.memory_space<hbm>>
          %dma_wait3A_114 = arith.constant 9984 : i32
          %dma_wait3A_115 = arith.constant 0 : i32
          %dma_wait3A_116 = tpu.memref_slice %arg17[%dma_wait3A_114, %dma_wait3A_115] : memref<10000x128xf32, #tpu.memory_space<vmem_shared>> -> memref<16x128xf32, #tpu.memory_space<vmem_shared>>
          tpu.wait_dma2 semaphore(%run_scoped3A : memref<!tpu.dma_semaphore, #tpu.memory_space<semaphore_mem>>) src(%dma_wait3A_116 : memref<16x128xf32, #tpu.memory_space<vmem_shared>>) dst(%dma_wait3A_113 : memref<16x128xf32, #tpu.memory_space<hbm>>)
          tpu.yield
        }) : () -> ()
      } else {
      }
    } else {
    }
    %eq3A_95 = arith.constant 1 : i32
    %eq3A_96 = arith.cmpi eq, %arg0, %eq3A_95 : i32
    %convert_element_type3A_97 = arith.extui %eq3A_96 : i1 to i32
    %cond3A_98 = arith.constant 0 : i32
    %cond3A_99 = arith.cmpi ne, %convert_element_type3A_97, %cond3A_98 : i32
    scf.if %cond3A_99 {
      "tpu.region"() ({
        %run_scoped3A = tpu.sem_alloc : memref<!tpu.dma_semaphore, #tpu.memory_space<semaphore_mem>>
        %dma_start3A_105 = arith.constant 0 : i32
        %dma_start3A_106 = tpu.memref_slice %arg9[%mul3A_0, %dma_start3A_105] : memref<10000x128xf32, #tpu.memory_space<hbm>> -> memref<624x128xf32, #tpu.memory_space<hbm>>
        %dma_start3A_107 = arith.constant 0 : i32
        %dma_start3A_108 = tpu.memref_slice %arg17[%mul3A_0, %dma_start3A_107] : memref<10000x128xf32, #tpu.memory_space<vmem_shared>> -> memref<624x128xf32, #tpu.memory_space<vmem_shared>>
        tpu.enqueue_dma source(%dma_start3A_108 : memref<624x128xf32, #tpu.memory_space<vmem_shared>>) target(%dma_start3A_106 : memref<624x128xf32, #tpu.memory_space<hbm>>) target_semaphore(%run_scoped3A : memref<!tpu.dma_semaphore, #tpu.memory_space<semaphore_mem>>)
        %dma_wait3A_109 = arith.constant 0 : i32
        %dma_wait3A_110 = tpu.memref_slice %arg9[%mul3A_0, %dma_wait3A_109] : memref<10000x128xf32, #tpu.memory_space<hbm>> -> memref<624x128xf32, #tpu.memory_space<hbm>>
        %dma_wait3A_111 = arith.constant 0 : i32
        %dma_wait3A_112 = tpu.memref_slice %arg17[%mul3A_0, %dma_wait3A_111] : memref<10000x128xf32, #tpu.memory_space<vmem_shared>> -> memref<624x128xf32, #tpu.memory_space<vmem_shared>>
        tpu.wait_dma2 semaphore(%run_scoped3A : memref<!tpu.dma_semaphore, #tpu.memory_space<semaphore_mem>>) src(%dma_wait3A_112 : memref<624x128xf32, #tpu.memory_space<vmem_shared>>) dst(%dma_wait3A_110 : memref<624x128xf32, #tpu.memory_space<hbm>>)
        tpu.yield
      }) : () -> ()
      %eq3A_100 = arith.constant 15 : i32
      %eq3A_101 = arith.cmpi eq, %arg1, %eq3A_100 : i32
      %convert_element_type3A_102 = arith.extui %eq3A_101 : i1 to i32
      %cond3A_103 = arith.constant 0 : i32
      %cond3A_104 = arith.cmpi ne, %convert_element_type3A_102, %cond3A_103 : i32
      scf.if %cond3A_104 {
        "tpu.region"() ({
          %run_scoped3A = tpu.sem_alloc : memref<!tpu.dma_semaphore, #tpu.memory_space<semaphore_mem>>
          %dma_start3A_105 = arith.constant 9984 : i32
          %dma_start3A_106 = arith.constant 0 : i32
          %dma_start3A_107 = tpu.memref_slice %arg9[%dma_start3A_105, %dma_start3A_106] : memref<10000x128xf32, #tpu.memory_space<hbm>> -> memref<16x128xf32, #tpu.memory_space<hbm>>
          %dma_start3A_108 = arith.constant 9984 : i32
          %dma_start3A_109 = arith.constant 0 : i32
          %dma_start3A_110 = tpu.memref_slice %arg17[%dma_start3A_108, %dma_start3A_109] : memref<10000x128xf32, #tpu.memory_space<vmem_shared>> -> memref<16x128xf32, #tpu.memory_space<vmem_shared>>
          tpu.enqueue_dma source(%dma_start3A_110 : memref<16x128xf32, #tpu.memory_space<vmem_shared>>) target(%dma_start3A_107 : memref<16x128xf32, #tpu.memory_space<hbm>>) target_semaphore(%run_scoped3A : memref<!tpu.dma_semaphore, #tpu.memory_space<semaphore_mem>>)
          %dma_wait3A_111 = arith.constant 9984 : i32
          %dma_wait3A_112 = arith.constant 0 : i32
          %dma_wait3A_113 = tpu.memref_slice %arg9[%dma_wait3A_111, %dma_wait3A_112] : memref<10000x128xf32, #tpu.memory_space<hbm>> -> memref<16x128xf32, #tpu.memory_space<hbm>>
          %dma_wait3A_114 = arith.constant 9984 : i32
          %dma_wait3A_115 = arith.constant 0 : i32
          %dma_wait3A_116 = tpu.memref_slice %arg17[%dma_wait3A_114, %dma_wait3A_115] : memref<10000x128xf32, #tpu.memory_space<vmem_shared>> -> memref<16x128xf32, #tpu.memory_space<vmem_shared>>
          tpu.wait_dma2 semaphore(%run_scoped3A : memref<!tpu.dma_semaphore, #tpu.memory_space<semaphore_mem>>) src(%dma_wait3A_116 : memref<16x128xf32, #tpu.memory_space<vmem_shared>>) dst(%dma_wait3A_113 : memref<16x128xf32, #tpu.memory_space<hbm>>)
          tpu.yield
        }) : () -> ()
      } else {
      }
    } else {
    }
    return
  }
}

module attributes {stable_mosaic.version = 14 : i64} {
  func.func @body(%arg0: i32, %arg1: memref<2000x256xf32, #tpu.memory_space<vmem>>, %arg2: memref<256x256xf32, #tpu.memory_space<vmem>>, %arg3: memref<256x256xf32, #tpu.memory_space<vmem>>, %arg4: memref<1x256xf32, #tpu.memory_space<vmem>>, %arg5: memref<2000x128xf32, #tpu.memory_space<vmem>>, %arg6: memref<2000x128xf32, #tpu.memory_space<vmem>>, %arg7: memref<2000x128xf32, #tpu.memory_space<vmem>>, %arg8: memref<2000x128xf32, #tpu.memory_space<vmem>>) attributes {dimension_semantics = [#tpu.dimension_semantics<arbitrary>], iteration_bounds = array<i64: 5>, scalar_prefetch = 0 : i64, scratch_operands = 0 : i64, tpu.core_type = #tpu.core_type<tc>, window_params = [{transform_indices = @transform_0, window_bounds = array<i64: 2000, 256>}, {pipeline_mode = #tpu.pipeline_mode<synchronous>, transform_indices = @transform_1, window_bounds = array<i64: 256, 256>}, {pipeline_mode = #tpu.pipeline_mode<synchronous>, transform_indices = @transform_2, window_bounds = array<i64: 256, 256>}, {pipeline_mode = #tpu.pipeline_mode<synchronous>, transform_indices = @transform_3, window_bounds = array<i64: 1, 256>}, {transform_indices = @transform_4, window_bounds = array<i64: 2000, 128>}, {transform_indices = @transform_5, window_bounds = array<i64: 2000, 128>}, {transform_indices = @transform_6, window_bounds = array<i64: 2000, 128>}, {transform_indices = @transform_7, window_bounds = array<i64: 2000, 128>}]} {
    %get3A = arith.constant 0 : index
    %get3A_0 = arith.constant 0 : index
    %get3A_1 = vector.load %arg1[%get3A, %get3A_0] : memref<2000x256xf32, #tpu.memory_space<vmem>>, vector<2000x256xf32>
    %get3A_2 = arith.constant 0 : index
    %get3A_3 = arith.constant 0 : index
    %get3A_4 = vector.load %arg2[%get3A_2, %get3A_3] : memref<256x256xf32, #tpu.memory_space<vmem>>, vector<256x256xf32>
    %dot_general3A = arith.constant dense<0.000000e+00> : vector<2000x256xf32>
    %dot_general3A_5 = tpu.matmul %get3A_1, %get3A_4, %dot_general3A {dimension_numbers = #tpu.dot_dimension_numbers<[1], [0], [0], [1], [0, 0, 1, 1], [], []>, transpose_lhs_hint = false} : vector<2000x256xf32>, vector<256x256xf32>, vector<2000x256xf32> -> vector<2000x256xf32>
    %get3A_6 = arith.constant 0 : index
    %get3A_7 = arith.constant 0 : index
    %get3A_8 = vector.load %arg3[%get3A_6, %get3A_7] : memref<256x256xf32, #tpu.memory_space<vmem>>, vector<256x256xf32>
    %dot_general3A_9 = arith.constant dense<0.000000e+00> : vector<2000x256xf32>
    %dot_general3A_10 = tpu.matmul %get3A_1, %get3A_8, %dot_general3A_9 {dimension_numbers = #tpu.dot_dimension_numbers<[1], [0], [0], [1], [0, 0, 1, 1], [], []>, transpose_lhs_hint = false} : vector<2000x256xf32>, vector<256x256xf32>, vector<2000x256xf32> -> vector<2000x256xf32>
    %get3A_11 = arith.constant 0 : index
    %get3A_12 = arith.constant 0 : index
    %get3A_13 = vector.load %arg4[%get3A_11, %get3A_12] : memref<1x256xf32, #tpu.memory_space<vmem>>, vector<1x256xf32>
    %add3A = vector.broadcast %get3A_13 : vector<1x256xf32> to vector<2000x256xf32>
    %add3A_14 = arith.addf %dot_general3A_10, %add3A : vector<2000x256xf32>
    %slice3A = vector.extract_strided_slice %dot_general3A_5 {offsets = [0, 0], sizes = [2000, 128], strides = [1, 1]} : vector<2000x256xf32> to vector<2000x128xf32>
    %swap3A = arith.constant 0 : index
    %swap3A_15 = arith.constant 0 : index
    %swap3A_16 = vector.load %arg5[%swap3A, %swap3A_15] : memref<2000x128xf32, #tpu.memory_space<vmem>>, vector<2000x128xf32>
    tpu.vector_store %arg5[%swap3A, %swap3A_15], %slice3A {strides = array<i32>} : memref<2000x128xf32, #tpu.memory_space<vmem>>, vector<2000x128xf32>,
    %slice3A_17 = vector.extract_strided_slice %dot_general3A_5 {offsets = [0, 128], sizes = [2000, 128], strides = [1, 1]} : vector<2000x256xf32> to vector<2000x128xf32>
    %swap3A_18 = arith.constant 0 : index
    %swap3A_19 = arith.constant 0 : index
    %swap3A_20 = vector.load %arg6[%swap3A_18, %swap3A_19] : memref<2000x128xf32, #tpu.memory_space<vmem>>, vector<2000x128xf32>
    tpu.vector_store %arg6[%swap3A_18, %swap3A_19], %slice3A_17 {strides = array<i32>} : memref<2000x128xf32, #tpu.memory_space<vmem>>, vector<2000x128xf32>,
    %slice3A_21 = vector.extract_strided_slice %add3A_14 {offsets = [0, 0], sizes = [2000, 128], strides = [1, 1]} : vector<2000x256xf32> to vector<2000x128xf32>
    %swap3A_22 = arith.constant 0 : index
    %swap3A_23 = arith.constant 0 : index
    %swap3A_24 = vector.load %arg7[%swap3A_22, %swap3A_23] : memref<2000x128xf32, #tpu.memory_space<vmem>>, vector<2000x128xf32>
    tpu.vector_store %arg7[%swap3A_22, %swap3A_23], %slice3A_21 {strides = array<i32>} : memref<2000x128xf32, #tpu.memory_space<vmem>>, vector<2000x128xf32>,
    %slice3A_25 = vector.extract_strided_slice %add3A_14 {offsets = [0, 128], sizes = [2000, 128], strides = [1, 1]} : vector<2000x256xf32> to vector<2000x128xf32>
    %swap3A_26 = arith.constant 0 : index
    %swap3A_27 = arith.constant 0 : index
    %swap3A_28 = vector.load %arg8[%swap3A_26, %swap3A_27] : memref<2000x128xf32, #tpu.memory_space<vmem>>, vector<2000x128xf32>
    tpu.vector_store %arg8[%swap3A_26, %swap3A_27], %slice3A_25 {strides = array<i32>} : memref<2000x128xf32, #tpu.memory_space<vmem>>, vector<2000x128xf32>,
    return
  }
  func.func @transform_0(%arg0: i32) -> (i32, i32) {
    %c0_i32 = arith.constant 0 : i32
    %c0_i32_0 = arith.constant 0 : i32
    return %arg0, %c0_i32 : i32, i32
  }
  func.func @transform_1(%arg0: i32) -> (i32, i32) {
    %c0_i32 = arith.constant 0 : i32
    %c0_i32_0 = arith.constant 0 : i32
    %c0_i32_1 = arith.constant 0 : i32
    return %c0_i32, %c0_i32_0 : i32, i32
  }
  func.func @transform_2(%arg0: i32) -> (i32, i32) {
    %c0_i32 = arith.constant 0 : i32
    %c0_i32_0 = arith.constant 0 : i32
    %c0_i32_1 = arith.constant 0 : i32
    return %c0_i32, %c0_i32_0 : i32, i32
  }
  func.func @transform_3(%arg0: i32) -> (i32, i32) {
    %c0_i32 = arith.constant 0 : i32
    %c0_i32_0 = arith.constant 0 : i32
    %c0_i32_1 = arith.constant 0 : i32
    return %c0_i32, %c0_i32_0 : i32, i32
  }
  func.func @transform_4(%arg0: i32) -> (i32, i32) {
    %c0_i32 = arith.constant 0 : i32
    %c0_i32_0 = arith.constant 0 : i32
    return %arg0, %c0_i32 : i32, i32
  }
  func.func @transform_5(%arg0: i32) -> (i32, i32) {
    %c0_i32 = arith.constant 0 : i32
    %c0_i32_0 = arith.constant 0 : i32
    return %arg0, %c0_i32 : i32, i32
  }
  func.func @transform_6(%arg0: i32) -> (i32, i32) {
    %c0_i32 = arith.constant 0 : i32
    %c0_i32_0 = arith.constant 0 : i32
    return %arg0, %c0_i32 : i32, i32
  }
  func.func @transform_7(%arg0: i32) -> (i32, i32) {
    %c0_i32 = arith.constant 0 : i32
    %c0_i32_0 = arith.constant 0 : i32
    return %arg0, %c0_i32 : i32, i32
  }
}

module attributes {stable_mosaic.version = 14 : i64} {
  func.func @body(%arg0: i32, %arg1: memref<2000x128xf32, #tpu.memory_space<vmem>>, %arg2: memref<2000x128xf32, #tpu.memory_space<vmem>>, %arg3: memref<256x256xf32, #tpu.memory_space<vmem>>, %arg4: memref<256x256xf32, #tpu.memory_space<vmem>>, %arg5: memref<1x256xf32, #tpu.memory_space<vmem>>, %arg6: memref<2000x128xf32, #tpu.memory_space<vmem>>, %arg7: memref<2000x128xf32, #tpu.memory_space<vmem>>, %arg8: memref<2000x128xf32, #tpu.memory_space<vmem>>, %arg9: memref<2000x128xf32, #tpu.memory_space<vmem>>) attributes {dimension_semantics = [#tpu.dimension_semantics<arbitrary>], iteration_bounds = array<i64: 5>, scalar_prefetch = 0 : i64, scratch_operands = 0 : i64, tpu.core_type = #tpu.core_type<tc>, window_params = [{transform_indices = @transform_0, window_bounds = array<i64: 2000, 128>}, {transform_indices = @transform_1, window_bounds = array<i64: 2000, 128>}, {pipeline_mode = #tpu.pipeline_mode<synchronous>, transform_indices = @transform_2, window_bounds = array<i64: 256, 256>}, {pipeline_mode = #tpu.pipeline_mode<synchronous>, transform_indices = @transform_3, window_bounds = array<i64: 256, 256>}, {pipeline_mode = #tpu.pipeline_mode<synchronous>, transform_indices = @transform_4, window_bounds = array<i64: 1, 256>}, {transform_indices = @transform_5, window_bounds = array<i64: 2000, 128>}, {transform_indices = @transform_6, window_bounds = array<i64: 2000, 128>}, {transform_indices = @transform_7, window_bounds = array<i64: 2000, 128>}, {transform_indices = @transform_8, window_bounds = array<i64: 2000, 128>}]} {
    %get3A = arith.constant 0 : index
    %get3A_0 = arith.constant 0 : index
    %get3A_1 = vector.load %arg1[%get3A, %get3A_0] : memref<2000x128xf32, #tpu.memory_space<vmem>>, vector<2000x128xf32>
    %get3A_2 = arith.constant 0 : index
    %get3A_3 = arith.constant 0 : index
    %get3A_4 = vector.load %arg2[%get3A_2, %get3A_3] : memref<2000x128xf32, #tpu.memory_space<vmem>>, vector<2000x128xf32>
    %concatenate3A = tpu.concatenate %get3A_1, %get3A_4 in 1 : vector<2000x128xf32>, vector<2000x128xf32> -> vector<2000x256xf32>
    %max3A = arith.constant 0.000000e+00 : f32
    %max3A_5 = vector.broadcast %max3A : f32 to vector<2000x256xf32>
    %max3A_6 = arith.maximumf %concatenate3A, %max3A_5 : vector<2000x256xf32>
    %get3A_7 = arith.constant 0 : index
    %get3A_8 = arith.constant 0 : index
    %get3A_9 = vector.load %arg3[%get3A_7, %get3A_8] : memref<256x256xf32, #tpu.memory_space<vmem>>, vector<256x256xf32>
    %dot_general3A = arith.constant dense<0.000000e+00> : vector<2000x256xf32>
    %dot_general3A_10 = tpu.matmul %max3A_6, %get3A_9, %dot_general3A {dimension_numbers = #tpu.dot_dimension_numbers<[1], [0], [0], [1], [0, 0, 1, 1], [], []>, transpose_lhs_hint = false} : vector<2000x256xf32>, vector<256x256xf32>, vector<2000x256xf32> -> vector<2000x256xf32>
    %get3A_11 = arith.constant 0 : index
    %get3A_12 = arith.constant 0 : index
    %get3A_13 = vector.load %arg4[%get3A_11, %get3A_12] : memref<256x256xf32, #tpu.memory_space<vmem>>, vector<256x256xf32>
    %dot_general3A_14 = arith.constant dense<0.000000e+00> : vector<2000x256xf32>
    %dot_general3A_15 = tpu.matmul %max3A_6, %get3A_13, %dot_general3A_14 {dimension_numbers = #tpu.dot_dimension_numbers<[1], [0], [0], [1], [0, 0, 1, 1], [], []>, transpose_lhs_hint = false} : vector<2000x256xf32>, vector<256x256xf32>, vector<2000x256xf32> -> vector<2000x256xf32>
    %get3A_16 = arith.constant 0 : index
    %get3A_17 = arith.constant 0 : index
    %get3A_18 = vector.load %arg5[%get3A_16, %get3A_17] : memref<1x256xf32, #tpu.memory_space<vmem>>, vector<1x256xf32>
    %add3A = vector.broadcast %get3A_18 : vector<1x256xf32> to vector<2000x256xf32>
    %add3A_19 = arith.addf %dot_general3A_15, %add3A : vector<2000x256xf32>
    %slice3A = vector.extract_strided_slice %dot_general3A_10 {offsets = [0, 0], sizes = [2000, 128], strides = [1, 1]} : vector<2000x256xf32> to vector<2000x128xf32>
    %swap3A = arith.constant 0 : index
    %swap3A_20 = arith.constant 0 : index
    %swap3A_21 = vector.load %arg6[%swap3A, %swap3A_20] : memref<2000x128xf32, #tpu.memory_space<vmem>>, vector<2000x128xf32>
    tpu.vector_store %arg6[%swap3A, %swap3A_20], %slice3A {strides = array<i32>} : memref<2000x128xf32, #tpu.memory_space<vmem>>, vector<2000x128xf32>,
    %slice3A_22 = vector.extract_strided_slice %dot_general3A_10 {offsets = [0, 128], sizes = [2000, 128], strides = [1, 1]} : vector<2000x256xf32> to vector<2000x128xf32>
    %swap3A_23 = arith.constant 0 : index
    %swap3A_24 = arith.constant 0 : index
    %swap3A_25 = vector.load %arg7[%swap3A_23, %swap3A_24] : memref<2000x128xf32, #tpu.memory_space<vmem>>, vector<2000x128xf32>
    tpu.vector_store %arg7[%swap3A_23, %swap3A_24], %slice3A_22 {strides = array<i32>} : memref<2000x128xf32, #tpu.memory_space<vmem>>, vector<2000x128xf32>,
    %slice3A_26 = vector.extract_strided_slice %add3A_19 {offsets = [0, 0], sizes = [2000, 128], strides = [1, 1]} : vector<2000x256xf32> to vector<2000x128xf32>
    %swap3A_27 = arith.constant 0 : index
    %swap3A_28 = arith.constant 0 : index
    %swap3A_29 = vector.load %arg8[%swap3A_27, %swap3A_28] : memref<2000x128xf32, #tpu.memory_space<vmem>>, vector<2000x128xf32>
    tpu.vector_store %arg8[%swap3A_27, %swap3A_28], %slice3A_26 {strides = array<i32>} : memref<2000x128xf32, #tpu.memory_space<vmem>>, vector<2000x128xf32>,
    %slice3A_30 = vector.extract_strided_slice %add3A_19 {offsets = [0, 128], sizes = [2000, 128], strides = [1, 1]} : vector<2000x256xf32> to vector<2000x128xf32>
    %swap3A_31 = arith.constant 0 : index
    %swap3A_32 = arith.constant 0 : index
    %swap3A_33 = vector.load %arg9[%swap3A_31, %swap3A_32] : memref<2000x128xf32, #tpu.memory_space<vmem>>, vector<2000x128xf32>
    tpu.vector_store %arg9[%swap3A_31, %swap3A_32], %slice3A_30 {strides = array<i32>} : memref<2000x128xf32, #tpu.memory_space<vmem>>, vector<2000x128xf32>,
    return
  }
  func.func @transform_0(%arg0: i32) -> (i32, i32) {
    %c0_i32 = arith.constant 0 : i32
    %c0_i32_0 = arith.constant 0 : i32
    return %arg0, %c0_i32 : i32, i32
  }
  func.func @transform_1(%arg0: i32) -> (i32, i32) {
    %c0_i32 = arith.constant 0 : i32
    %c0_i32_0 = arith.constant 0 : i32
    return %arg0, %c0_i32 : i32, i32
  }
  func.func @transform_2(%arg0: i32) -> (i32, i32) {
    %c0_i32 = arith.constant 0 : i32
    %c0_i32_0 = arith.constant 0 : i32
    %c0_i32_1 = arith.constant 0 : i32
    return %c0_i32, %c0_i32_0 : i32, i32
  }
  func.func @transform_3(%arg0: i32) -> (i32, i32) {
    %c0_i32 = arith.constant 0 : i32
    %c0_i32_0 = arith.constant 0 : i32
    %c0_i32_1 = arith.constant 0 : i32
    return %c0_i32, %c0_i32_0 : i32, i32
  }
  func.func @transform_4(%arg0: i32) -> (i32, i32) {
    %c0_i32 = arith.constant 0 : i32
    %c0_i32_0 = arith.constant 0 : i32
    %c0_i32_1 = arith.constant 0 : i32
    return %c0_i32, %c0_i32_0 : i32, i32
  }
  func.func @transform_5(%arg0: i32) -> (i32, i32) {
    %c0_i32 = arith.constant 0 : i32
    %c0_i32_0 = arith.constant 0 : i32
    return %arg0, %c0_i32 : i32, i32
  }
  func.func @transform_6(%arg0: i32) -> (i32, i32) {
    %c0_i32 = arith.constant 0 : i32
    %c0_i32_0 = arith.constant 0 : i32
    return %arg0, %c0_i32 : i32, i32
  }
  func.func @transform_7(%arg0: i32) -> (i32, i32) {
    %c0_i32 = arith.constant 0 : i32
    %c0_i32_0 = arith.constant 0 : i32
    return %arg0, %c0_i32 : i32, i32
  }
  func.func @transform_8(%arg0: i32) -> (i32, i32) {
    %c0_i32 = arith.constant 0 : i32
    %c0_i32_0 = arith.constant 0 : i32
    return %arg0, %c0_i32 : i32, i32
  }
}

module attributes {stable_mosaic.version = 14 : i64} {
  func.func @_pool_mlp_body(%arg0: i32, %arg1: memref<2000x128xf32, #tpu.memory_space<vmem>>, %arg2: memref<2000x128xf32, #tpu.memory_space<vmem>>, %arg3: memref<1x1x2000xi32, #tpu.memory_space<vmem>>, %arg4: memref<256x256xf32, #tpu.memory_space<vmem>>, %arg5: memref<1x256xf32, #tpu.memory_space<vmem>>, %arg6: memref<1x256xf32, #tpu.memory_space<vmem>>, %arg7: memref<1x256xf32, #tpu.memory_space<vmem>>, %arg8: memref<256x40xf32, #tpu.memory_space<vmem>>, %arg9: memref<1x40xf32, #tpu.memory_space<vmem>>, %arg10: memref<1x40xf32, #tpu.memory_space<vmem>>, %arg11: memref<1x40xf32, #tpu.memory_space<vmem>>, %arg12: memref<64x40xf32, #tpu.memory_space<vmem>>, %arg13: memref<64x256xf32, #tpu.memory_space<vmem>>, %arg14: memref<64x256xf32, #tpu.memory_space<vmem>>) attributes {dimension_semantics = [#tpu.dimension_semantics<arbitrary>], iteration_bounds = array<i64: 5>, scalar_prefetch = 0 : i64, scratch_operands = 2 : i64, tpu.core_type = #tpu.core_type<tc>, window_params = [{transform_indices = @transform_0, window_bounds = array<i64: 2000, 128>}, {transform_indices = @transform_1, window_bounds = array<i64: 2000, 128>}, {transform_indices = @transform_2, window_bounds = array<i64: 1, 1, 2000>}, {pipeline_mode = #tpu.pipeline_mode<synchronous>, transform_indices = @transform_3, window_bounds = array<i64: 256, 256>}, {pipeline_mode = #tpu.pipeline_mode<synchronous>, transform_indices = @transform_4, window_bounds = array<i64: 1, 256>}, {pipeline_mode = #tpu.pipeline_mode<synchronous>, transform_indices = @transform_5, window_bounds = array<i64: 1, 256>}, {pipeline_mode = #tpu.pipeline_mode<synchronous>, transform_indices = @transform_6, window_bounds = array<i64: 1, 256>}, {pipeline_mode = #tpu.pipeline_mode<synchronous>, transform_indices = @transform_7, window_bounds = array<i64: 256, 40>}, {pipeline_mode = #tpu.pipeline_mode<synchronous>, transform_indices = @transform_8, window_bounds = array<i64: 1, 40>}, {pipeline_mode = #tpu.pipeline_mode<synchronous>, transform_indices = @transform_9, window_bounds = array<i64: 1, 40>}, {pipeline_mode = #tpu.pipeline_mode<synchronous>, transform_indices = @transform_10, window_bounds = array<i64: 1, 40>}, {pipeline_mode = #tpu.pipeline_mode<synchronous>, transform_indices = @transform_11, window_bounds = array<i64: 64, 40>}]} {
    %eq3A = arith.constant 0 : i32
    %eq3A_0 = arith.cmpi eq, %arg0, %eq3A : i32
    %convert_element_type3A = arith.extui %eq3A_0 : i1 to i32
    %cond3A = arith.constant 0 : i32
    %cond3A_1 = arith.cmpi ne, %convert_element_type3A, %cond3A : i32
    scf.if %cond3A_1 {
      %broadcast_in_dim3A_40 = arith.constant 0.000000e+00 : f32
      %broadcast_in_dim3A_41 = vector.broadcast %broadcast_in_dim3A_40 : f32 to vector<64x256xf32>
      %swap3A_42 = arith.constant 0 : index
      %swap3A_43 = arith.constant 0 : index
      %swap3A_44 = vector.load %arg13[%swap3A_42, %swap3A_43] : memref<64x256xf32, #tpu.memory_space<vmem>>, vector<64x256xf32>
      tpu.vector_store %arg13[%swap3A_42, %swap3A_43], %broadcast_in_dim3A_41 {strides = array<i32>} : memref<64x256xf32, #tpu.memory_space<vmem>>, vector<64x256xf32>,
      %broadcast_in_dim3A_45 = arith.constant 0.000000e+00 : f32
      %broadcast_in_dim3A_46 = vector.broadcast %broadcast_in_dim3A_45 : f32 to vector<64x256xf32>
      %swap3A_47 = arith.constant 0 : index
      %swap3A_48 = arith.constant 0 : index
      %swap3A_49 = vector.load %arg14[%swap3A_47, %swap3A_48] : memref<64x256xf32, #tpu.memory_space<vmem>>, vector<64x256xf32>
      tpu.vector_store %arg14[%swap3A_47, %swap3A_48], %broadcast_in_dim3A_46 {strides = array<i32>} : memref<64x256xf32, #tpu.memory_space<vmem>>, vector<64x256xf32>,
    } else {
    }
    %get3A = arith.constant 0 : index
    %get3A_2 = arith.constant 0 : index
    %get3A_3 = vector.load %arg1[%get3A, %get3A_2] : memref<2000x128xf32, #tpu.memory_space<vmem>>, vector<2000x128xf32>
    %get3A_4 = arith.constant 0 : index
    %get3A_5 = arith.constant 0 : index
    %get3A_6 = vector.load %arg2[%get3A_4, %get3A_5] : memref<2000x128xf32, #tpu.memory_space<vmem>>, vector<2000x128xf32>
    %concatenate3A = tpu.concatenate %get3A_3, %get3A_6 in 1 : vector<2000x128xf32>, vector<2000x128xf32> -> vector<2000x256xf32>
    %max3A = arith.constant 0.000000e+00 : f32
    %max3A_7 = vector.broadcast %max3A : f32 to vector<2000x256xf32>
    %max3A_8 = arith.maximumf %concatenate3A, %max3A_7 : vector<2000x256xf32>
    %get3A_9 = arith.constant 0 : index
    %get3A_10 = arith.constant 0 : index
    %get3A_11 = arith.constant 0 : index
    %get3A_12 = vector.load %arg3[%get3A_9, %get3A_10, %get3A_11] : memref<1x1x2000xi32, #tpu.memory_space<vmem>>, vector<1x1x2000xi32>
    %get3A_13 = vector.shape_cast %get3A_12 : vector<1x1x2000xi32> to vector<2000xi32>
    %iota3A = tpu.iota {dimensions = array<i32: 1>} : vector<2000x64xi32>
    %broadcast_in_dim3A = vector.shape_cast %get3A_13 : vector<2000xi32> to vector<2000x1xi32>
    %eq3A_14 = vector.broadcast %broadcast_in_dim3A : vector<2000x1xi32> to vector<2000x64xi32>
    %eq3A_15 = arith.cmpi eq, %eq3A_14, %iota3A : vector<2000x64xi32>
    %convert_element_type3A_16 = arith.extui %eq3A_15 : vector<2000x64xi1> to vector<2000x64xi32>
    %convert_element_type3A_17 = arith.sitofp %convert_element_type3A_16 : vector<2000x64xi32> to vector<2000x64xf32>
    %get3A_18 = arith.constant 0 : index
    %get3A_19 = arith.constant 0 : index
    %get3A_20 = vector.load %arg13[%get3A_18, %get3A_19] : memref<64x256xf32, #tpu.memory_space<vmem>>, vector<64x256xf32>
    %dot_general3A = arith.constant dense<0.000000e+00> : vector<64x256xf32>
    %dot_general3A_21 = tpu.matmul %convert_element_type3A_17, %max3A_8, %dot_general3A {dimension_numbers = #tpu.dot_dimension_numbers<[0], [0], [1], [1], [0, 1, 1, 1], [], []>, precision = #tpu.contract_precision<fp32>, transpose_lhs_hint = false} : vector<2000x64xf32>, vector<2000x256xf32>, vector<64x256xf32> -> vector<64x256xf32>
    %add3A = arith.addf %get3A_20, %dot_general3A_21 : vector<64x256xf32>
    %swap3A = arith.constant 0 : index
    %swap3A_22 = arith.constant 0 : index
    %swap3A_23 = vector.load %arg13[%swap3A, %swap3A_22] : memref<64x256xf32, #tpu.memory_space<vmem>>, vector<64x256xf32>
    tpu.vector_store %arg13[%swap3A, %swap3A_22], %add3A {strides = array<i32>} : memref<64x256xf32, #tpu.memory_space<vmem>>, vector<64x256xf32>,
    %get3A_24 = arith.constant 0 : index
    %get3A_25 = arith.constant 0 : index
    %get3A_26 = vector.load %arg14[%get3A_24, %get3A_25] : memref<64x256xf32, #tpu.memory_space<vmem>>, vector<64x256xf32>
    %broadcast_in_dim3A_27 = arith.constant 1.000000e+00 : f32
    %broadcast_in_dim3A_28 = vector.broadcast %broadcast_in_dim3A_27 : f32 to vector<2000x256xf32>
    %dot_general3A_29 = arith.constant dense<0.000000e+00> : vector<64x256xf32>
    %dot_general3A_30 = tpu.matmul %convert_element_type3A_17, %broadcast_in_dim3A_28, %dot_general3A_29 {dimension_numbers = #tpu.dot_dimension_numbers<[0], [0], [1], [1], [0, 1, 1, 1], [], []>, precision = #tpu.contract_precision<fp32>, transpose_lhs_hint = false} : vector<2000x64xf32>, vector<2000x256xf32>, vector<64x256xf32> -> vector<64x256xf32>
    %add3A_31 = arith.addf %get3A_26, %dot_general3A_30 : vector<64x256xf32>
    %swap3A_32 = arith.constant 0 : index
    %swap3A_33 = arith.constant 0 : index
    %swap3A_34 = vector.load %arg14[%swap3A_32, %swap3A_33] : memref<64x256xf32, #tpu.memory_space<vmem>>, vector<64x256xf32>
    tpu.vector_store %arg14[%swap3A_32, %swap3A_33], %add3A_31 {strides = array<i32>} : memref<64x256xf32, #tpu.memory_space<vmem>>, vector<64x256xf32>,
    %eq3A_35 = arith.constant 4 : i32
    %eq3A_36 = arith.cmpi eq, %arg0, %eq3A_35 : i32
    %convert_element_type3A_37 = arith.extui %eq3A_36 : i1 to i32
    %cond3A_38 = arith.constant 0 : i32
    %cond3A_39 = arith.cmpi ne, %convert_element_type3A_37, %cond3A_38 : i32
    scf.if %cond3A_39 {
      %get3A_40 = arith.constant 0 : index
      %get3A_41 = arith.constant 0 : index
      %get3A_42 = vector.load %arg13[%get3A_40, %get3A_41] : memref<64x256xf32, #tpu.memory_space<vmem>>, vector<64x256xf32>
      %get3A_43 = arith.constant 0 : index
      %get3A_44 = arith.constant 0 : index
      %get3A_45 = vector.load %arg14[%get3A_43, %get3A_44] : memref<64x256xf32, #tpu.memory_space<vmem>>, vector<64x256xf32>
      %max3A_46 = arith.constant 1.000000e+00 : f32
      %max3A_47 = vector.broadcast %max3A_46 : f32 to vector<64x256xf32>
      %max3A_48 = arith.maximumf %get3A_45, %max3A_47 : vector<64x256xf32>
      %div3A = arith.divf %get3A_42, %max3A_48 : vector<64x256xf32>
      %get3A_49 = arith.constant 0 : index
      %get3A_50 = arith.constant 0 : index
      %get3A_51 = vector.load %arg4[%get3A_49, %get3A_50] : memref<256x256xf32, #tpu.memory_space<vmem>>, vector<256x256xf32>
      %dot_general3A_52 = arith.constant dense<0.000000e+00> : vector<64x256xf32>
      %dot_general3A_53 = tpu.matmul %div3A, %get3A_51, %dot_general3A_52 {dimension_numbers = #tpu.dot_dimension_numbers<[1], [0], [0], [1], [0, 0, 1, 1], [], []>, transpose_lhs_hint = false} : vector<64x256xf32>, vector<256x256xf32>, vector<64x256xf32> -> vector<64x256xf32>
      %get3A_54 = arith.constant 0 : index
      %get3A_55 = arith.constant 0 : index
      %get3A_56 = vector.load %arg5[%get3A_54, %get3A_55] : memref<1x256xf32, #tpu.memory_space<vmem>>, vector<1x256xf32>
      %add3A_57 = vector.broadcast %get3A_56 : vector<1x256xf32> to vector<64x256xf32>
      %add3A_58 = arith.addf %dot_general3A_53, %add3A_57 : vector<64x256xf32>
      %max3A_59 = arith.constant 0.000000e+00 : f32
      %max3A_60 = vector.broadcast %max3A_59 : f32 to vector<64x256xf32>
      %max3A_61 = arith.maximumf %add3A_58, %max3A_60 : vector<64x256xf32>
      %reduce_sum3A = arith.constant dense<0.000000e+00> : vector<256xf32>
      %reduce_sum3A_62 = vector.multi_reduction <add>, %max3A_61, %reduce_sum3A [0] : vector<64x256xf32> to vector<256xf32>
      %broadcast_in_dim3A_63 = vector.shape_cast %reduce_sum3A_62 : vector<256xf32> to vector<1x256xf32>
      %div3A_64 = arith.constant 6.400000e+01 : f32
      %div3A_65 = vector.broadcast %div3A_64 : f32 to vector<1x256xf32>
      %div3A_66 = arith.divf %broadcast_in_dim3A_63, %div3A_65 : vector<1x256xf32>
      %sub3A = vector.broadcast %div3A_66 : vector<1x256xf32> to vector<64x256xf32>
      %sub3A_67 = arith.subf %max3A_61, %sub3A : vector<64x256xf32>
      %integer_pow3A = arith.mulf %sub3A_67, %sub3A_67 : vector<64x256xf32>
      %reduce_sum3A_68 = arith.constant dense<0.000000e+00> : vector<256xf32>
      %reduce_sum3A_69 = vector.multi_reduction <add>, %integer_pow3A, %reduce_sum3A_68 [0] : vector<64x256xf32> to vector<256xf32>
      %broadcast_in_dim3A_70 = vector.shape_cast %reduce_sum3A_69 : vector<256xf32> to vector<1x256xf32>
      %div3A_71 = arith.constant 6.400000e+01 : f32
      %div3A_72 = vector.broadcast %div3A_71 : f32 to vector<1x256xf32>
      %div3A_73 = arith.divf %broadcast_in_dim3A_70, %div3A_72 : vector<1x256xf32>
      %sub3A_74 = vector.broadcast %div3A_66 : vector<1x256xf32> to vector<64x256xf32>
      %sub3A_75 = arith.subf %max3A_61, %sub3A_74 : vector<64x256xf32>
      %add3A_76 = arith.constant 9.99999974E-6 : f32
      %add3A_77 = vector.broadcast %add3A_76 : f32 to vector<1x256xf32>
      %add3A_78 = arith.addf %div3A_73, %add3A_77 : vector<1x256xf32>
      %sqrt3A = math.sqrt %add3A_78 : vector<1x256xf32>
      %div3A_79 = vector.broadcast %sqrt3A : vector<1x256xf32> to vector<64x256xf32>
      %div3A_80 = arith.divf %sub3A_75, %div3A_79 : vector<64x256xf32>
      %get3A_81 = arith.constant 0 : index
      %get3A_82 = arith.constant 0 : index
      %get3A_83 = vector.load %arg6[%get3A_81, %get3A_82] : memref<1x256xf32, #tpu.memory_space<vmem>>, vector<1x256xf32>
      %mul3A = vector.broadcast %get3A_83 : vector<1x256xf32> to vector<64x256xf32>
      %mul3A_84 = arith.mulf %div3A_80, %mul3A : vector<64x256xf32>
      %get3A_85 = arith.constant 0 : index
      %get3A_86 = arith.constant 0 : index
      %get3A_87 = vector.load %arg7[%get3A_85, %get3A_86] : memref<1x256xf32, #tpu.memory_space<vmem>>, vector<1x256xf32>
      %add3A_88 = vector.broadcast %get3A_87 : vector<1x256xf32> to vector<64x256xf32>
      %add3A_89 = arith.addf %mul3A_84, %add3A_88 : vector<64x256xf32>
      %get3A_90 = arith.constant 0 : index
      %get3A_91 = arith.constant 0 : index
      %get3A_92 = vector.load %arg8[%get3A_90, %get3A_91] : memref<256x40xf32, #tpu.memory_space<vmem>>, vector<256x40xf32>
      %dot_general3A_93 = arith.constant dense<0.000000e+00> : vector<64x40xf32>
      %dot_general3A_94 = tpu.matmul %add3A_89, %get3A_92, %dot_general3A_93 {dimension_numbers = #tpu.dot_dimension_numbers<[1], [0], [0], [1], [0, 0, 1, 1], [], []>, transpose_lhs_hint = false} : vector<64x256xf32>, vector<256x40xf32>, vector<64x40xf32> -> vector<64x40xf32>
      %get3A_95 = arith.constant 0 : index
      %get3A_96 = arith.constant 0 : index
      %get3A_97 = vector.load %arg9[%get3A_95, %get3A_96] : memref<1x40xf32, #tpu.memory_space<vmem>>, vector<1x40xf32>
      %add3A_98 = vector.broadcast %get3A_97 : vector<1x40xf32> to vector<64x40xf32>
      %add3A_99 = arith.addf %dot_general3A_94, %add3A_98 : vector<64x40xf32>
      %max3A_100 = arith.constant 0.000000e+00 : f32
      %max3A_101 = vector.broadcast %max3A_100 : f32 to vector<64x40xf32>
      %max3A_102 = arith.maximumf %add3A_99, %max3A_101 : vector<64x40xf32>
      %reduce_sum3A_103 = arith.constant dense<0.000000e+00> : vector<40xf32>
      %reduce_sum3A_104 = vector.multi_reduction <add>, %max3A_102, %reduce_sum3A_103 [0] : vector<64x40xf32> to vector<40xf32>
      %broadcast_in_dim3A_105 = vector.shape_cast %reduce_sum3A_104 : vector<40xf32> to vector<1x40xf32>
      %div3A_106 = arith.constant 6.400000e+01 : f32
      %div3A_107 = vector.broadcast %div3A_106 : f32 to vector<1x40xf32>
      %div3A_108 = arith.divf %broadcast_in_dim3A_105, %div3A_107 : vector<1x40xf32>
      %sub3A_109 = vector.broadcast %div3A_108 : vector<1x40xf32> to vector<64x40xf32>
      %sub3A_110 = arith.subf %max3A_102, %sub3A_109 : vector<64x40xf32>
      %integer_pow3A_111 = arith.mulf %sub3A_110, %sub3A_110 : vector<64x40xf32>
      %reduce_sum3A_112 = arith.constant dense<0.000000e+00> : vector<40xf32>
      %reduce_sum3A_113 = vector.multi_reduction <add>, %integer_pow3A_111, %reduce_sum3A_112 [0] : vector<64x40xf32> to vector<40xf32>
      %broadcast_in_dim3A_114 = vector.shape_cast %reduce_sum3A_113 : vector<40xf32> to vector<1x40xf32>
      %div3A_115 = arith.constant 6.400000e+01 : f32
      %div3A_116 = vector.broadcast %div3A_115 : f32 to vector<1x40xf32>
      %div3A_117 = arith.divf %broadcast_in_dim3A_114, %div3A_116 : vector<1x40xf32>
      %sub3A_118 = vector.broadcast %div3A_108 : vector<1x40xf32> to vector<64x40xf32>
      %sub3A_119 = arith.subf %max3A_102, %sub3A_118 : vector<64x40xf32>
      %add3A_120 = arith.constant 9.99999974E-6 : f32
      %add3A_121 = vector.broadcast %add3A_120 : f32 to vector<1x40xf32>
      %add3A_122 = arith.addf %div3A_117, %add3A_121 : vector<1x40xf32>
      %sqrt3A_123 = math.sqrt %add3A_122 : vector<1x40xf32>
      %div3A_124 = vector.broadcast %sqrt3A_123 : vector<1x40xf32> to vector<64x40xf32>
      %div3A_125 = arith.divf %sub3A_119, %div3A_124 : vector<64x40xf32>
      %get3A_126 = arith.constant 0 : index
      %get3A_127 = arith.constant 0 : index
      %get3A_128 = vector.load %arg10[%get3A_126, %get3A_127] : memref<1x40xf32, #tpu.memory_space<vmem>>, vector<1x40xf32>
      %mul3A_129 = vector.broadcast %get3A_128 : vector<1x40xf32> to vector<64x40xf32>
      %mul3A_130 = arith.mulf %div3A_125, %mul3A_129 : vector<64x40xf32>
      %get3A_131 = arith.constant 0 : index
      %get3A_132 = arith.constant 0 : index
      %get3A_133 = vector.load %arg11[%get3A_131, %get3A_132] : memref<1x40xf32, #tpu.memory_space<vmem>>, vector<1x40xf32>
      %add3A_134 = vector.broadcast %get3A_133 : vector<1x40xf32> to vector<64x40xf32>
      %add3A_135 = arith.addf %mul3A_130, %add3A_134 : vector<64x40xf32>
      %reduce_max3A = arith.constant dense<0xFF800000> : vector<64xf32>
      %reduce_max3A_136 = vector.multi_reduction <maximumf>, %add3A_135, %reduce_max3A [1] : vector<64x40xf32> to vector<64xf32>
      %broadcast_in_dim3A_137 = vector.shape_cast %reduce_max3A_136 : vector<64xf32> to vector<64x1xf32>
      %sub3A_138 = vector.broadcast %broadcast_in_dim3A_137 : vector<64x1xf32> to vector<64x40xf32>
      %sub3A_139 = arith.subf %add3A_135, %sub3A_138 : vector<64x40xf32>
      %exp3A = math.exp %sub3A_139 : vector<64x40xf32>
      %reduce_sum3A_140 = arith.constant dense<0.000000e+00> : vector<64xf32>
      %reduce_sum3A_141 = vector.multi_reduction <add>, %exp3A, %reduce_sum3A_140 [1] : vector<64x40xf32> to vector<64xf32>
      %broadcast_in_dim3A_142 = vector.shape_cast %reduce_sum3A_141 : vector<64xf32> to vector<64x1xf32>
      %log3A = math.log %broadcast_in_dim3A_142 : vector<64x1xf32>
      %sub3A_143 = vector.broadcast %broadcast_in_dim3A_137 : vector<64x1xf32> to vector<64x40xf32>
      %sub3A_144 = arith.subf %add3A_135, %sub3A_143 : vector<64x40xf32>
      %sub3A_145 = vector.broadcast %log3A : vector<64x1xf32> to vector<64x40xf32>
      %sub3A_146 = arith.subf %sub3A_144, %sub3A_145 : vector<64x40xf32>
      %swap3A_147 = arith.constant 0 : index
      %swap3A_148 = arith.constant 0 : index
      %swap3A_149 = vector.load %arg12[%swap3A_147, %swap3A_148] : memref<64x40xf32, #tpu.memory_space<vmem>>, vector<64x40xf32>
      tpu.vector_store %arg12[%swap3A_147, %swap3A_148], %sub3A_146 {strides = array<i32>} : memref<64x40xf32, #tpu.memory_space<vmem>>, vector<64x40xf32>,
    } else {
    }
    return
  }
  func.func @transform_0(%arg0: i32) -> (i32, i32) {
    %c0_i32 = arith.constant 0 : i32
    %c0_i32_0 = arith.constant 0 : i32
    return %arg0, %c0_i32 : i32, i32
  }
  func.func @transform_1(%arg0: i32) -> (i32, i32) {
    %c0_i32 = arith.constant 0 : i32
    %c0_i32_0 = arith.constant 0 : i32
    return %arg0, %c0_i32 : i32, i32
  }
  func.func @transform_2(%arg0: i32) -> (i32, i32, i32) {
    %c0_i32 = arith.constant 0 : i32
    %c0_i32_0 = arith.constant 0 : i32
    %c0_i32_1 = arith.constant 0 : i32
    return %arg0, %c0_i32, %c0_i32_0 : i32, i32, i32
  }
  func.func @transform_3(%arg0: i32) -> (i32, i32) {
    %c0_i32 = arith.constant 0 : i32
    %c0_i32_0 = arith.constant 0 : i32
    %c0_i32_1 = arith.constant 0 : i32
    return %c0_i32, %c0_i32_0 : i32, i32
  }
  func.func @transform_4(%arg0: i32) -> (i32, i32) {
    %c0_i32 = arith.constant 0 : i32
    %c0_i32_0 = arith.constant 0 : i32
    %c0_i32_1 = arith.constant 0 : i32
    return %c0_i32, %c0_i32_0 : i32, i32
  }
  func.func @transform_5(%arg0: i32) -> (i32, i32) {
    %c0_i32 = arith.constant 0 : i32
    %c0_i32_0 = arith.constant 0 : i32
    %c0_i32_1 = arith.constant 0 : i32
    return %c0_i32, %c0_i32_0 : i32, i32
  }
  func.func @transform_6(%arg0: i32) -> (i32, i32) {
    %c0_i32 = arith.constant 0 : i32
    %c0_i32_0 = arith.constant 0 : i32
    %c0_i32_1 = arith.constant 0 : i32
    return %c0_i32, %c0_i32_0 : i32, i32
  }
  func.func @transform_7(%arg0: i32) -> (i32, i32) {
    %c0_i32 = arith.constant 0 : i32
    %c0_i32_0 = arith.constant 0 : i32
    %c0_i32_1 = arith.constant 0 : i32
    return %c0_i32, %c0_i32_0 : i32, i32
  }
  func.func @transform_8(%arg0: i32) -> (i32, i32) {
    %c0_i32 = arith.constant 0 : i32
    %c0_i32_0 = arith.constant 0 : i32
    %c0_i32_1 = arith.constant 0 : i32
    return %c0_i32, %c0_i32_0 : i32, i32
  }
  func.func @transform_9(%arg0: i32) -> (i32, i32) {
    %c0_i32 = arith.constant 0 : i32
    %c0_i32_0 = arith.constant 0 : i32
    %c0_i32_1 = arith.constant 0 : i32
    return %c0_i32, %c0_i32_0 : i32, i32
  }
  func.func @transform_10(%arg0: i32) -> (i32, i32) {
    %c0_i32 = arith.constant 0 : i32
    %c0_i32_0 = arith.constant 0 : i32
    %c0_i32_1 = arith.constant 0 : i32
    return %c0_i32, %c0_i32_0 : i32, i32
  }
  func.func @transform_11(%arg0: i32) -> (i32, i32) {
    %c0_i32 = arith.constant 0 : i32
    %c0_i32_0 = arith.constant 0 : i32
    %c0_i32_1 = arith.constant 0 : i32
    return %c0_i32, %c0_i32_0 : i32, i32
  }
}

</mosaic_0001>

<sc_bundles>
// kernel: kernel.12.cloned.1.call-start
scs
__scs_entry_jumppad:
0x0: {  	(pc) =	sbr.rel $0x88, $3  }
0x1: {  	(tag) =	ssettag $0x0;
	lr =	simm.s32 $0x1  }
0x2: {  	[smem:$0x3F93] =	sst lr;
	_ =	strace $0xD0000000  }
0x3: {  	_ = 	snop  }
0x4: {  	_ = 	snop  }
0x5: {  	_ = 	snop  }
0x6: {  	_ = 	snop  }
0x7: {  	_ = 	snop  }
__scs_overlays_trampoline_lowered:
0x8: {  	[smem:$0x3FA2] =	sst s0  }
0x9: {  	[smem:$0x3FA3] =	sst s1  }
0xa: {  	[smem:$0x3FA4] =	sst s2  }
0xb: {  	[smem:$0x3FA5] =	sst s3  }
0xc: {  	[smem:$0x3FA6] =	sst s4  }
0xd: {  	[smem:$0x3FA7] =	sst s5  }
0xe: {  	[smem:$0x3FA8] =	sst s6  }
0xf: {  	[smem:$0x3FA9] =	sst s7  }
0x10: {  	[smem:$0x3FAA] =	sst s8  }
0x11: {  	[smem:$0x3FAB] =	sst s9;
	s0 =	simm.s32 @!p0 $0x0  }
0x12: {  	s1 =	sld [smem:$0x3F91];
	s0 =	simm.s32 @p0 $0x1  }
0x13: {  	[smem:$0x3FAC] =	sst s0;
	s0 =	simm.s32 @!p1 $0x0  }
0x14: {  	s2 =	sld [smem:$0x3F90];
	s0 =	simm.s32 @p1 $0x1  }
0x15: {  	[smem:$0x3FAD] =	sst s0;
	s0 =	simm.s32 @!p2 $0x0  }
0x16: {  	s3 =	sld [smem:$0x3FDB];
	s0 =	simm.s32 @p2 $0x1  }
0x17: {  	s4 =	simm.s32 $0x1BF5;
	[smem:$0x3FAF] =	sst s0  }
0x18: {  	s0 =	sld [smem:$0x3F92];
	_ =	swait.ge [sflag:s4], $0x0  }
0x19: {  	s7 =	sld [smem:$0x3F93]  }
0x1a: {  	s8 =	sadd.s32 $0xFFFFE003, lr  }
0x1b: {  	s9 =	sadd.s32 $0xFFFFFEF7, lr;
	s5 =	simm.s32 $0xFFFFFFFF;
	p2 =	slt.u32 s8, $0xFFFFF086  }
0x1c: {  	p1 =	slt.u32 s9, $0xF7A;
	s5 =	simm.s32 @!p2 $0x0  }
0x1d: {  	s5 =	simm.s32 @p1 $0x1;
	p0 =	seq.s32 s7, s2  }
0x1e: {  	s7 =	smul.u32 @!p0 $0xF7A, s2;
	p2 =	seq.s32 @!p0 s5, $0x0  }
0x1f: {  	s9 =	smul.u32 $0xF7A, s1;
	s8 =	simm.s32 @!p0 $0x1BF5;
	p2 =	por !p2, p0  }
0x20: {  	[sflag:s8] =	ssyncset.s32 @!p0 $0xFFFFF086;
	s6 =	sadd.s32 @!p0 s3, s7;
	s7 =	simm.s32 @!p0 $0x108  }
0x21: {  	s3 =	sadd.s32 s3, s9;
	s6 =	sadd.s32 @!p0 $0x88, s6;
	s7 =	simm.s32 @p2 $0x1082  }
0x22: {  	[simem:s7], [sflag:s8] =	dma.local @!p0 [hbm:s6], $0xF7A  }
0x23: {  	s9 =	sor.u32 $0xD0000000, s2;
	s6 =	simm.s32 $0x108;
	_ =	swait.ge @!p0 [sflag:s8], $0x0  }
0x24: {  	s3 =	sadd.s32 $0x88, s3;
	s6 =	simm.s32 @!p1 $0x1082;
	[sflag:s4] =	ssyncset.s32 $0xFFFFF086  }
0x25: {  	[simem:s6], [sflag:s4] =	dma.local [hbm:s3], $0xF7A  }
0x26: {  	[smem:$0x3F93] =	sst s1;
	(tag) =	ssettag s2;
	_ =	strace s9  }
0x27: {  	s1 =	sld [smem:$0x3FA3]  }
0x28: {  	s2 =	sld [smem:$0x3FA4]  }
0x29: {  	s4 =	sld [smem:$0x3FA6]  }
0x2a: {  	p0 =	seq.s32 s5, $0x0;
	s5 =	sld [smem:$0x3FA7]  }
0x2b: {  	s6 =	sld [smem:$0x3FA8]  }
0x2c: {  	s7 =	sld [smem:$0x3FA9]  }
0x2d: {  	s3 =	simm.s32 $0x108;
	s8 =	sld [smem:$0x3FAA]  }
0x2e: {  	s3 =	simm.s32 @!p0 $0x1082;
	s9 =	sld [smem:$0x3FAB]  }
0x2f: {  	lr =	sadd.s32 s0, s3;
	s0 =	sld [smem:$0x3FA2]  }
0x30: {  	s3 =	sld [smem:$0x3FA5]  }
0x31: {  	[smem:$0x3FAE] =	sst s10  }
0x32: {  	s10 =	sld [smem:$0x3FAC];
	_ =	sdelay $0x3  }
0x33: {  	p0 =	seq.s32 s10, $0x1;
	s10 =	sld [smem:$0x3FAE];
	_ =	sdelay $0x3  }
0x34: {  	[smem:$0x3FAE] =	sst s10  }
0x35: {  	s10 =	sld [smem:$0x3FAD];
	_ =	sdelay $0x3  }
0x36: {  	p1 =	seq.s32 s10, $0x1;
	s10 =	sld [smem:$0x3FAE];
	_ =	sdelay $0x3  }
0x37: {  	[smem:$0x3FAE] =	sst s10  }
0x38: {  	s10 =	sld [smem:$0x3FAF]  }
0x39: {  	_ = 	snop;
	(pc) =	sbr.ind lr, $3  }
0x3a: {  	_ = 	snop  }
0x3b: {  	_ = 	snop  }
0x3c: {  	p2 =	seq.s32 s10, $0x1;
	s10 =	sld [smem:$0x3FAE]  }
0x3d: {  	_ =	shalt  }
0x3e: {  	_ =	shalt  }
0x3f: {  	_ =	shalt  }
0x40: {  	_ =	shalt  }
0x41: {  	_ =	shalt  }
0x42: {  	_ =	shalt  }
0x43: {  	_ =	shalt  }
0x44: {  	_ =	shalt  }
0x45: {  	_ =	shalt  }
0x46: {  	_ =	shalt  }
0x47: {  	_ =	shalt  }
0x48: {  	_ =	shalt  }
0x49: {  	_ =	shalt  }
0x4a: {  	_ =	shalt  }
0x4b: {  	_ =	shalt  }
0x4c: {  	_ =	shalt  }
0x4d: {  	_ =	shalt  }
0x4e: {  	_ =	shalt  }
0x4f: {  	_ =	shalt  }
0x50: {  	_ =	shalt  }
0x51: {  	_ =	shalt  }
0x52: {  	_ =	shalt  }
0x53: {  	_ =	shalt  }
0x54: {  	_ =	shalt  }
0x55: {  	_ =	shalt  }
0x56: {  	_ =	shalt  }
0x57: {  	_ =	shalt  }
0x58: {  	_ =	shalt  }
0x59: {  	_ =	shalt  }
0x5a: {  	_ =	shalt  }
0x5b: {  	_ =	shalt  }
0x5c: {  	_ =	shalt  }
0x5d: {  	_ =	shalt  }
0x5e: {  	_ =	shalt  }
0x5f: {  	_ =	shalt  }
0x60: {  	_ =	shalt  }
0x61: {  	_ =	shalt  }
0x62: {  	_ =	shalt  }
0x63: {  	_ =	shalt  }
0x64: {  	_ =	shalt  }
0x65: {  	_ =	shalt  }
0x66: {  	_ =	shalt  }
0x67: {  	_ =	shalt  }
0x68: {  	_ =	shalt  }
0x69: {  	_ =	shalt  }
0x6a: {  	_ =	shalt  }
0x6b: {  	_ =	shalt  }
0x6c: {  	_ =	shalt  }
0x6d: {  	_ =	shalt  }
0x6e: {  	_ =	shalt  }
0x6f: {  	_ =	shalt  }
0x70: {  	_ =	shalt  }
0x71: {  	_ =	shalt  }
0x72: {  	_ =	shalt  }
0x73: {  	_ =	shalt  }
0x74: {  	_ =	shalt  }
0x75: {  	_ =	shalt  }
0x76: {  	_ =	shalt  }
0x77: {  	_ =	shalt  }
0x78: {  	_ =	shalt  }
0x79: {  	_ =	shalt  }
0x7a: {  	_ =	shalt  }
0x7b: {  	_ =	shalt  }
0x7c: {  	_ =	shalt  }
0x7d: {  	_ =	shalt  }
0x7e: {  	_ =	shalt  }
0x7f: {  	_ =	shalt  }
0x80: {  	_ =	shalt  }
0x81: {  	_ =	shalt  }
0x82: {  	_ =	shalt  }
0x83: {  	_ =	shalt  }
0x84: {  	_ =	shalt  }
0x85: {  	_ =	shalt  }
0x86: {  	_ =	shalt  }
0x87: {  	_ =	shalt  }
.Lfunc_end0:
.L_simem_size_0:
called_computation.1_lowered:
.L_overlay_start_0:
0x88: {  	s2 =	sld [smem:$0x3FD9]  }
0x89: {  	s3 =	sld [smem:$0x3FFE];
	_ =	sdelay $0x1  }
0x8a: {  	s1 =	srdreg.scid  }
0x8b: {  	s0 =	sand.u32 $0x1, s1  }
0x8c: {  	s16 =	sshll.u32 s0, $0xA;
	s2 =	sadd.s32 s3, s2  }
0x8d: {  	s2 =	sadd.s32 s2, s16  }
0x8e: {  	[smem:$0x3FBA] =	sst s2  }
0x8f: {  	_ = 	snop  }
0x90: {  	(tm) =	ssettm $0x1  }
0x91: {  	s17 =	sld [smem:$0x3FFB];
	_ =	sdelay $0x3  }
0x92: {  	_ =	strace s17  }
0x93: {  	s2 =	sld [smem:$0x3FFC];
	_ =	sdelay $0x3  }
0x94: {  	_ =	strace s2  }
0x95: {  	s2 =	sld [smem:$0x3FFD];
	_ =	sdelay $0x3  }
0x96: {  	_ =	strace s2  }
0x97: {  	_ =	strace $0x8FFFFFFF  }
0x98: {  	s18 =	sld [smem:$0x3FDB];
	_ =	sdelay $0x1  }
0x99: {  	s19 =	simm.s32 $_scs_section_size  }
0x9a: {  	s4 =	simm.s32 $_size__tile_overlayer_lowered;
	s5 =	simm.s32 $_tile_overlayer_lowered  }
0x9b: {  	s22 =	simm.s32 $0x1BFF;
	s21 =	sshll.u32 s5, $0x1;
	s2 =	sadd.s32 s19, s18  }
0x9c: {  	s6 =	simm.s32 $0x0;
	s20 =	sshll.u32 s4, $0x1;
	s4 =	sadd.s32 s21, s2  }
0x9d: {  	[timem:s6], [sflag:s22] =	dma.local [hbm:s4], s20  }
0x9e: {  	_ =	swait.ge [sflag:s22], s20  }
0x9f: {  	s3 =	ssub.s32 $0x0, s20;
	[sflag:s22] =	ssyncset.done $0x0  }
0xa0: {  	[sflag:s22] =	ssyncadd.s32 s3;
	_ =	sdelay $0x1  }
0xa1: {  	s23 =	simm.s32 $0x1B8B  }
0xa2: {  	_ =	swait.ge [sflag:s23], $0x1  }
0xa3: {  	[sflag:s23] =	ssyncset.done $0x0  }
0xa4: {  	s25 =	simm.s32 $0x1B8E;
	s24 =	sld [smem:$0x3FFE];
	[sflag:s23] =	ssyncadd.s32 $0xFFFFFFFF  }
0xa5: {  	s26 =	simm.s32 $execute0_lowered;
	[smem:$0x3FD2] =	sst s25  }
0xa6: {  	s4 =	sshll.u32 s26, $0x1;
	_ =	strace $0x80000049;
	[dreg:$0x1] =	wrdreg $0xFFFFFFFF  }
0xa7: {  	s28 =	simm.s32 $_size_execute0_lowered;
	s2 =	sadd.s32 s2, s4;
	[dreg:$0x0] =	wrdreg $0x0  }
0xa8: {  	s4 =	sshll.u32 s28, $0x1;
	[dreg:$0x2] =	wrdreg s2  }
0xa9: {  	[dreg:$0x3] =	wrdreg s4  }
0xaa: {  	[dreg:$0x4] =	wrdreg $0xC0  }
0xab: {  	_ =	task [dreg:s6], $0x5FFFF  }
0xac: {  	[dreg:$0x1] =	wrdreg $0xFFFFFFFF  }
0xad: {  	[dreg:$0x0] =	wrdreg $0x60  }
0xae: {  	[dreg:$0x2] =	wrdreg s24  }
0xaf: {  	[dreg:$0x3] =	wrdreg $0xA1000  }
0xb0: {  	[dreg:$0x4] =	wrdreg $0x9  }
0xb1: {  	_ =	task.clear_ibuf [dreg:s6], $0x5FFFF;
	_ =	strace $0x90000049  }
0xb2: {  	s29 =	simm.s32 $0x9;
	_ =	strace $0x8000004B  }
0xb3: {  	_ =	swait.ge [sflag:s29], $0x1  }
0xb4: {  	[sflag:s29] =	ssyncadd.s32 $0xFFFFFFFF  }
0xb5: {  	_ =	strace $0x9000004B  }
0xb6: {  	_ =	sfence  }
0xb7: {  	s30 =	sld [smem:$0x0];
	_ =	sdelay $0x2  }
0xb8: {  	s31 =	sshll.u32 s1, $0xD;
	s1 =	sshrl.u32 s1, $0x2  }
0xb9: {  	s3 =	sand.u32 $0x4000, s31;
	s1 =	sadd.s32 s1, s30  }
0xba: {  	s0 =	sor.u32 s3, s0;
	s1 =	sshll.u32 s1, $0x11  }
0xbb: {  	s0 =	sor.u32 s1, s0  }
0xbc: {  	s0 =	sadd.s32 $0x8F2B, s0  }
0xbd: {  	[sflag:s0] =	ssyncadd.remote.s32 $0x1  }
0xbe: {  	_ =	sfence.sel $0xFFFF  }
0xbf: {  	[dreg:$0x0] =	wrdreg $0xFFFFFFFF;
	(pc) =	sbr.abs _section_cstart, $3  }
0xc0: {  	[dreg:$0x1] =	wrdreg $0xFFFFFFFF  }
0xc1: {  	_ =	task.clear_ibuf [dreg:s6], $0x2FFFF;
	_ =	strace $0x9FFFFFFF  }
0xc2: {  	(tm) =	ssettm $0x7FFFFFFF  }
0xc3: {  	_ =	shalt  }
tec
execute0_lowered:
.L_overlay_start_1:
0x0: {  	(tag) =	ssettag $0x1  }
0x1: {  	s0 =	rddreg [dreg:$0x0]  }
0x2: {  	s2 =	rddreg [dreg:$0x1]  }
0x3: {  	s15 =	stileid.u32;
	s3 =	simm.s32 $0x0;
	s5 =	srdreg.scid  }
0x4: {  	s28 =	simm.s32 $0x1;
	s29 =	simm.s32 $0x2780;
	s30 =	simm.s32 $0x50  }
0x5: {  	s31 =	simm.s32 $0x2900;
	s1 =	sshrl.u32 s15, $0x3;
	s4 =	sshll.u32 s15, $0x7  }
0x6: {  	[smem:$0x7FF] =	sst s3;
	s12 =	sadd.s32 $0x5CC00, s0;
	s6 =	smul.u32 $0x4E000, s15  }
0x7: {  	s11 =	sadd.s32 $0x83E00, s0;
	s20 =	sadd.s32 $0x4800, s0;
	s8 =	smul.u32 $0x2700, s15  }
0x8: {  	s16 =	sadd.s32 $0xAB000, s0;
	s5 =	sand.u32 $0x1, s5;
	s10 =	smul.u32 $0x2710, s15  }
0x9: {  	s14 =	sadd.s32 $0xD2200, s0;
	s22 =	sadd.s32 $0x138000, s2;
	s26 =	smul.u32 $0x4E2, s15  }
0xa: {  	s19 =	sshll.u32 s15, $0x6;
	p1 =	seq.s32 s15, $0xF;
	p2 =	sne.s32 s15, $0xF  }
0xb: {  	s15 =	simm.s32 $0x0;
	_ =	strace $0x8000004A;
	[dreg:$0x4] =	wrdreg s11  }
0xc: {  	s1 =	smul.u32 $0x13C00, s1;
	s4 =	sand.u32 $0x380, s4;
	[dreg:$0x3] =	wrdreg s12  }
0xd: {  	s7 =	ssub.s32 $0x2, s5;
	p0 =	seq.s32 s5, $0x0;
	[dreg:$0x6] =	wrdreg s14  }
0xe: {  	[dreg:$0x5] =	wrdreg s16;
	s22 =	sshrl.u32 s22, $0x3;
	s9 =	sshrl.u32 s7, $0x1  }
0xf: {  	s6 =	sshrl.u32 s6, $0x2;
	s21 =	sadd.s32 s11, s8;
	s23 =	sshrl.u32 s10, $0x3  }
0x10: {  	s24 =	sadd.s32 s12, s8;
	s25 =	sadd.s32 s14, s8;
	s8 =	sadd.s32 s16, s8  }
0x11: {  	s18 =	sadd.s32 s26, s20;
	s26 =	simm.s32 $0x7;
	[dreg:$0x7] =	wrdreg s21  }
0x12: {  	s14 =	simm.s32 $0x6;
	s1 =	sor.u32 s4, s1;
	[dreg:$0x8] =	wrdreg s24  }
0x13: {  	s7 =	ssub.s32 s7, s9;
	s6 =	sadd.s32 s6, s2;
	[dreg:$0xa] =	wrdreg s25  }
0x14: {  	s11 =	sadd.s32 s20, s23;
	[dreg:$0xb] =	wrdreg s8;
	s20 =	sor.u32 $0x1C01, s19  }
0x15: {  	s23 =	simm.s32 $0x2880;
	s8 =	simm.s32 $0x4;
	s9 =	simm.s32 $0x5  }
0x16: {  	s1 =	sshrl.u32 s1, $0x3;
	s12 =	sadd.s32 $0xA, s11;
	s13 =	sadd.s32 $0x14, s11  }
.Ltmp0:
0x17: {  	s16 =	smax.u32 s7, $0x1;
	s1 =	sadd.s32 s1, s0;
	(pc) =	sbr.rel .LBB2_1-.Ltmp0, $4  }
0x18: {  	s21 =	sshrl.u32 s6, $0x3;
	s6 =	simm.s32 $0x2;
	s1 =	sadd.s32 $0x9800, s1  }
0x19: {  	s7 =	simm.s32 $0x3;
	[dreg:$0x9] =	wrdreg s1;
	s1 =	simm.s32 $0xE800  }
0x1a: {  	s1 =	simm.s32 @!p0 $0x35A00;
	p0 =	sne.s32 s5, $0x0;
	s5 =	simm.s32 $0x7900  }
0x1b: {  	s17 =	sadd.s32 s1, s0;
	s0 =	simm.s32 $0x2800;
	s1 =	simm.s32 $0x5100  }
.LBB2_11:
0x1c: {  	s10 =	sadd.s32 $0x27000, s24  }
0x1d: {  	[hbm:s10], [sflag:s4] =	dma.local [spmem:s22], $0x100  }
0x1e: {  	_ =	swait.ge [sflag:s26], $0x100  }
0x1f: {  	[sflag:s26] =	ssyncset.done $0x0  }
0x20: {  	[sflag:s26] =	ssyncadd.s32 $0xFFFFFF00  }
.LBB2_12:
0x21: {  	s15 =	sadd.s32 $0x1, s15  }
0x22: {  	p3 =	sne.s32 s15, s16  }
.Ltmp1:
0x23: {  	_ = 	snop;
	(pc) =	sbr.rel @!p3 .LBB2_13-.Ltmp1, $1  }
0x24: {  	_ =	sdelay $0x3  }
.LBB2_1:
.Ltmp2:
0x25: {  	(pc) =	sbr.rel @p0 .LBB2_3-.Ltmp2, $1  }
0x26: {  	_ =	sdelay $0x3  }
.Ltmp3:
0x27: {  	(pc) =	sbr.rel @p1 .LBB2_4-.Ltmp3, $4  }
.Ltmp4:
0x28: {  	(pc) =	sbr.rel @!p1 .LBB2_5-.Ltmp4, $4  }
0x29: {  	s4 =	rddreg [dreg:$0x8]  }
0x2a: {  	[spmem:s21], [sflag:s20] =	dma.local [hbm:s4], $0x2700  }
0x2b: {  	s4 =	rddreg [dreg:$0x3]  }
0x2c: {  	_ = 	snop  }
.LBB2_3:
.Ltmp5:
0x2d: {  	(pc) =	sbr.rel @p2 .LBB2_5-.Ltmp5, $4  }
0x2e: {  	_ = 	snop  }
0x2f: {  	s4 =	rddreg [dreg:$0x7]  }
0x30: {  	[spmem:s21], [sflag:s20] =	dma.local [hbm:s4], $0x2700  }
0x31: {  	s4 =	rddreg [dreg:$0x4]  }
.LBB2_4:
0x32: {  	s4 =	sadd.s32 $0x27000, s4;
	s10 =	simm.s32 $0x1FC2  }
0x33: {  	[spmem:s22], [sflag:s10] =	dma.local [hbm:s4], $0x100  }
.LBB2_5:
0x34: {  	s4 =	rddreg [dreg:$0x9];
	s10 =	simm.s32 $0x80;
	s24 =	simm.s32 $0x400  }
0x35: {  	[tilespmem:s3], [sflag:$0x7] =	stream.strided.gather [hbm4b:s4+s10], $0x2780, s24, s10, $0x38;
	[tilespmem:$0x1D980] =	vst v63  }
0x36: {  	_ =	swait.ge [sflag:s26], $0x2780  }
0x37: {  	[sflag:s26] =	ssyncset.done $0x0  }
0x38: {  	[sflag:s26] =	ssyncadd.s32 $0xFFFFD880  }
0x39: {  	_ =	swait.ge [sflag:s28], $0x2700  }
0x3a: {  	[sflag:s28] =	ssyncset.done $0x0  }
0x3b: {  	s4 =	simm.s32 @!p2 $0x2;
	[sflag:s28] =	ssyncadd.s32 $0xFFFFD900  }
0x3c: {  	_ =	swait.ge @!p2 [sflag:s4], $0x100  }
0x3d: {  	[sflag:s4] =	ssyncset.done @!p2 $0x0  }
0x3e: {  	[sflag:s4] =	ssyncadd.s32 @!p2 $0xFFFFFF00  }
0x3f: {  	s24 =	simm.s32 $0x0;
	[bflag:$0x0] =	sbarrier.arrive $0xFFFF  }
0x40: {  	[tilespmem:s29], [sflag:$0x4] =	stream.linear.gather [hbm4b:s11+s24], $0x50, $0x38;
	[tilespmem:$0x1D980] =	vst v63  }
0x41: {  	_ = 	snop  }
0x42: {  	[tilespmem:s31], [sflag:$0x1] =	stream.indirect.gather [hbm4b:s17+s30], $0x80, s24, s30, $0xb8;
	[tilespmem:$0x1D980] =	vst v63  }
0x43: {  	_ = 	snop  }
0x44: {  	[tilespmem:s0], [sflag:$0x5] =	stream.linear.gather [hbm4b:s12+s24], $0x50, $0x38;
	[tilespmem:$0x1D980] =	vst v63  }
0x45: {  	_ = 	snop  }
0x46: {  	[tilespmem:s1], [sflag:$0x2] =	stream.indirect.gather [hbm4b:s17+s30], $0x80, s30, s30, $0xb8;
	[tilespmem:$0x1D980] =	vst v63  }
0x47: {  	_ = 	snop  }
0x48: {  	[tilespmem:s23], [sflag:$0x6] =	stream.linear.gather [hbm4b:s13+s24], $0x50, $0x38;
	[tilespmem:$0x1D980] =	vst v63  }
0x49: {  	s25 =	simm.s32 $0xA0  }
0x4a: {  	[tilespmem:s5], [sflag:$0x3] =	stream.indirect.gather [hbm4b:s17+s30], $0x80, s25, s30, $0xb8;
	[tilespmem:$0x1D980] =	vst v63  }
0x4b: {  	s25 =	simm.s32 $0x190  }
.LBB2_6:
0x4c: {  	_ =	swait.ge [sflag:s28], $0x2800  }
0x4d: {  	[sflag:s28] =	ssyncset.done $0x0  }
0x4e: {  	[sflag:s28] =	ssyncadd.s32 $0xFFFFD800  }
0x4f: {  	_ =	swait.ge [sflag:s8], $0x50  }
0x50: {  	[sflag:s8] =	ssyncset.done $0x0  }
0x51: {  	[sflag:s8] =	ssyncadd.s32 $0xFFFFFFB0  }
0x52: {  	[spmem:s2] =	stream.indirect.scatter.add.f32 [tilespmem:s31], [sflag:$0x7], $0x80, s29, s30, $0xb8;
	[tilespmem:$0x1D980] =	vst v63  }
0x53: {  	_ =	swait.ge [sflag:s26], $0x2800  }
0x54: {  	s4 =	sadd.s32 s24, s18;
	[sflag:s26] =	ssyncset.done $0x0  }
0x55: {  	s10 =	sadd.s32 $0x1E, s4;
	[sflag:s26] =	ssyncadd.s32 $0xFFFFD800  }
0x56: {  	[tilespmem:s29], [sflag:$0x4] =	stream.linear.gather [hbm4b:s10+s3], $0x50, $0x38;
	[tilespmem:$0x1D980] =	vst v63  }
0x57: {  	s10 =	sadd.s32 $0xFFFFFF60, s25  }
0x58: {  	[tilespmem:s31], [sflag:$0x1] =	stream.indirect.gather [hbm4b:s17+s30], $0x80, s10, s30, $0xb8;
	[tilespmem:$0x1D980] =	vst v63  }
0x59: {  	_ =	swait.ge [sflag:s6], $0x2800  }
0x5a: {  	[sflag:s6] =	ssyncset.done $0x0  }
0x5b: {  	[sflag:s6] =	ssyncadd.s32 $0xFFFFD800  }
0x5c: {  	_ =	swait.ge [sflag:s9], $0x50  }
0x5d: {  	[sflag:s9] =	ssyncset.done $0x0  }
0x5e: {  	[sflag:s9] =	ssyncadd.s32 $0xFFFFFFB0  }
0x5f: {  	[spmem:s2] =	stream.indirect.scatter.add.f32 [tilespmem:s1], [sflag:$0x7], $0x80, s0, s30, $0xb8;
	[tilespmem:$0x1D980] =	vst v63  }
0x60: {  	_ =	swait.ge [sflag:s26], $0x2800  }
0x61: {  	[sflag:s26] =	ssyncset.done $0x0  }
0x62: {  	s10 =	sadd.s32 $0x28, s4;
	[sflag:s26] =	ssyncadd.s32 $0xFFFFD800  }
0x63: {  	[tilespmem:s0], [sflag:$0x5] =	stream.linear.gather [hbm4b:s10+s3], $0x50, $0x38;
	[tilespmem:$0x1D980] =	vst v63  }
0x64: {  	s10 =	sadd.s32 $0xFFFFFFB0, s25  }
0x65: {  	[tilespmem:s1], [sflag:$0x2] =	stream.indirect.gather [hbm4b:s17+s30], $0x80, s10, s30, $0xb8;
	[tilespmem:$0x1D980] =	vst v63  }
0x66: {  	_ =	swait.ge [sflag:s7], $0x2800  }
0x67: {  	[sflag:s7] =	ssyncset.done $0x0  }
0x68: {  	[sflag:s7] =	ssyncadd.s32 $0xFFFFD800  }
0x69: {  	_ =	swait.ge [sflag:s14], $0x50  }
0x6a: {  	p3 =	seq.s32 s24, $0x4B0;
	[sflag:s14] =	ssyncset.done $0x0  }
.Ltmp6:
0x6b: {  	[sflag:s14] =	ssyncadd.s32 $0xFFFFFFB0;
	(pc) =	sbr.rel @p3 .LBB2_8-.Ltmp6, $4  }
0x6c: {  	[spmem:s2] =	stream.indirect.scatter.add.f32 [tilespmem:s5], [sflag:$0x7], $0x80, s23, s30, $0xb8;
	[tilespmem:$0x1D980] =	vst v63  }
0x6d: {  	_ =	swait.ge [sflag:s26], $0x2800  }
0x6e: {  	[sflag:s26] =	ssyncset.done $0x0  }
0x6f: {  	[sflag:s26] =	ssyncadd.s32 $0xFFFFD800  }
.Ltmp7:
0x70: {  	s4 =	sadd.s32 $0x32, s4;
	(pc) =	sbr.rel .LBB2_6-.Ltmp7, $4  }
0x71: {  	[tilespmem:s23], [sflag:$0x6] =	stream.linear.gather [hbm4b:s4+s3], $0x50, $0x38;
	[tilespmem:$0x1D980] =	vst v63  }
0x72: {  	_ = 	snop  }
0x73: {  	[tilespmem:s5], [sflag:$0x3] =	stream.indirect.gather [hbm4b:s17+s30], $0x80, s25, s30, $0xb8;
	[tilespmem:$0x1D980] =	vst v63  }
0x74: {  	s24 =	sadd.s32 $0x1E, s24;
	s25 =	sadd.s32 $0xF0, s25  }
.LBB2_8:
0x75: {  	_ =	swait.ge [sflag:s28], $0x2800  }
0x76: {  	[sflag:s28] =	ssyncset.done $0x0  }
0x77: {  	[sflag:s28] =	ssyncadd.s32 $0xFFFFD800  }
0x78: {  	_ =	swait.ge [sflag:s8], $0x50  }
0x79: {  	[sflag:s8] =	ssyncset.done $0x0  }
0x7a: {  	[sflag:s8] =	ssyncadd.s32 $0xFFFFFFB0  }
0x7b: {  	[spmem:s2] =	stream.indirect.scatter.add.f32 [tilespmem:s31], [sflag:$0x7], $0x80, s29, s30, $0xb8;
	[tilespmem:$0x1D980] =	vst v63  }
0x7c: {  	_ =	swait.ge [sflag:s26], $0x2800  }
0x7d: {  	[sflag:s26] =	ssyncset.done $0x0  }
0x7e: {  	[sflag:s26] =	ssyncadd.s32 $0xFFFFD800  }
0x7f: {  	_ =	swait.ge [sflag:s6], $0x2800  }
0x80: {  	[sflag:s6] =	ssyncset.done $0x0  }
0x81: {  	[sflag:s6] =	ssyncadd.s32 $0xFFFFD800  }
0x82: {  	_ =	swait.ge [sflag:s9], $0x50  }
0x83: {  	[sflag:s9] =	ssyncset.done $0x0  }
0x84: {  	[sflag:s9] =	ssyncadd.s32 $0xFFFFFFB0  }
0x85: {  	[spmem:s2] =	stream.indirect.scatter.add.f32 [tilespmem:s1], [sflag:$0x7], $0x80, s0, s30, $0xb8;
	[tilespmem:$0x1D980] =	vst v63  }
.Ltmp8:
0x86: {  	_ =	swait.ge [sflag:s26], $0x2800;
	(pc) =	sbr.rel @p0 .LBB2_10-.Ltmp8, $4  }
0x87: {  	[sflag:s26] =	ssyncset.done $0x0  }
0x88: {  	[sflag:s26] =	ssyncadd.s32 $0xFFFFD800  }
0x89: {  	[bflag:$0x0] =	sbarrier.arrive $0xFFFF  }
0x8a: {  	s4 =	sor.u32 $0x1C07, s19  }
0x8b: {  	s4 =	sor.u32 $0x1C07, s19;
	s10 =	rddreg [dreg:$0xb]  }
0x8c: {  	[hbm:s10], [sflag:s4] =	dma.local [spmem:s21], $0x2700  }
.Ltmp9:
0x8d: {  	_ = 	snop;
	(pc) =	sbr.rel @p1 .LBB2_11-.Ltmp9, $4  }
.Ltmp10:
0x8e: {  	_ = 	snop;
	(pc) =	sbr.rel @!p1 .LBB2_12-.Ltmp10, $4  }
0x8f: {  	_ =	swait.ge [sflag:s26], $0x2700  }
0x90: {  	[sflag:s26] =	ssyncset.done $0x0  }
0x91: {  	s24 =	rddreg [dreg:$0x5];
	[sflag:s26] =	ssyncadd.s32 $0xFFFFD900  }
0x92: {  	_ = 	snop  }
.LBB2_10:
0x93: {  	s10 =	rddreg [dreg:$0xa]  }
0x94: {  	[hbm:s10], [sflag:s4] =	dma.local [spmem:s21], $0x2700  }
.Ltmp11:
0x95: {  	_ = 	snop;
	(pc) =	sbr.rel @p2 .LBB2_12-.Ltmp11, $4  }
.Ltmp12:
0x96: {  	_ = 	snop;
	(pc) =	sbr.rel @!p2 .LBB2_11-.Ltmp12, $4  }
0x97: {  	_ =	swait.ge [sflag:s26], $0x2700  }
0x98: {  	[sflag:s26] =	ssyncset.done $0x0  }
0x99: {  	s24 =	rddreg [dreg:$0x6];
	[sflag:s26] =	ssyncadd.s32 $0xFFFFD900  }
0x9a: {  	_ = 	snop  }
.LBB2_13:
0x9b: {  	_ =	sfence.sel $0x180000  }
0x9c: {  	[bflag:$0x0] =	sbarrier.arrive $0xFFFF  }
0x9d: {  	_ =	strace $0x9000004A  }
0x9e: {  	s0 =	stileid.u32;
	[bflag:$0x2] =	sbarrier.arrive $0xFFFF  }
0x9f: {  	p0 =	sne.s32 s0, $0x0;
	s0 =	rddreg [dreg:$0x2]  }
0xa0: {  	s0 =	sadd.s32 @!p0 $0x100000, s0  }
0xa1: {  	[sflag:s0] =	ssyncadd.tile.s32 @!p0 $0x1;
	_ =	shalt  }
.Lfunc_end2:
_tile_overlayer_lowered:
.L_overlay_start_2:
0xa2: {  	(tag) =	ssettag $0x2  }
0xa3: {  	s0 =	rddreg [dreg:$0x0];
	s2 =	stileid.u32  }
0xa4: {  	s1 =	rddreg [dreg:$0x1];
	p0 =	sne.s32 s2, $0x0  }
0xa5: {  	s3 =	rddreg [dreg:$0x2];
	[bflag:$0x3] =	sbarrier.arrive $0xFFFF;
	s2 =	simm.s32 @!p0 $0x1C07  }
0xa6: {  	[timem:s3], [sflag:s2] =	dma.local @!p0 [hbm:s0], s1  }
0xa7: {  	s0 =	simm.s32 @!p0 $0x7  }
0xa8: {  	_ =	swait.ge @!p0 [sflag:s0], s1  }
0xa9: {  	s1 =	ssub.s32 @!p0 $0x0, s1;
	[sflag:s0] =	ssyncset.done @!p0 $0x0  }
0xaa: {  	[sflag:s0] =	ssyncadd.s32 @!p0 s1  }
0xab: {  	[bflag:$0x3] =	sbarrier.arrive $0xFFFF  }
0xac: {  	_ =	shalt  }

// kernel: kernel.15.cloned.1.call-start
scs
__scs_entry_jumppad:
0x0: {  	(pc) =	sbr.rel $0x88, $3  }
0x1: {  	(tag) =	ssettag $0x0;
	lr =	simm.s32 $0x1  }
0x2: {  	[smem:$0x3F93] =	sst lr;
	_ =	strace $0xD0000000  }
0x3: {  	_ = 	snop  }
0x4: {  	_ = 	snop  }
0x5: {  	_ = 	snop  }
0x6: {  	_ = 	snop  }
0x7: {  	_ = 	snop  }
__scs_overlays_trampoline_lowered:
0x8: {  	[smem:$0x3FA2] =	sst s0  }
0x9: {  	[smem:$0x3FA3] =	sst s1  }
0xa: {  	[smem:$0x3FA4] =	sst s2  }
0xb: {  	[smem:$0x3FA5] =	sst s3  }
0xc: {  	[smem:$0x3FA6] =	sst s4  }
0xd: {  	[smem:$0x3FA7] =	sst s5  }
0xe: {  	[smem:$0x3FA8] =	sst s6  }
0xf: {  	[smem:$0x3FA9] =	sst s7  }
0x10: {  	[smem:$0x3FAA] =	sst s8  }
0x11: {  	[smem:$0x3FAB] =	sst s9;
	s0 =	simm.s32 @!p0 $0x0  }
0x12: {  	s1 =	sld [smem:$0x3F91];
	s0 =	simm.s32 @p0 $0x1  }
0x13: {  	[smem:$0x3FAC] =	sst s0;
	s0 =	simm.s32 @!p1 $0x0  }
0x14: {  	s2 =	sld [smem:$0x3F90];
	s0 =	simm.s32 @p1 $0x1  }
0x15: {  	[smem:$0x3FAD] =	sst s0;
	s0 =	simm.s32 @!p2 $0x0  }
0x16: {  	s3 =	sld [smem:$0x3FDB];
	s0 =	simm.s32 @p2 $0x1  }
0x17: {  	s4 =	simm.s32 $0x1BF5;
	[smem:$0x3FAF] =	sst s0  }
0x18: {  	s0 =	sld [smem:$0x3F92];
	_ =	swait.ge [sflag:s4], $0x0  }
0x19: {  	s7 =	sld [smem:$0x3F93]  }
0x1a: {  	s8 =	sadd.s32 $0xFFFFE003, lr  }
0x1b: {  	s9 =	sadd.s32 $0xFFFFFEF7, lr;
	s5 =	simm.s32 $0xFFFFFFFF;
	p2 =	slt.u32 s8, $0xFFFFF086  }
0x1c: {  	p1 =	slt.u32 s9, $0xF7A;
	s5 =	simm.s32 @!p2 $0x0  }
0x1d: {  	s5 =	simm.s32 @p1 $0x1;
	p0 =	seq.s32 s7, s2  }
0x1e: {  	s7 =	smul.u32 @!p0 $0xF7A, s2;
	p2 =	seq.s32 @!p0 s5, $0x0  }
0x1f: {  	s9 =	smul.u32 $0xF7A, s1;
	s8 =	simm.s32 @!p0 $0x1BF5;
	p2 =	por !p2, p0  }
0x20: {  	[sflag:s8] =	ssyncset.s32 @!p0 $0xFFFFF086;
	s6 =	sadd.s32 @!p0 s3, s7;
	s7 =	simm.s32 @!p0 $0x108  }
0x21: {  	s3 =	sadd.s32 s3, s9;
	s6 =	sadd.s32 @!p0 $0x88, s6;
	s7 =	simm.s32 @p2 $0x1082  }
0x22: {  	[simem:s7], [sflag:s8] =	dma.local @!p0 [hbm:s6], $0xF7A  }
0x23: {  	s9 =	sor.u32 $0xD0000000, s2;
	s6 =	simm.s32 $0x108;
	_ =	swait.ge @!p0 [sflag:s8], $0x0  }
0x24: {  	s3 =	sadd.s32 $0x88, s3;
	s6 =	simm.s32 @!p1 $0x1082;
	[sflag:s4] =	ssyncset.s32 $0xFFFFF086  }
0x25: {  	[simem:s6], [sflag:s4] =	dma.local [hbm:s3], $0xF7A  }
0x26: {  	[smem:$0x3F93] =	sst s1;
	(tag) =	ssettag s2;
	_ =	strace s9  }
0x27: {  	s1 =	sld [smem:$0x3FA3]  }
0x28: {  	s2 =	sld [smem:$0x3FA4]  }
0x29: {  	s4 =	sld [smem:$0x3FA6]  }
0x2a: {  	p0 =	seq.s32 s5, $0x0;
	s5 =	sld [smem:$0x3FA7]  }
0x2b: {  	s6 =	sld [smem:$0x3FA8]  }
0x2c: {  	s7 =	sld [smem:$0x3FA9]  }
0x2d: {  	s3 =	simm.s32 $0x108;
	s8 =	sld [smem:$0x3FAA]  }
0x2e: {  	s3 =	simm.s32 @!p0 $0x1082;
	s9 =	sld [smem:$0x3FAB]  }
0x2f: {  	lr =	sadd.s32 s0, s3;
	s0 =	sld [smem:$0x3FA2]  }
0x30: {  	s3 =	sld [smem:$0x3FA5]  }
0x31: {  	[smem:$0x3FAE] =	sst s10  }
0x32: {  	s10 =	sld [smem:$0x3FAC];
	_ =	sdelay $0x3  }
0x33: {  	p0 =	seq.s32 s10, $0x1;
	s10 =	sld [smem:$0x3FAE];
	_ =	sdelay $0x3  }
0x34: {  	[smem:$0x3FAE] =	sst s10  }
0x35: {  	s10 =	sld [smem:$0x3FAD];
	_ =	sdelay $0x3  }
0x36: {  	p1 =	seq.s32 s10, $0x1;
	s10 =	sld [smem:$0x3FAE];
	_ =	sdelay $0x3  }
0x37: {  	[smem:$0x3FAE] =	sst s10  }
0x38: {  	s10 =	sld [smem:$0x3FAF]  }
0x39: {  	_ = 	snop;
	(pc) =	sbr.ind lr, $3  }
0x3a: {  	_ = 	snop  }
0x3b: {  	_ = 	snop  }
0x3c: {  	p2 =	seq.s32 s10, $0x1;
	s10 =	sld [smem:$0x3FAE]  }
0x3d: {  	_ =	shalt  }
0x3e: {  	_ =	shalt  }
0x3f: {  	_ =	shalt  }
0x40: {  	_ =	shalt  }
0x41: {  	_ =	shalt  }
0x42: {  	_ =	shalt  }
0x43: {  	_ =	shalt  }
0x44: {  	_ =	shalt  }
0x45: {  	_ =	shalt  }
0x46: {  	_ =	shalt  }
0x47: {  	_ =	shalt  }
0x48: {  	_ =	shalt  }
0x49: {  	_ =	shalt  }
0x4a: {  	_ =	shalt  }
0x4b: {  	_ =	shalt  }
0x4c: {  	_ =	shalt  }
0x4d: {  	_ =	shalt  }
0x4e: {  	_ =	shalt  }
0x4f: {  	_ =	shalt  }
0x50: {  	_ =	shalt  }
0x51: {  	_ =	shalt  }
0x52: {  	_ =	shalt  }
0x53: {  	_ =	shalt  }
0x54: {  	_ =	shalt  }
0x55: {  	_ =	shalt  }
0x56: {  	_ =	shalt  }
0x57: {  	_ =	shalt  }
0x58: {  	_ =	shalt  }
0x59: {  	_ =	shalt  }
0x5a: {  	_ =	shalt  }
0x5b: {  	_ =	shalt  }
0x5c: {  	_ =	shalt  }
0x5d: {  	_ =	shalt  }
0x5e: {  	_ =	shalt  }
0x5f: {  	_ =	shalt  }
0x60: {  	_ =	shalt  }
0x61: {  	_ =	shalt  }
0x62: {  	_ =	shalt  }
0x63: {  	_ =	shalt  }
0x64: {  	_ =	shalt  }
0x65: {  	_ =	shalt  }
0x66: {  	_ =	shalt  }
0x67: {  	_ =	shalt  }
0x68: {  	_ =	shalt  }
0x69: {  	_ =	shalt  }
0x6a: {  	_ =	shalt  }
0x6b: {  	_ =	shalt  }
0x6c: {  	_ =	shalt  }
0x6d: {  	_ =	shalt  }
0x6e: {  	_ =	shalt  }
0x6f: {  	_ =	shalt  }
0x70: {  	_ =	shalt  }
0x71: {  	_ =	shalt  }
0x72: {  	_ =	shalt  }
0x73: {  	_ =	shalt  }
0x74: {  	_ =	shalt  }
0x75: {  	_ =	shalt  }
0x76: {  	_ =	shalt  }
0x77: {  	_ =	shalt  }
0x78: {  	_ =	shalt  }
0x79: {  	_ =	shalt  }
0x7a: {  	_ =	shalt  }
0x7b: {  	_ =	shalt  }
0x7c: {  	_ =	shalt  }
0x7d: {  	_ =	shalt  }
0x7e: {  	_ =	shalt  }
0x7f: {  	_ =	shalt  }
0x80: {  	_ =	shalt  }
0x81: {  	_ =	shalt  }
0x82: {  	_ =	shalt  }
0x83: {  	_ =	shalt  }
0x84: {  	_ =	shalt  }
0x85: {  	_ =	shalt  }
0x86: {  	_ =	shalt  }
0x87: {  	_ =	shalt  }
.Lfunc_end0:
.L_simem_size_0:
called_computation.2_lowered:
.L_overlay_start_0:
0x88: {  	s2 =	sld [smem:$0x3FD9]  }
0x89: {  	s3 =	sld [smem:$0x3FFE];
	_ =	sdelay $0x1  }
0x8a: {  	s1 =	srdreg.scid  }
0x8b: {  	s0 =	sand.u32 $0x1, s1  }
0x8c: {  	s16 =	sshll.u32 s0, $0xA;
	s2 =	sadd.s32 s3, s2  }
0x8d: {  	s2 =	sadd.s32 s2, s16  }
0x8e: {  	[smem:$0x3FBA] =	sst s2  }
0x8f: {  	_ = 	snop  }
0x90: {  	(tm) =	ssettm $0x1  }
0x91: {  	s17 =	sld [smem:$0x3FFB];
	_ =	sdelay $0x3  }
0x92: {  	_ =	strace s17  }
0x93: {  	s2 =	sld [smem:$0x3FFC];
	_ =	sdelay $0x3  }
0x94: {  	_ =	strace s2  }
0x95: {  	s2 =	sld [smem:$0x3FFD];
	_ =	sdelay $0x3  }
0x96: {  	_ =	strace s2  }
0x97: {  	_ =	strace $0x8FFFFFFF  }
0x98: {  	s18 =	sld [smem:$0x3FDB];
	_ =	sdelay $0x1  }
0x99: {  	s19 =	simm.s32 $_scs_section_size  }
0x9a: {  	s4 =	simm.s32 $_size__tile_overlayer_lowered;
	s5 =	simm.s32 $_tile_overlayer_lowered  }
0x9b: {  	s22 =	simm.s32 $0x1BFF;
	s21 =	sshll.u32 s5, $0x1;
	s2 =	sadd.s32 s19, s18  }
0x9c: {  	s6 =	simm.s32 $0x0;
	s20 =	sshll.u32 s4, $0x1;
	s4 =	sadd.s32 s21, s2  }
0x9d: {  	[timem:s6], [sflag:s22] =	dma.local [hbm:s4], s20  }
0x9e: {  	_ =	swait.ge [sflag:s22], s20  }
0x9f: {  	s3 =	ssub.s32 $0x0, s20;
	[sflag:s22] =	ssyncset.done $0x0  }
0xa0: {  	[sflag:s22] =	ssyncadd.s32 s3;
	_ =	sdelay $0x1  }
0xa1: {  	s23 =	simm.s32 $0x1B8B  }
0xa2: {  	_ =	swait.ge [sflag:s23], $0x1  }
0xa3: {  	[sflag:s23] =	ssyncset.done $0x0  }
0xa4: {  	s25 =	simm.s32 $0x1B8E;
	s24 =	sld [smem:$0x3FFE];
	[sflag:s23] =	ssyncadd.s32 $0xFFFFFFFF  }
0xa5: {  	s26 =	simm.s32 $execute0_lowered;
	[smem:$0x3FD2] =	sst s25  }
0xa6: {  	s4 =	sshll.u32 s26, $0x1;
	_ =	strace $0x8000004C;
	[dreg:$0x1] =	wrdreg $0xFFFFFFFF  }
0xa7: {  	s28 =	simm.s32 $_size_execute0_lowered;
	s2 =	sadd.s32 s2, s4;
	[dreg:$0x0] =	wrdreg $0x0  }
0xa8: {  	s4 =	sshll.u32 s28, $0x1;
	[dreg:$0x2] =	wrdreg s2  }
0xa9: {  	[dreg:$0x3] =	wrdreg s4  }
0xaa: {  	[dreg:$0x4] =	wrdreg $0xC0  }
0xab: {  	_ =	task [dreg:s6], $0x5FFFF  }
0xac: {  	[dreg:$0x1] =	wrdreg $0xFFFFFFFF  }
0xad: {  	[dreg:$0x0] =	wrdreg $0x60  }
0xae: {  	[dreg:$0x2] =	wrdreg s24  }
0xaf: {  	[dreg:$0x3] =	wrdreg $0xA1000  }
0xb0: {  	[dreg:$0x4] =	wrdreg $0x9  }
0xb1: {  	_ =	task.clear_ibuf [dreg:s6], $0x5FFFF;
	_ =	strace $0x9000004C  }
0xb2: {  	s29 =	simm.s32 $0x9;
	_ =	strace $0x8000004E  }
0xb3: {  	_ =	swait.ge [sflag:s29], $0x1  }
0xb4: {  	[sflag:s29] =	ssyncadd.s32 $0xFFFFFFFF  }
0xb5: {  	_ =	strace $0x9000004E  }
0xb6: {  	_ =	sfence  }
0xb7: {  	s30 =	sld [smem:$0x0];
	_ =	sdelay $0x2  }
0xb8: {  	s31 =	sshll.u32 s1, $0xD;
	s1 =	sshrl.u32 s1, $0x2  }
0xb9: {  	s3 =	sand.u32 $0x4000, s31;
	s1 =	sadd.s32 s1, s30  }
0xba: {  	s0 =	sor.u32 s3, s0;
	s1 =	sshll.u32 s1, $0x11  }
0xbb: {  	s0 =	sor.u32 s1, s0  }
0xbc: {  	s0 =	sadd.s32 $0x8F2B, s0  }
0xbd: {  	[sflag:s0] =	ssyncadd.remote.s32 $0x1  }
0xbe: {  	_ =	sfence.sel $0xFFFF  }
0xbf: {  	[dreg:$0x0] =	wrdreg $0xFFFFFFFF;
	(pc) =	sbr.abs _section_cstart, $3  }
0xc0: {  	[dreg:$0x1] =	wrdreg $0xFFFFFFFF  }
0xc1: {  	_ =	task.clear_ibuf [dreg:s6], $0x2FFFF;
	_ =	strace $0x9FFFFFFF  }
0xc2: {  	(tm) =	ssettm $0x7FFFFFFF  }
0xc3: {  	_ =	shalt  }
tec
execute0_lowered:
.L_overlay_start_1:
0x0: {  	(tag) =	ssettag $0x1  }
0x1: {  	s0 =	rddreg [dreg:$0x0]  }
0x2: {  	s2 =	rddreg [dreg:$0x1]  }
0x3: {  	s15 =	stileid.u32;
	s3 =	simm.s32 $0x0;
	s5 =	srdreg.scid  }
0x4: {  	s28 =	simm.s32 $0x1;
	s29 =	simm.s32 $0x2780;
	s30 =	simm.s32 $0x50  }
0x5: {  	s31 =	simm.s32 $0x2900;
	s1 =	sshrl.u32 s15, $0x3;
	s4 =	sshll.u32 s15, $0x7  }
0x6: {  	[smem:$0x7FF] =	sst s3;
	s12 =	sadd.s32 $0x5CC00, s0;
	s6 =	smul.u32 $0x4E000, s15  }
0x7: {  	s11 =	sadd.s32 $0x83E00, s0;
	s20 =	sadd.s32 $0x4800, s0;
	s8 =	smul.u32 $0x2700, s15  }
0x8: {  	s16 =	sadd.s32 $0xAB000, s0;
	s5 =	sand.u32 $0x1, s5;
	s10 =	smul.u32 $0x2710, s15  }
0x9: {  	s14 =	sadd.s32 $0xD2200, s0;
	s22 =	sadd.s32 $0x138000, s2;
	s26 =	smul.u32 $0x4E2, s15  }
0xa: {  	s19 =	sshll.u32 s15, $0x6;
	p1 =	seq.s32 s15, $0xF;
	p2 =	sne.s32 s15, $0xF  }
0xb: {  	s15 =	simm.s32 $0x0;
	_ =	strace $0x8000004D;
	[dreg:$0x4] =	wrdreg s11  }
0xc: {  	s1 =	smul.u32 $0x13C00, s1;
	s4 =	sand.u32 $0x380, s4;
	[dreg:$0x3] =	wrdreg s12  }
0xd: {  	s7 =	ssub.s32 $0x2, s5;
	p0 =	seq.s32 s5, $0x0;
	[dreg:$0x6] =	wrdreg s14  }
0xe: {  	[dreg:$0x5] =	wrdreg s16;
	s22 =	sshrl.u32 s22, $0x3;
	s9 =	sshrl.u32 s7, $0x1  }
0xf: {  	s6 =	sshrl.u32 s6, $0x2;
	s21 =	sadd.s32 s11, s8;
	s23 =	sshrl.u32 s10, $0x3  }
0x10: {  	s24 =	sadd.s32 s12, s8;
	s25 =	sadd.s32 s14, s8;
	s8 =	sadd.s32 s16, s8  }
0x11: {  	s18 =	sadd.s32 s26, s20;
	s26 =	simm.s32 $0x7;
	[dreg:$0x7] =	wrdreg s21  }
0x12: {  	s14 =	simm.s32 $0x6;
	s1 =	sor.u32 s4, s1;
	[dreg:$0x8] =	wrdreg s24  }
0x13: {  	s7 =	ssub.s32 s7, s9;
	s6 =	sadd.s32 s6, s2;
	[dreg:$0xa] =	wrdreg s25  }
0x14: {  	s11 =	sadd.s32 s20, s23;
	[dreg:$0xb] =	wrdreg s8;
	s20 =	sor.u32 $0x1C01, s19  }
0x15: {  	s23 =	simm.s32 $0x2880;
	s8 =	simm.s32 $0x4;
	s9 =	simm.s32 $0x5  }
0x16: {  	s1 =	sshrl.u32 s1, $0x3;
	s12 =	sadd.s32 $0xA, s11;
	s13 =	sadd.s32 $0x14, s11  }
.Ltmp0:
0x17: {  	s16 =	smax.u32 s7, $0x1;
	s1 =	sadd.s32 s1, s0;
	(pc) =	sbr.rel .LBB2_1-.Ltmp0, $4  }
0x18: {  	s21 =	sshrl.u32 s6, $0x3;
	s6 =	simm.s32 $0x2;
	s1 =	sadd.s32 $0x9800, s1  }
0x19: {  	s7 =	simm.s32 $0x3;
	[dreg:$0x9] =	wrdreg s1;
	s1 =	simm.s32 $0xE800  }
0x1a: {  	s1 =	simm.s32 @!p0 $0x35A00;
	p0 =	sne.s32 s5, $0x0;
	s5 =	simm.s32 $0x7900  }
0x1b: {  	s17 =	sadd.s32 s1, s0;
	s0 =	simm.s32 $0x2800;
	s1 =	simm.s32 $0x5100  }
.LBB2_11:
0x1c: {  	s10 =	sadd.s32 $0x27000, s24  }
0x1d: {  	[hbm:s10], [sflag:s4] =	dma.local [spmem:s22], $0x100  }
0x1e: {  	_ =	swait.ge [sflag:s26], $0x100  }
0x1f: {  	[sflag:s26] =	ssyncset.done $0x0  }
0x20: {  	[sflag:s26] =	ssyncadd.s32 $0xFFFFFF00  }
.LBB2_12:
0x21: {  	s15 =	sadd.s32 $0x1, s15  }
0x22: {  	p3 =	sne.s32 s15, s16  }
.Ltmp1:
0x23: {  	_ = 	snop;
	(pc) =	sbr.rel @!p3 .LBB2_13-.Ltmp1, $1  }
0x24: {  	_ =	sdelay $0x3  }
.LBB2_1:
.Ltmp2:
0x25: {  	(pc) =	sbr.rel @p0 .LBB2_3-.Ltmp2, $1  }
0x26: {  	_ =	sdelay $0x3  }
.Ltmp3:
0x27: {  	(pc) =	sbr.rel @p1 .LBB2_4-.Ltmp3, $4  }
.Ltmp4:
0x28: {  	(pc) =	sbr.rel @!p1 .LBB2_5-.Ltmp4, $4  }
0x29: {  	s4 =	rddreg [dreg:$0x8]  }
0x2a: {  	[spmem:s21], [sflag:s20] =	dma.local [hbm:s4], $0x2700  }
0x2b: {  	s4 =	rddreg [dreg:$0x3]  }
0x2c: {  	_ = 	snop  }
.LBB2_3:
.Ltmp5:
0x2d: {  	(pc) =	sbr.rel @p2 .LBB2_5-.Ltmp5, $4  }
0x2e: {  	_ = 	snop  }
0x2f: {  	s4 =	rddreg [dreg:$0x7]  }
0x30: {  	[spmem:s21], [sflag:s20] =	dma.local [hbm:s4], $0x2700  }
0x31: {  	s4 =	rddreg [dreg:$0x4]  }
.LBB2_4:
0x32: {  	s4 =	sadd.s32 $0x27000, s4;
	s10 =	simm.s32 $0x1FC2  }
0x33: {  	[spmem:s22], [sflag:s10] =	dma.local [hbm:s4], $0x100  }
.LBB2_5:
0x34: {  	s4 =	rddreg [dreg:$0x9];
	s10 =	simm.s32 $0x80;
	s24 =	simm.s32 $0x400  }
0x35: {  	[tilespmem:s3], [sflag:$0x7] =	stream.strided.gather [hbm4b:s4+s10], $0x2780, s24, s10, $0x38;
	[tilespmem:$0x1D980] =	vst v63  }
0x36: {  	_ =	swait.ge [sflag:s26], $0x2780  }
0x37: {  	[sflag:s26] =	ssyncset.done $0x0  }
0x38: {  	[sflag:s26] =	ssyncadd.s32 $0xFFFFD880  }
0x39: {  	_ =	swait.ge [sflag:s28], $0x2700  }
0x3a: {  	[sflag:s28] =	ssyncset.done $0x0  }
0x3b: {  	s4 =	simm.s32 @!p2 $0x2;
	[sflag:s28] =	ssyncadd.s32 $0xFFFFD900  }
0x3c: {  	_ =	swait.ge @!p2 [sflag:s4], $0x100  }
0x3d: {  	[sflag:s4] =	ssyncset.done @!p2 $0x0  }
0x3e: {  	[sflag:s4] =	ssyncadd.s32 @!p2 $0xFFFFFF00  }
0x3f: {  	s24 =	simm.s32 $0x0;
	[bflag:$0x0] =	sbarrier.arrive $0xFFFF  }
0x40: {  	[tilespmem:s29], [sflag:$0x4] =	stream.linear.gather [hbm4b:s11+s24], $0x50, $0x38;
	[tilespmem:$0x1D980] =	vst v63  }
0x41: {  	_ = 	snop  }
0x42: {  	[tilespmem:s31], [sflag:$0x1] =	stream.indirect.gather [hbm4b:s17+s30], $0x80, s24, s30, $0xb8;
	[tilespmem:$0x1D980] =	vst v63  }
0x43: {  	_ = 	snop  }
0x44: {  	[tilespmem:s0], [sflag:$0x5] =	stream.linear.gather [hbm4b:s12+s24], $0x50, $0x38;
	[tilespmem:$0x1D980] =	vst v63  }
0x45: {  	_ = 	snop  }
0x46: {  	[tilespmem:s1], [sflag:$0x2] =	stream.indirect.gather [hbm4b:s17+s30], $0x80, s30, s30, $0xb8;
	[tilespmem:$0x1D980] =	vst v63  }
0x47: {  	_ = 	snop  }
0x48: {  	[tilespmem:s23], [sflag:$0x6] =	stream.linear.gather [hbm4b:s13+s24], $0x50, $0x38;
	[tilespmem:$0x1D980] =	vst v63  }
0x49: {  	s25 =	simm.s32 $0xA0  }
0x4a: {  	[tilespmem:s5], [sflag:$0x3] =	stream.indirect.gather [hbm4b:s17+s30], $0x80, s25, s30, $0xb8;
	[tilespmem:$0x1D980] =	vst v63  }
0x4b: {  	s25 =	simm.s32 $0x190  }
.LBB2_6:
0x4c: {  	_ =	swait.ge [sflag:s28], $0x2800  }
0x4d: {  	[sflag:s28] =	ssyncset.done $0x0  }
0x4e: {  	[sflag:s28] =	ssyncadd.s32 $0xFFFFD800  }
0x4f: {  	_ =	swait.ge [sflag:s8], $0x50  }
0x50: {  	[sflag:s8] =	ssyncset.done $0x0  }
0x51: {  	[sflag:s8] =	ssyncadd.s32 $0xFFFFFFB0  }
0x52: {  	[spmem:s2] =	stream.indirect.scatter.add.f32 [tilespmem:s31], [sflag:$0x7], $0x80, s29, s30, $0xb8;
	[tilespmem:$0x1D980] =	vst v63  }
0x53: {  	_ =	swait.ge [sflag:s26], $0x2800  }
0x54: {  	s4 =	sadd.s32 s24, s18;
	[sflag:s26] =	ssyncset.done $0x0  }
0x55: {  	s10 =	sadd.s32 $0x1E, s4;
	[sflag:s26] =	ssyncadd.s32 $0xFFFFD800  }
0x56: {  	[tilespmem:s29], [sflag:$0x4] =	stream.linear.gather [hbm4b:s10+s3], $0x50, $0x38;
	[tilespmem:$0x1D980] =	vst v63  }
0x57: {  	s10 =	sadd.s32 $0xFFFFFF60, s25  }
0x58: {  	[tilespmem:s31], [sflag:$0x1] =	stream.indirect.gather [hbm4b:s17+s30], $0x80, s10, s30, $0xb8;
	[tilespmem:$0x1D980] =	vst v63  }
0x59: {  	_ =	swait.ge [sflag:s6], $0x2800  }
0x5a: {  	[sflag:s6] =	ssyncset.done $0x0  }
0x5b: {  	[sflag:s6] =	ssyncadd.s32 $0xFFFFD800  }
0x5c: {  	_ =	swait.ge [sflag:s9], $0x50  }
0x5d: {  	[sflag:s9] =	ssyncset.done $0x0  }
0x5e: {  	[sflag:s9] =	ssyncadd.s32 $0xFFFFFFB0  }
0x5f: {  	[spmem:s2] =	stream.indirect.scatter.add.f32 [tilespmem:s1], [sflag:$0x7], $0x80, s0, s30, $0xb8;
	[tilespmem:$0x1D980] =	vst v63  }
0x60: {  	_ =	swait.ge [sflag:s26], $0x2800  }
0x61: {  	[sflag:s26] =	ssyncset.done $0x0  }
0x62: {  	s10 =	sadd.s32 $0x28, s4;
	[sflag:s26] =	ssyncadd.s32 $0xFFFFD800  }
0x63: {  	[tilespmem:s0], [sflag:$0x5] =	stream.linear.gather [hbm4b:s10+s3], $0x50, $0x38;
	[tilespmem:$0x1D980] =	vst v63  }
0x64: {  	s10 =	sadd.s32 $0xFFFFFFB0, s25  }
0x65: {  	[tilespmem:s1], [sflag:$0x2] =	stream.indirect.gather [hbm4b:s17+s30], $0x80, s10, s30, $0xb8;
	[tilespmem:$0x1D980] =	vst v63  }
0x66: {  	_ =	swait.ge [sflag:s7], $0x2800  }
0x67: {  	[sflag:s7] =	ssyncset.done $0x0  }
0x68: {  	[sflag:s7] =	ssyncadd.s32 $0xFFFFD800  }
0x69: {  	_ =	swait.ge [sflag:s14], $0x50  }
0x6a: {  	p3 =	seq.s32 s24, $0x4B0;
	[sflag:s14] =	ssyncset.done $0x0  }
.Ltmp6:
0x6b: {  	[sflag:s14] =	ssyncadd.s32 $0xFFFFFFB0;
	(pc) =	sbr.rel @p3 .LBB2_8-.Ltmp6, $4  }
0x6c: {  	[spmem:s2] =	stream.indirect.scatter.add.f32 [tilespmem:s5], [sflag:$0x7], $0x80, s23, s30, $0xb8;
	[tilespmem:$0x1D980] =	vst v63  }
0x6d: {  	_ =	swait.ge [sflag:s26], $0x2800  }
0x6e: {  	[sflag:s26] =	ssyncset.done $0x0  }
0x6f: {  	[sflag:s26] =	ssyncadd.s32 $0xFFFFD800  }
.Ltmp7:
0x70: {  	s4 =	sadd.s32 $0x32, s4;
	(pc) =	sbr.rel .LBB2_6-.Ltmp7, $4  }
0x71: {  	[tilespmem:s23], [sflag:$0x6] =	stream.linear.gather [hbm4b:s4+s3], $0x50, $0x38;
	[tilespmem:$0x1D980] =	vst v63  }
0x72: {  	_ = 	snop  }
0x73: {  	[tilespmem:s5], [sflag:$0x3] =	stream.indirect.gather [hbm4b:s17+s30], $0x80, s25, s30, $0xb8;
	[tilespmem:$0x1D980] =	vst v63  }
0x74: {  	s24 =	sadd.s32 $0x1E, s24;
	s25 =	sadd.s32 $0xF0, s25  }
.LBB2_8:
0x75: {  	_ =	swait.ge [sflag:s28], $0x2800  }
0x76: {  	[sflag:s28] =	ssyncset.done $0x0  }
0x77: {  	[sflag:s28] =	ssyncadd.s32 $0xFFFFD800  }
0x78: {  	_ =	swait.ge [sflag:s8], $0x50  }
0x79: {  	[sflag:s8] =	ssyncset.done $0x0  }
0x7a: {  	[sflag:s8] =	ssyncadd.s32 $0xFFFFFFB0  }
0x7b: {  	[spmem:s2] =	stream.indirect.scatter.add.f32 [tilespmem:s31], [sflag:$0x7], $0x80, s29, s30, $0xb8;
	[tilespmem:$0x1D980] =	vst v63  }
0x7c: {  	_ =	swait.ge [sflag:s26], $0x2800  }
0x7d: {  	[sflag:s26] =	ssyncset.done $0x0  }
0x7e: {  	[sflag:s26] =	ssyncadd.s32 $0xFFFFD800  }
0x7f: {  	_ =	swait.ge [sflag:s6], $0x2800  }
0x80: {  	[sflag:s6] =	ssyncset.done $0x0  }
0x81: {  	[sflag:s6] =	ssyncadd.s32 $0xFFFFD800  }
0x82: {  	_ =	swait.ge [sflag:s9], $0x50  }
0x83: {  	[sflag:s9] =	ssyncset.done $0x0  }
0x84: {  	[sflag:s9] =	ssyncadd.s32 $0xFFFFFFB0  }
0x85: {  	[spmem:s2] =	stream.indirect.scatter.add.f32 [tilespmem:s1], [sflag:$0x7], $0x80, s0, s30, $0xb8;
	[tilespmem:$0x1D980] =	vst v63  }
.Ltmp8:
0x86: {  	_ =	swait.ge [sflag:s26], $0x2800;
	(pc) =	sbr.rel @p0 .LBB2_10-.Ltmp8, $4  }
0x87: {  	[sflag:s26] =	ssyncset.done $0x0  }
0x88: {  	[sflag:s26] =	ssyncadd.s32 $0xFFFFD800  }
0x89: {  	[bflag:$0x0] =	sbarrier.arrive $0xFFFF  }
0x8a: {  	s4 =	sor.u32 $0x1C07, s19  }
0x8b: {  	s4 =	sor.u32 $0x1C07, s19;
	s10 =	rddreg [dreg:$0xb]  }
0x8c: {  	[hbm:s10], [sflag:s4] =	dma.local [spmem:s21], $0x2700  }
.Ltmp9:
0x8d: {  	_ = 	snop;
	(pc) =	sbr.rel @p1 .LBB2_11-.Ltmp9, $4  }
.Ltmp10:
0x8e: {  	_ = 	snop;
	(pc) =	sbr.rel @!p1 .LBB2_12-.Ltmp10, $4  }
0x8f: {  	_ =	swait.ge [sflag:s26], $0x2700  }
0x90: {  	[sflag:s26] =	ssyncset.done $0x0  }
0x91: {  	s24 =	rddreg [dreg:$0x5];
	[sflag:s26] =	ssyncadd.s32 $0xFFFFD900  }
0x92: {  	_ = 	snop  }
.LBB2_10:
0x93: {  	s10 =	rddreg [dreg:$0xa]  }
0x94: {  	[hbm:s10], [sflag:s4] =	dma.local [spmem:s21], $0x2700  }
.Ltmp11:
0x95: {  	_ = 	snop;
	(pc) =	sbr.rel @p2 .LBB2_12-.Ltmp11, $4  }
.Ltmp12:
0x96: {  	_ = 	snop;
	(pc) =	sbr.rel @!p2 .LBB2_11-.Ltmp12, $4  }
0x97: {  	_ =	swait.ge [sflag:s26], $0x2700  }
0x98: {  	[sflag:s26] =	ssyncset.done $0x0  }
0x99: {  	s24 =	rddreg [dreg:$0x6];
	[sflag:s26] =	ssyncadd.s32 $0xFFFFD900  }
0x9a: {  	_ = 	snop  }
.LBB2_13:
0x9b: {  	_ =	sfence.sel $0x180000  }
0x9c: {  	[bflag:$0x0] =	sbarrier.arrive $0xFFFF  }
0x9d: {  	_ =	strace $0x9000004D  }
0x9e: {  	s0 =	stileid.u32;
	[bflag:$0x2] =	sbarrier.arrive $0xFFFF  }
0x9f: {  	p0 =	sne.s32 s0, $0x0;
	s0 =	rddreg [dreg:$0x2]  }
0xa0: {  	s0 =	sadd.s32 @!p0 $0x100000, s0  }
0xa1: {  	[sflag:s0] =	ssyncadd.tile.s32 @!p0 $0x1;
	_ =	shalt  }
.Lfunc_end2:
_tile_overlayer_lowered:
.L_overlay_start_2:
0xa2: {  	(tag) =	ssettag $0x2  }
0xa3: {  	s0 =	rddreg [dreg:$0x0];
	s2 =	stileid.u32  }
0xa4: {  	s1 =	rddreg [dreg:$0x1];
	p0 =	sne.s32 s2, $0x0  }
0xa5: {  	s3 =	rddreg [dreg:$0x2];
	[bflag:$0x3] =	sbarrier.arrive $0xFFFF;
	s2 =	simm.s32 @!p0 $0x1C07  }
0xa6: {  	[timem:s3], [sflag:s2] =	dma.local @!p0 [hbm:s0], s1  }
0xa7: {  	s0 =	simm.s32 @!p0 $0x7  }
0xa8: {  	_ =	swait.ge @!p0 [sflag:s0], s1  }
0xa9: {  	s1 =	ssub.s32 @!p0 $0x0, s1;
	[sflag:s0] =	ssyncset.done @!p0 $0x0  }
0xaa: {  	[sflag:s0] =	ssyncadd.s32 @!p0 s1  }
0xab: {  	[bflag:$0x3] =	sbarrier.arrive $0xFFFF  }
0xac: {  	_ =	shalt  }

// kernel: kernel.9.cloned.1.call-start
scs
__scs_entry_jumppad:
0x0: {  	(pc) =	sbr.rel $0x88, $3  }
0x1: {  	(tag) =	ssettag $0x0;
	lr =	simm.s32 $0x1  }
0x2: {  	[smem:$0x3F93] =	sst lr;
	_ =	strace $0xD0000000  }
0x3: {  	_ = 	snop  }
0x4: {  	_ = 	snop  }
0x5: {  	_ = 	snop  }
0x6: {  	_ = 	snop  }
0x7: {  	_ = 	snop  }
__scs_overlays_trampoline_lowered:
0x8: {  	[smem:$0x3FA2] =	sst s0  }
0x9: {  	[smem:$0x3FA3] =	sst s1  }
0xa: {  	[smem:$0x3FA4] =	sst s2  }
0xb: {  	[smem:$0x3FA5] =	sst s3  }
0xc: {  	[smem:$0x3FA6] =	sst s4  }
0xd: {  	[smem:$0x3FA7] =	sst s5  }
0xe: {  	[smem:$0x3FA8] =	sst s6  }
0xf: {  	[smem:$0x3FA9] =	sst s7  }
0x10: {  	[smem:$0x3FAA] =	sst s8  }
0x11: {  	[smem:$0x3FAB] =	sst s9;
	s0 =	simm.s32 @!p0 $0x0  }
0x12: {  	s1 =	sld [smem:$0x3F91];
	s0 =	simm.s32 @p0 $0x1  }
0x13: {  	[smem:$0x3FAC] =	sst s0;
	s0 =	simm.s32 @!p1 $0x0  }
0x14: {  	s2 =	sld [smem:$0x3F90];
	s0 =	simm.s32 @p1 $0x1  }
0x15: {  	[smem:$0x3FAD] =	sst s0;
	s0 =	simm.s32 @!p2 $0x0  }
0x16: {  	s3 =	sld [smem:$0x3FDB];
	s0 =	simm.s32 @p2 $0x1  }
0x17: {  	s4 =	simm.s32 $0x1BF5;
	[smem:$0x3FAF] =	sst s0  }
0x18: {  	s0 =	sld [smem:$0x3F92];
	_ =	swait.ge [sflag:s4], $0x0  }
0x19: {  	s7 =	sld [smem:$0x3F93]  }
0x1a: {  	s8 =	sadd.s32 $0xFFFFE003, lr  }
0x1b: {  	s9 =	sadd.s32 $0xFFFFFEF7, lr;
	s5 =	simm.s32 $0xFFFFFFFF;
	p2 =	slt.u32 s8, $0xFFFFF086  }
0x1c: {  	p1 =	slt.u32 s9, $0xF7A;
	s5 =	simm.s32 @!p2 $0x0  }
0x1d: {  	s5 =	simm.s32 @p1 $0x1;
	p0 =	seq.s32 s7, s2  }
0x1e: {  	s7 =	smul.u32 @!p0 $0xF7A, s2;
	p2 =	seq.s32 @!p0 s5, $0x0  }
0x1f: {  	s9 =	smul.u32 $0xF7A, s1;
	s8 =	simm.s32 @!p0 $0x1BF5;
	p2 =	por !p2, p0  }
0x20: {  	[sflag:s8] =	ssyncset.s32 @!p0 $0xFFFFF086;
	s6 =	sadd.s32 @!p0 s3, s7;
	s7 =	simm.s32 @!p0 $0x108  }
0x21: {  	s3 =	sadd.s32 s3, s9;
	s6 =	sadd.s32 @!p0 $0x88, s6;
	s7 =	simm.s32 @p2 $0x1082  }
0x22: {  	[simem:s7], [sflag:s8] =	dma.local @!p0 [hbm:s6], $0xF7A  }
0x23: {  	s9 =	sor.u32 $0xD0000000, s2;
	s6 =	simm.s32 $0x108;
	_ =	swait.ge @!p0 [sflag:s8], $0x0  }
0x24: {  	s3 =	sadd.s32 $0x88, s3;
	s6 =	simm.s32 @!p1 $0x1082;
	[sflag:s4] =	ssyncset.s32 $0xFFFFF086  }
0x25: {  	[simem:s6], [sflag:s4] =	dma.local [hbm:s3], $0xF7A  }
0x26: {  	[smem:$0x3F93] =	sst s1;
	(tag) =	ssettag s2;
	_ =	strace s9  }
0x27: {  	s1 =	sld [smem:$0x3FA3]  }
0x28: {  	s2 =	sld [smem:$0x3FA4]  }
0x29: {  	s4 =	sld [smem:$0x3FA6]  }
0x2a: {  	p0 =	seq.s32 s5, $0x0;
	s5 =	sld [smem:$0x3FA7]  }
0x2b: {  	s6 =	sld [smem:$0x3FA8]  }
0x2c: {  	s7 =	sld [smem:$0x3FA9]  }
0x2d: {  	s3 =	simm.s32 $0x108;
	s8 =	sld [smem:$0x3FAA]  }
0x2e: {  	s3 =	simm.s32 @!p0 $0x1082;
	s9 =	sld [smem:$0x3FAB]  }
0x2f: {  	lr =	sadd.s32 s0, s3;
	s0 =	sld [smem:$0x3FA2]  }
0x30: {  	s3 =	sld [smem:$0x3FA5]  }
0x31: {  	[smem:$0x3FAE] =	sst s10  }
0x32: {  	s10 =	sld [smem:$0x3FAC];
	_ =	sdelay $0x3  }
0x33: {  	p0 =	seq.s32 s10, $0x1;
	s10 =	sld [smem:$0x3FAE];
	_ =	sdelay $0x3  }
0x34: {  	[smem:$0x3FAE] =	sst s10  }
0x35: {  	s10 =	sld [smem:$0x3FAD];
	_ =	sdelay $0x3  }
0x36: {  	p1 =	seq.s32 s10, $0x1;
	s10 =	sld [smem:$0x3FAE];
	_ =	sdelay $0x3  }
0x37: {  	[smem:$0x3FAE] =	sst s10  }
0x38: {  	s10 =	sld [smem:$0x3FAF]  }
0x39: {  	_ = 	snop;
	(pc) =	sbr.ind lr, $3  }
0x3a: {  	_ = 	snop  }
0x3b: {  	_ = 	snop  }
0x3c: {  	p2 =	seq.s32 s10, $0x1;
	s10 =	sld [smem:$0x3FAE]  }
0x3d: {  	_ =	shalt  }
0x3e: {  	_ =	shalt  }
0x3f: {  	_ =	shalt  }
0x40: {  	_ =	shalt  }
0x41: {  	_ =	shalt  }
0x42: {  	_ =	shalt  }
0x43: {  	_ =	shalt  }
0x44: {  	_ =	shalt  }
0x45: {  	_ =	shalt  }
0x46: {  	_ =	shalt  }
0x47: {  	_ =	shalt  }
0x48: {  	_ =	shalt  }
0x49: {  	_ =	shalt  }
0x4a: {  	_ =	shalt  }
0x4b: {  	_ =	shalt  }
0x4c: {  	_ =	shalt  }
0x4d: {  	_ =	shalt  }
0x4e: {  	_ =	shalt  }
0x4f: {  	_ =	shalt  }
0x50: {  	_ =	shalt  }
0x51: {  	_ =	shalt  }
0x52: {  	_ =	shalt  }
0x53: {  	_ =	shalt  }
0x54: {  	_ =	shalt  }
0x55: {  	_ =	shalt  }
0x56: {  	_ =	shalt  }
0x57: {  	_ =	shalt  }
0x58: {  	_ =	shalt  }
0x59: {  	_ =	shalt  }
0x5a: {  	_ =	shalt  }
0x5b: {  	_ =	shalt  }
0x5c: {  	_ =	shalt  }
0x5d: {  	_ =	shalt  }
0x5e: {  	_ =	shalt  }
0x5f: {  	_ =	shalt  }
0x60: {  	_ =	shalt  }
0x61: {  	_ =	shalt  }
0x62: {  	_ =	shalt  }
0x63: {  	_ =	shalt  }
0x64: {  	_ =	shalt  }
0x65: {  	_ =	shalt  }
0x66: {  	_ =	shalt  }
0x67: {  	_ =	shalt  }
0x68: {  	_ =	shalt  }
0x69: {  	_ =	shalt  }
0x6a: {  	_ =	shalt  }
0x6b: {  	_ =	shalt  }
0x6c: {  	_ =	shalt  }
0x6d: {  	_ =	shalt  }
0x6e: {  	_ =	shalt  }
0x6f: {  	_ =	shalt  }
0x70: {  	_ =	shalt  }
0x71: {  	_ =	shalt  }
0x72: {  	_ =	shalt  }
0x73: {  	_ =	shalt  }
0x74: {  	_ =	shalt  }
0x75: {  	_ =	shalt  }
0x76: {  	_ =	shalt  }
0x77: {  	_ =	shalt  }
0x78: {  	_ =	shalt  }
0x79: {  	_ =	shalt  }
0x7a: {  	_ =	shalt  }
0x7b: {  	_ =	shalt  }
0x7c: {  	_ =	shalt  }
0x7d: {  	_ =	shalt  }
0x7e: {  	_ =	shalt  }
0x7f: {  	_ =	shalt  }
0x80: {  	_ =	shalt  }
0x81: {  	_ =	shalt  }
0x82: {  	_ =	shalt  }
0x83: {  	_ =	shalt  }
0x84: {  	_ =	shalt  }
0x85: {  	_ =	shalt  }
0x86: {  	_ =	shalt  }
0x87: {  	_ =	shalt  }
.Lfunc_end0:
.L_simem_size_0:
called_computation_lowered:
.L_overlay_start_0:
0x88: {  	s2 =	sld [smem:$0x3FD9]  }
0x89: {  	s3 =	sld [smem:$0x3FFE];
	_ =	sdelay $0x1  }
0x8a: {  	s1 =	srdreg.scid  }
0x8b: {  	s0 =	sand.u32 $0x1, s1  }
0x8c: {  	s16 =	sshll.u32 s0, $0xA;
	s2 =	sadd.s32 s3, s2  }
0x8d: {  	s2 =	sadd.s32 s2, s16  }
0x8e: {  	[smem:$0x3FBA] =	sst s2  }
0x8f: {  	_ = 	snop  }
0x90: {  	(tm) =	ssettm $0x1  }
0x91: {  	s17 =	sld [smem:$0x3FFB];
	_ =	sdelay $0x3  }
0x92: {  	_ =	strace s17  }
0x93: {  	s2 =	sld [smem:$0x3FFC];
	_ =	sdelay $0x3  }
0x94: {  	_ =	strace s2  }
0x95: {  	s2 =	sld [smem:$0x3FFD];
	_ =	sdelay $0x3  }
0x96: {  	_ =	strace s2  }
0x97: {  	_ =	strace $0x8FFFFFFF  }
0x98: {  	s18 =	sld [smem:$0x3FDB];
	_ =	sdelay $0x1  }
0x99: {  	s19 =	simm.s32 $_scs_section_size  }
0x9a: {  	s4 =	simm.s32 $_size__tile_overlayer_lowered;
	s5 =	simm.s32 $_tile_overlayer_lowered  }
0x9b: {  	s22 =	simm.s32 $0x1BFF;
	s21 =	sshll.u32 s5, $0x1;
	s2 =	sadd.s32 s19, s18  }
0x9c: {  	s6 =	simm.s32 $0x0;
	s20 =	sshll.u32 s4, $0x1;
	s4 =	sadd.s32 s21, s2  }
0x9d: {  	[timem:s6], [sflag:s22] =	dma.local [hbm:s4], s20  }
0x9e: {  	_ =	swait.ge [sflag:s22], s20  }
0x9f: {  	s3 =	ssub.s32 $0x0, s20;
	[sflag:s22] =	ssyncset.done $0x0  }
0xa0: {  	[sflag:s22] =	ssyncadd.s32 s3;
	_ =	sdelay $0x1  }
0xa1: {  	s23 =	simm.s32 $0x1B8B  }
0xa2: {  	_ =	swait.ge [sflag:s23], $0x1  }
0xa3: {  	[sflag:s23] =	ssyncset.done $0x0  }
0xa4: {  	s25 =	simm.s32 $0x1B8E;
	s24 =	sld [smem:$0x3FFE];
	[sflag:s23] =	ssyncadd.s32 $0xFFFFFFFF  }
0xa5: {  	s26 =	simm.s32 $execute0_lowered;
	[smem:$0x3FD2] =	sst s25  }
0xa6: {  	s4 =	sshll.u32 s26, $0x1;
	_ =	strace $0x80000046;
	[dreg:$0x1] =	wrdreg $0xFFFFFFFF  }
0xa7: {  	s28 =	simm.s32 $_size_execute0_lowered;
	s2 =	sadd.s32 s2, s4;
	[dreg:$0x0] =	wrdreg $0x0  }
0xa8: {  	s4 =	sshll.u32 s28, $0x1;
	[dreg:$0x2] =	wrdreg s2  }
0xa9: {  	[dreg:$0x3] =	wrdreg s4  }
0xaa: {  	[dreg:$0x4] =	wrdreg $0xC0  }
0xab: {  	_ =	task [dreg:s6], $0x5FFFF  }
0xac: {  	[dreg:$0x1] =	wrdreg $0xFFFFFFFF  }
0xad: {  	[dreg:$0x0] =	wrdreg $0x60  }
0xae: {  	[dreg:$0x2] =	wrdreg s24  }
0xaf: {  	[dreg:$0x3] =	wrdreg $0xA1000  }
0xb0: {  	[dreg:$0x4] =	wrdreg $0x9  }
0xb1: {  	_ =	task.clear_ibuf [dreg:s6], $0x5FFFF;
	_ =	strace $0x90000046  }
0xb2: {  	s29 =	simm.s32 $0x9;
	_ =	strace $0x80000048  }
0xb3: {  	_ =	swait.ge [sflag:s29], $0x1  }
0xb4: {  	[sflag:s29] =	ssyncadd.s32 $0xFFFFFFFF  }
0xb5: {  	_ =	strace $0x90000048  }
0xb6: {  	_ =	sfence  }
0xb7: {  	s30 =	sld [smem:$0x0];
	_ =	sdelay $0x2  }
0xb8: {  	s31 =	sshll.u32 s1, $0xD;
	s1 =	sshrl.u32 s1, $0x2  }
0xb9: {  	s3 =	sand.u32 $0x4000, s31;
	s1 =	sadd.s32 s1, s30  }
0xba: {  	s0 =	sor.u32 s3, s0;
	s1 =	sshll.u32 s1, $0x11  }
0xbb: {  	s0 =	sor.u32 s1, s0  }
0xbc: {  	s0 =	sadd.s32 $0x8F2B, s0  }
0xbd: {  	[sflag:s0] =	ssyncadd.remote.s32 $0x1  }
0xbe: {  	_ =	sfence.sel $0xFFFF  }
0xbf: {  	[dreg:$0x0] =	wrdreg $0xFFFFFFFF;
	(pc) =	sbr.abs _section_cstart, $3  }
0xc0: {  	[dreg:$0x1] =	wrdreg $0xFFFFFFFF  }
0xc1: {  	_ =	task.clear_ibuf [dreg:s6], $0x2FFFF;
	_ =	strace $0x9FFFFFFF  }
0xc2: {  	(tm) =	ssettm $0x7FFFFFFF  }
0xc3: {  	_ =	shalt  }
tec
execute0_lowered:
.L_overlay_start_1:
0x0: {  	(tag) =	ssettag $0x1  }
0x1: {  	s0 =	rddreg [dreg:$0x0]  }
0x2: {  	s2 =	rddreg [dreg:$0x1]  }
0x3: {  	s15 =	stileid.u32;
	s3 =	simm.s32 $0x0;
	s5 =	srdreg.scid  }
0x4: {  	s28 =	simm.s32 $0x1;
	s29 =	simm.s32 $0x2780;
	s30 =	simm.s32 $0x50  }
0x5: {  	s31 =	simm.s32 $0x2900;
	s1 =	sshrl.u32 s15, $0x3;
	s4 =	sshll.u32 s15, $0x7  }
0x6: {  	[smem:$0x7FF] =	sst s3;
	s12 =	sadd.s32 $0x5CC00, s0;
	s6 =	smul.u32 $0x4E000, s15  }
0x7: {  	s11 =	sadd.s32 $0x83E00, s0;
	s20 =	sadd.s32 $0x4800, s0;
	s8 =	smul.u32 $0x2700, s15  }
0x8: {  	s16 =	sadd.s32 $0xAB000, s0;
	s5 =	sand.u32 $0x1, s5;
	s10 =	smul.u32 $0x2710, s15  }
0x9: {  	s14 =	sadd.s32 $0xD2200, s0;
	s22 =	sadd.s32 $0x138000, s2;
	s26 =	smul.u32 $0x4E2, s15  }
0xa: {  	s19 =	sshll.u32 s15, $0x6;
	p1 =	seq.s32 s15, $0xF;
	p2 =	sne.s32 s15, $0xF  }
0xb: {  	s15 =	simm.s32 $0x0;
	_ =	strace $0x80000047;
	[dreg:$0x4] =	wrdreg s11  }
0xc: {  	s1 =	smul.u32 $0x13C00, s1;
	s4 =	sand.u32 $0x380, s4;
	[dreg:$0x3] =	wrdreg s12  }
0xd: {  	s7 =	ssub.s32 $0x2, s5;
	p0 =	seq.s32 s5, $0x0;
	[dreg:$0x6] =	wrdreg s14  }
0xe: {  	[dreg:$0x5] =	wrdreg s16;
	s22 =	sshrl.u32 s22, $0x3;
	s9 =	sshrl.u32 s7, $0x1  }
0xf: {  	s6 =	sshrl.u32 s6, $0x2;
	s21 =	sadd.s32 s11, s8;
	s23 =	sshrl.u32 s10, $0x3  }
0x10: {  	s24 =	sadd.s32 s12, s8;
	s25 =	sadd.s32 s14, s8;
	s8 =	sadd.s32 s16, s8  }
0x11: {  	s18 =	sadd.s32 s26, s20;
	s26 =	simm.s32 $0x7;
	[dreg:$0x7] =	wrdreg s21  }
0x12: {  	s14 =	simm.s32 $0x6;
	s1 =	sor.u32 s4, s1;
	[dreg:$0x8] =	wrdreg s24  }
0x13: {  	s7 =	ssub.s32 s7, s9;
	s6 =	sadd.s32 s6, s2;
	[dreg:$0xa] =	wrdreg s25  }
0x14: {  	s11 =	sadd.s32 s20, s23;
	[dreg:$0xb] =	wrdreg s8;
	s20 =	sor.u32 $0x1C01, s19  }
0x15: {  	s23 =	simm.s32 $0x2880;
	s8 =	simm.s32 $0x4;
	s9 =	simm.s32 $0x5  }
0x16: {  	s1 =	sshrl.u32 s1, $0x3;
	s12 =	sadd.s32 $0xA, s11;
	s13 =	sadd.s32 $0x14, s11  }
.Ltmp0:
0x17: {  	s16 =	smax.u32 s7, $0x1;
	s1 =	sadd.s32 s1, s0;
	(pc) =	sbr.rel .LBB2_1-.Ltmp0, $4  }
0x18: {  	s21 =	sshrl.u32 s6, $0x3;
	s6 =	simm.s32 $0x2;
	s1 =	sadd.s32 $0x9800, s1  }
0x19: {  	s7 =	simm.s32 $0x3;
	[dreg:$0x9] =	wrdreg s1;
	s1 =	simm.s32 $0xE800  }
0x1a: {  	s1 =	simm.s32 @!p0 $0x35A00;
	p0 =	sne.s32 s5, $0x0;
	s5 =	simm.s32 $0x7900  }
0x1b: {  	s17 =	sadd.s32 s1, s0;
	s0 =	simm.s32 $0x2800;
	s1 =	simm.s32 $0x5100  }
.LBB2_11:
0x1c: {  	s10 =	sadd.s32 $0x27000, s24  }
0x1d: {  	[hbm:s10], [sflag:s4] =	dma.local [spmem:s22], $0x100  }
0x1e: {  	_ =	swait.ge [sflag:s26], $0x100  }
0x1f: {  	[sflag:s26] =	ssyncset.done $0x0  }
0x20: {  	[sflag:s26] =	ssyncadd.s32 $0xFFFFFF00  }
.LBB2_12:
0x21: {  	s15 =	sadd.s32 $0x1, s15  }
0x22: {  	p3 =	sne.s32 s15, s16  }
.Ltmp1:
0x23: {  	_ = 	snop;
	(pc) =	sbr.rel @!p3 .LBB2_13-.Ltmp1, $1  }
0x24: {  	_ =	sdelay $0x3  }
.LBB2_1:
.Ltmp2:
0x25: {  	(pc) =	sbr.rel @p0 .LBB2_3-.Ltmp2, $1  }
0x26: {  	_ =	sdelay $0x3  }
.Ltmp3:
0x27: {  	(pc) =	sbr.rel @p1 .LBB2_4-.Ltmp3, $4  }
.Ltmp4:
0x28: {  	(pc) =	sbr.rel @!p1 .LBB2_5-.Ltmp4, $4  }
0x29: {  	s4 =	rddreg [dreg:$0x8]  }
0x2a: {  	[spmem:s21], [sflag:s20] =	dma.local [hbm:s4], $0x2700  }
0x2b: {  	s4 =	rddreg [dreg:$0x3]  }
0x2c: {  	_ = 	snop  }
.LBB2_3:
.Ltmp5:
0x2d: {  	(pc) =	sbr.rel @p2 .LBB2_5-.Ltmp5, $4  }
0x2e: {  	_ = 	snop  }
0x2f: {  	s4 =	rddreg [dreg:$0x7]  }
0x30: {  	[spmem:s21], [sflag:s20] =	dma.local [hbm:s4], $0x2700  }
0x31: {  	s4 =	rddreg [dreg:$0x4]  }
.LBB2_4:
0x32: {  	s4 =	sadd.s32 $0x27000, s4;
	s10 =	simm.s32 $0x1FC2  }
0x33: {  	[spmem:s22], [sflag:s10] =	dma.local [hbm:s4], $0x100  }
.LBB2_5:
0x34: {  	s4 =	rddreg [dreg:$0x9];
	s10 =	simm.s32 $0x80;
	s24 =	simm.s32 $0x400  }
0x35: {  	[tilespmem:s3], [sflag:$0x7] =	stream.strided.gather [hbm4b:s4+s10], $0x2780, s24, s10, $0x38;
	[tilespmem:$0x1D980] =	vst v63  }
0x36: {  	_ =	swait.ge [sflag:s26], $0x2780  }
0x37: {  	[sflag:s26] =	ssyncset.done $0x0  }
0x38: {  	[sflag:s26] =	ssyncadd.s32 $0xFFFFD880  }
0x39: {  	_ =	swait.ge [sflag:s28], $0x2700  }
0x3a: {  	[sflag:s28] =	ssyncset.done $0x0  }
0x3b: {  	s4 =	simm.s32 @!p2 $0x2;
	[sflag:s28] =	ssyncadd.s32 $0xFFFFD900  }
0x3c: {  	_ =	swait.ge @!p2 [sflag:s4], $0x100  }
0x3d: {  	[sflag:s4] =	ssyncset.done @!p2 $0x0  }
0x3e: {  	[sflag:s4] =	ssyncadd.s32 @!p2 $0xFFFFFF00  }
0x3f: {  	s24 =	simm.s32 $0x0;
	[bflag:$0x0] =	sbarrier.arrive $0xFFFF  }
0x40: {  	[tilespmem:s29], [sflag:$0x4] =	stream.linear.gather [hbm4b:s11+s24], $0x50, $0x38;
	[tilespmem:$0x1D980] =	vst v63  }
0x41: {  	_ = 	snop  }
0x42: {  	[tilespmem:s31], [sflag:$0x1] =	stream.indirect.gather [hbm4b:s17+s30], $0x80, s24, s30, $0xb8;
	[tilespmem:$0x1D980] =	vst v63  }
0x43: {  	_ = 	snop  }
0x44: {  	[tilespmem:s0], [sflag:$0x5] =	stream.linear.gather [hbm4b:s12+s24], $0x50, $0x38;
	[tilespmem:$0x1D980] =	vst v63  }
0x45: {  	_ = 	snop  }
0x46: {  	[tilespmem:s1], [sflag:$0x2] =	stream.indirect.gather [hbm4b:s17+s30], $0x80, s30, s30, $0xb8;
	[tilespmem:$0x1D980] =	vst v63  }
0x47: {  	_ = 	snop  }
0x48: {  	[tilespmem:s23], [sflag:$0x6] =	stream.linear.gather [hbm4b:s13+s24], $0x50, $0x38;
	[tilespmem:$0x1D980] =	vst v63  }
0x49: {  	s25 =	simm.s32 $0xA0  }
0x4a: {  	[tilespmem:s5], [sflag:$0x3] =	stream.indirect.gather [hbm4b:s17+s30], $0x80, s25, s30, $0xb8;
	[tilespmem:$0x1D980] =	vst v63  }
0x4b: {  	s25 =	simm.s32 $0x190  }
.LBB2_6:
0x4c: {  	_ =	swait.ge [sflag:s28], $0x2800  }
0x4d: {  	[sflag:s28] =	ssyncset.done $0x0  }
0x4e: {  	[sflag:s28] =	ssyncadd.s32 $0xFFFFD800  }
0x4f: {  	_ =	swait.ge [sflag:s8], $0x50  }
0x50: {  	[sflag:s8] =	ssyncset.done $0x0  }
0x51: {  	[sflag:s8] =	ssyncadd.s32 $0xFFFFFFB0  }
0x52: {  	[spmem:s2] =	stream.indirect.scatter.add.f32 [tilespmem:s31], [sflag:$0x7], $0x80, s29, s30, $0xb8;
	[tilespmem:$0x1D980] =	vst v63  }
0x53: {  	_ =	swait.ge [sflag:s26], $0x2800  }
0x54: {  	s4 =	sadd.s32 s24, s18;
	[sflag:s26] =	ssyncset.done $0x0  }
0x55: {  	s10 =	sadd.s32 $0x1E, s4;
	[sflag:s26] =	ssyncadd.s32 $0xFFFFD800  }
0x56: {  	[tilespmem:s29], [sflag:$0x4] =	stream.linear.gather [hbm4b:s10+s3], $0x50, $0x38;
	[tilespmem:$0x1D980] =	vst v63  }
0x57: {  	s10 =	sadd.s32 $0xFFFFFF60, s25  }
0x58: {  	[tilespmem:s31], [sflag:$0x1] =	stream.indirect.gather [hbm4b:s17+s30], $0x80, s10, s30, $0xb8;
	[tilespmem:$0x1D980] =	vst v63  }
0x59: {  	_ =	swait.ge [sflag:s6], $0x2800  }
0x5a: {  	[sflag:s6] =	ssyncset.done $0x0  }
0x5b: {  	[sflag:s6] =	ssyncadd.s32 $0xFFFFD800  }
0x5c: {  	_ =	swait.ge [sflag:s9], $0x50  }
0x5d: {  	[sflag:s9] =	ssyncset.done $0x0  }
0x5e: {  	[sflag:s9] =	ssyncadd.s32 $0xFFFFFFB0  }
0x5f: {  	[spmem:s2] =	stream.indirect.scatter.add.f32 [tilespmem:s1], [sflag:$0x7], $0x80, s0, s30, $0xb8;
	[tilespmem:$0x1D980] =	vst v63  }
0x60: {  	_ =	swait.ge [sflag:s26], $0x2800  }
0x61: {  	[sflag:s26] =	ssyncset.done $0x0  }
0x62: {  	s10 =	sadd.s32 $0x28, s4;
	[sflag:s26] =	ssyncadd.s32 $0xFFFFD800  }
0x63: {  	[tilespmem:s0], [sflag:$0x5] =	stream.linear.gather [hbm4b:s10+s3], $0x50, $0x38;
	[tilespmem:$0x1D980] =	vst v63  }
0x64: {  	s10 =	sadd.s32 $0xFFFFFFB0, s25  }
0x65: {  	[tilespmem:s1], [sflag:$0x2] =	stream.indirect.gather [hbm4b:s17+s30], $0x80, s10, s30, $0xb8;
	[tilespmem:$0x1D980] =	vst v63  }
0x66: {  	_ =	swait.ge [sflag:s7], $0x2800  }
0x67: {  	[sflag:s7] =	ssyncset.done $0x0  }
0x68: {  	[sflag:s7] =	ssyncadd.s32 $0xFFFFD800  }
0x69: {  	_ =	swait.ge [sflag:s14], $0x50  }
0x6a: {  	p3 =	seq.s32 s24, $0x4B0;
	[sflag:s14] =	ssyncset.done $0x0  }
.Ltmp6:
0x6b: {  	[sflag:s14] =	ssyncadd.s32 $0xFFFFFFB0;
	(pc) =	sbr.rel @p3 .LBB2_8-.Ltmp6, $4  }
0x6c: {  	[spmem:s2] =	stream.indirect.scatter.add.f32 [tilespmem:s5], [sflag:$0x7], $0x80, s23, s30, $0xb8;
	[tilespmem:$0x1D980] =	vst v63  }
0x6d: {  	_ =	swait.ge [sflag:s26], $0x2800  }
0x6e: {  	[sflag:s26] =	ssyncset.done $0x0  }
0x6f: {  	[sflag:s26] =	ssyncadd.s32 $0xFFFFD800  }
.Ltmp7:
0x70: {  	s4 =	sadd.s32 $0x32, s4;
	(pc) =	sbr.rel .LBB2_6-.Ltmp7, $4  }
0x71: {  	[tilespmem:s23], [sflag:$0x6] =	stream.linear.gather [hbm4b:s4+s3], $0x50, $0x38;
	[tilespmem:$0x1D980] =	vst v63  }
0x72: {  	_ = 	snop  }
0x73: {  	[tilespmem:s5], [sflag:$0x3] =	stream.indirect.gather [hbm4b:s17+s30], $0x80, s25, s30, $0xb8;
	[tilespmem:$0x1D980] =	vst v63  }
0x74: {  	s24 =	sadd.s32 $0x1E, s24;
	s25 =	sadd.s32 $0xF0, s25  }
.LBB2_8:
0x75: {  	_ =	swait.ge [sflag:s28], $0x2800  }
0x76: {  	[sflag:s28] =	ssyncset.done $0x0  }
0x77: {  	[sflag:s28] =	ssyncadd.s32 $0xFFFFD800  }
0x78: {  	_ =	swait.ge [sflag:s8], $0x50  }
0x79: {  	[sflag:s8] =	ssyncset.done $0x0  }
0x7a: {  	[sflag:s8] =	ssyncadd.s32 $0xFFFFFFB0  }
0x7b: {  	[spmem:s2] =	stream.indirect.scatter.add.f32 [tilespmem:s31], [sflag:$0x7], $0x80, s29, s30, $0xb8;
	[tilespmem:$0x1D980] =	vst v63  }
0x7c: {  	_ =	swait.ge [sflag:s26], $0x2800  }
0x7d: {  	[sflag:s26] =	ssyncset.done $0x0  }
0x7e: {  	[sflag:s26] =	ssyncadd.s32 $0xFFFFD800  }
0x7f: {  	_ =	swait.ge [sflag:s6], $0x2800  }
0x80: {  	[sflag:s6] =	ssyncset.done $0x0  }
0x81: {  	[sflag:s6] =	ssyncadd.s32 $0xFFFFD800  }
0x82: {  	_ =	swait.ge [sflag:s9], $0x50  }
0x83: {  	[sflag:s9] =	ssyncset.done $0x0  }
0x84: {  	[sflag:s9] =	ssyncadd.s32 $0xFFFFFFB0  }
0x85: {  	[spmem:s2] =	stream.indirect.scatter.add.f32 [tilespmem:s1], [sflag:$0x7], $0x80, s0, s30, $0xb8;
	[tilespmem:$0x1D980] =	vst v63  }
.Ltmp8:
0x86: {  	_ =	swait.ge [sflag:s26], $0x2800;
	(pc) =	sbr.rel @p0 .LBB2_10-.Ltmp8, $4  }
0x87: {  	[sflag:s26] =	ssyncset.done $0x0  }
0x88: {  	[sflag:s26] =	ssyncadd.s32 $0xFFFFD800  }
0x89: {  	[bflag:$0x0] =	sbarrier.arrive $0xFFFF  }
0x8a: {  	s4 =	sor.u32 $0x1C07, s19  }
0x8b: {  	s4 =	sor.u32 $0x1C07, s19;
	s10 =	rddreg [dreg:$0xb]  }
0x8c: {  	[hbm:s10], [sflag:s4] =	dma.local [spmem:s21], $0x2700  }
.Ltmp9:
0x8d: {  	_ = 	snop;
	(pc) =	sbr.rel @p1 .LBB2_11-.Ltmp9, $4  }
.Ltmp10:
0x8e: {  	_ = 	snop;
	(pc) =	sbr.rel @!p1 .LBB2_12-.Ltmp10, $4  }
0x8f: {  	_ =	swait.ge [sflag:s26], $0x2700  }
0x90: {  	[sflag:s26] =	ssyncset.done $0x0  }
0x91: {  	s24 =	rddreg [dreg:$0x5];
	[sflag:s26] =	ssyncadd.s32 $0xFFFFD900  }
0x92: {  	_ = 	snop  }
.LBB2_10:
0x93: {  	s10 =	rddreg [dreg:$0xa]  }
0x94: {  	[hbm:s10], [sflag:s4] =	dma.local [spmem:s21], $0x2700  }
.Ltmp11:
0x95: {  	_ = 	snop;
	(pc) =	sbr.rel @p2 .LBB2_12-.Ltmp11, $4  }
.Ltmp12:
0x96: {  	_ = 	snop;
	(pc) =	sbr.rel @!p2 .LBB2_11-.Ltmp12, $4  }
0x97: {  	_ =	swait.ge [sflag:s26], $0x2700  }
0x98: {  	[sflag:s26] =	ssyncset.done $0x0  }
0x99: {  	s24 =	rddreg [dreg:$0x6];
	[sflag:s26] =	ssyncadd.s32 $0xFFFFD900  }
0x9a: {  	_ = 	snop  }
.LBB2_13:
0x9b: {  	_ =	sfence.sel $0x180000  }
0x9c: {  	[bflag:$0x0] =	sbarrier.arrive $0xFFFF  }
0x9d: {  	_ =	strace $0x90000047  }
0x9e: {  	s0 =	stileid.u32;
	[bflag:$0x2] =	sbarrier.arrive $0xFFFF  }
0x9f: {  	p0 =	sne.s32 s0, $0x0;
	s0 =	rddreg [dreg:$0x2]  }
0xa0: {  	s0 =	sadd.s32 @!p0 $0x100000, s0  }
0xa1: {  	[sflag:s0] =	ssyncadd.tile.s32 @!p0 $0x1;
	_ =	shalt  }
.Lfunc_end2:
_tile_overlayer_lowered:
.L_overlay_start_2:
0xa2: {  	(tag) =	ssettag $0x2  }
0xa3: {  	s0 =	rddreg [dreg:$0x0];
	s2 =	stileid.u32  }
0xa4: {  	s1 =	rddreg [dreg:$0x1];
	p0 =	sne.s32 s2, $0x0  }
0xa5: {  	s3 =	rddreg [dreg:$0x2];
	[bflag:$0x3] =	sbarrier.arrive $0xFFFF;
	s2 =	simm.s32 @!p0 $0x1C07  }
0xa6: {  	[timem:s3], [sflag:s2] =	dma.local @!p0 [hbm:s0], s1  }
0xa7: {  	s0 =	simm.s32 @!p0 $0x7  }
0xa8: {  	_ =	swait.ge @!p0 [sflag:s0], s1  }
0xa9: {  	s1 =	ssub.s32 @!p0 $0x0, s1;
	[sflag:s0] =	ssyncset.done @!p0 $0x0  }
0xaa: {  	[sflag:s0] =	ssyncadd.s32 @!p0 s1  }
0xab: {  	[bflag:$0x3] =	sbarrier.arrive $0xFFFF  }
0xac: {  	_ =	shalt  }

</sc_bundles>
